<compile_context>
chip_gen: v7x
topology: tpu7x:2x2x1
jax: 0.10.2.dev20260603
libtpu: 0.0.44.dev20260713+nightly
codegen_flags: <defaults>
</compile_context>

<pallas_src>
import functools

import jax
import jax.numpy as jnp
from jax import lax
from jax.experimental import pallas as pl
from jax.experimental.pallas import tpu as pltpu
from jax.experimental.pallas import tpu_sc as plsc

N = 10000
E = 320000
F = 128
NS = 16
PE_T = 20480
CHUNKS = 160
C = 128
PE = NS * PE_T
DUMP = N
AGGR = 10048
AGGR_T = AGGR // NS
DEGT = 10048
DEGT_T = DEGT // NS

_mesh = plsc.VectorSubcoreMesh(core_axis_name="c", subcore_axis_name="s")


@functools.partial(
    pl.kernel,
    mesh=_mesh,
    compiler_params=pltpu.CompilerParams(use_tc_tiling_on_sc=False),
    out_type=jax.ShapeDtypeStruct((2, DEGT, 16), jnp.float32),
    scratch_types=[
        pltpu.VMEM((CHUNKS, C), jnp.int32),
        pltpu.VMEM((CHUNKS, C), jnp.int32),
        pltpu.VMEM((C, 16), jnp.float32),
        pltpu.VMEM((C, 16), jnp.float32),
        pltpu.VMEM_SHARED((DEGT, 16), jnp.float32),
        pltpu.SemaphoreType.DMA,
        pltpu.SemaphoreType.DMA,
    ],
)
def _deg_kernel(srcd_h, dstd_h, z_h, ones_lo_h, ones_hi_h, out_h,
                sidx_v, didx_v, olo_v, ohi_v, spd, sso, ssi):
    c = lax.axis_index("c")
    s = lax.axis_index("s")
    pltpu.sync_copy(srcd_h.at[c, s], sidx_v)
    pltpu.sync_copy(dstd_h.at[c, s], didx_v)
    pltpu.sync_copy(ones_lo_h, olo_v)
    pltpu.sync_copy(ones_hi_h, ohi_v)
    pltpu.sync_copy(z_h, spd.at[pl.ds(s * DEGT_T, DEGT_T)])
    plsc.subcore_barrier()

    K = 4
    for k in range(K):
        pltpu.async_copy(olo_v, spd.at[sidx_v.at[k]], sso, add=True)
        pltpu.async_copy(ohi_v, spd.at[didx_v.at[k]], ssi, add=True)

    def body(g, carry):
        pltpu.make_async_copy(olo_v, spd.at[sidx_v.at[g]], sso).wait()
        pltpu.make_async_copy(ohi_v, spd.at[didx_v.at[g]], ssi).wait()
        pltpu.async_copy(olo_v, spd.at[sidx_v.at[g + K]], sso, add=True)
        pltpu.async_copy(ohi_v, spd.at[didx_v.at[g + K]], ssi, add=True)
        return carry

    lax.fori_loop(0, CHUNKS - K, body, 0)
    for g in range(CHUNKS - K, CHUNKS):
        pltpu.make_async_copy(olo_v, spd.at[sidx_v.at[g]], sso).wait()
        pltpu.make_async_copy(ohi_v, spd.at[didx_v.at[g]], ssi).wait()
    plsc.subcore_barrier()
    pltpu.sync_copy(spd.at[pl.ds(s * DEGT_T, DEGT_T)],
                    out_h.at[c, pl.ds(s * DEGT_T, DEGT_T)])


@functools.partial(
    pl.kernel,
    mesh=_mesh,
    compiler_params=pltpu.CompilerParams(use_tc_tiling_on_sc=False),
    out_type=jax.ShapeDtypeStruct((2, AGGR, F), jnp.bfloat16),
    scratch_types=[
        pltpu.VMEM((CHUNKS, C), jnp.int32),
        pltpu.VMEM((CHUNKS, C), jnp.int32),
        pltpu.VMEM((C, F), jnp.bfloat16),
        pltpu.VMEM((C, F), jnp.bfloat16),
        pltpu.VMEM((C, F), jnp.bfloat16),
        pltpu.VMEM((C, F), jnp.bfloat16),
        pltpu.VMEM_SHARED((AGGR, F), jnp.bfloat16),
        pltpu.SemaphoreType.DMA,
        pltpu.SemaphoreType.DMA,
        pltpu.SemaphoreType.DMA,
        pltpu.SemaphoreType.DMA,
        pltpu.SemaphoreType.DMA,
        pltpu.SemaphoreType.DMA,
        pltpu.SemaphoreType.DMA,
        pltpu.SemaphoreType.DMA,
    ],
)
def _agg_kernel(hs_h, srcx_h, dstl_h, z_h, agg_h,
                sidx_v, didx_v, buf0, buf1, buf2, buf3, aggsp,
                gs0, gs1, gs2, gs3, ss0, ss1, ss2, ss3):
    c = lax.axis_index("c")
    s = lax.axis_index("s")
    pltpu.sync_copy(srcx_h.at[c, s], sidx_v)
    pltpu.sync_copy(dstl_h.at[c, s], didx_v)
    slab = pl.ds(s * AGGR_T, AGGR_T)
    bufs = (buf0, buf1, buf2, buf3)
    gsems = (gs0, gs1, gs2, gs3)
    ssems = (ss0, ss1, ss2, ss3)
    NB = 4
    R = CHUNKS // NB

    def wait_gather(b, g):
        pltpu.make_async_copy(hs_h.at[sidx_v.at[g]], bufs[b], gsems[b]).wait()

    def wait_scatter(b, g):
        pltpu.make_async_copy(bufs[b], aggsp.at[didx_v.at[g]], ssems[b]).wait()

    pltpu.sync_copy(z_h, aggsp.at[slab])
    plsc.subcore_barrier()

    for b in range(NB):
        pltpu.async_copy(hs_h.at[sidx_v.at[b]], bufs[b], gsems[b])

    def round_body(r, carry):
        g0 = r * NB
        for b in range(NB):
            wait_gather(b, g0 + b)
            pltpu.async_copy(bufs[b], aggsp.at[didx_v.at[g0 + b]],
                             ssems[b], add=True)
        for b in range(NB):
            wait_scatter(b, g0 + b)
            pltpu.async_copy(hs_h.at[sidx_v.at[g0 + NB + b]], bufs[b],
                             gsems[b])
        return carry

    lax.fori_loop(0, R - 1, round_body, 0)
    g0 = (R - 1) * NB
    for b in range(NB):
        wait_gather(b, g0 + b)
        pltpu.async_copy(bufs[b], aggsp.at[didx_v.at[g0 + b]],
                         ssems[b], add=True)
    for b in range(NB):
        wait_scatter(b, g0 + b)

    plsc.subcore_barrier()
    pltpu.sync_copy(aggsp.at[slab], agg_h.at[c, slab])


def _scale1_body(u_ref, dego_ref, w_ref, o_ref):
    d = dego_ref[...]
    ns = jnp.where(d > 0, lax.rsqrt(jnp.maximum(d, 1e-9)), 0.0)
    h = jnp.dot(u_ref[...], w_ref[...], preferred_element_type=jnp.float32)
    o_ref[...] = (h * ns).astype(jnp.bfloat16)


def _scale1(u, dego, w1):
    blk = 2000
    return pl.pallas_call(
        _scale1_body,
        grid=(2 * N // blk,),
        in_specs=[
            pl.BlockSpec((blk, F), lambda i: (i, 0)),
            pl.BlockSpec((blk, 1), lambda i: (i, 0)),
            pl.BlockSpec((F, F), lambda i: (0, 0)),
        ],
        out_specs=pl.BlockSpec((blk, F), lambda i: (i, 0)),
        out_shape=jax.ShapeDtypeStruct((2 * N, F), jnp.bfloat16),
    )(u, dego, w1)


def _prep2_body(agg_ref, degi_ref, dego_ref, b1_ref, w2_ref, o_ref):
    di = degi_ref[...]
    nd = jnp.where(di > 0, lax.rsqrt(jnp.maximum(di, 1e-9)), 0.0)
    do = dego_ref[...]
    ns = jnp.where(do > 0, lax.rsqrt(jnp.maximum(do, 1e-9)), 0.0)
    agg = agg_ref[...].astype(jnp.float32)
    h = jnp.maximum(agg * nd + b1_ref[...], 0.0)
    h = jnp.dot(h, w2_ref[...], preferred_element_type=jnp.float32) * ns
    o_ref[...] = h.astype(jnp.bfloat16)


def _prep2(agg, degi, dego, b1, w2):
    blk = 2000
    return pl.pallas_call(
        _prep2_body,
        grid=(2 * N // blk,),
        in_specs=[
            pl.BlockSpec((None, blk, F), lambda i: (i // 5, i % 5, 0)),
            pl.BlockSpec((blk, 1), lambda i: (i, 0)),
            pl.BlockSpec((blk, 1), lambda i: (i, 0)),
            pl.BlockSpec((1, F), lambda i: (0, 0)),
            pl.BlockSpec((F, F), lambda i: (0, 0)),
        ],
        out_specs=pl.BlockSpec((blk, F), lambda i: (i, 0)),
        out_shape=jax.ShapeDtypeStruct((2 * N, F), jnp.bfloat16),
    )(agg, degi, dego, b1, w2)


def _final_body(agg_ref, degi_ref, b2_ref, lw1_ref, lb1_ref,
                lw2_ref, lb2_ref, lw3_ref, lb3_ref, o_ref, acc_ref):
    i = pl.program_id(0)
    nblk = pl.num_programs(0)

    @pl.when(i == 0)
    def _init():
        acc_ref[...] = jnp.zeros_like(acc_ref)

    di = degi_ref[...]
    nd = jnp.where(di > 0, lax.rsqrt(jnp.maximum(di, 1e-9)), 0.0)
    agg = agg_ref[...].astype(jnp.float32)
    h = jnp.maximum(agg * nd + b2_ref[...], 0.0)
    part = jnp.sum(h, axis=0, keepdims=True)
    g = i // (nblk // 2)
    rowmask = (lax.broadcasted_iota(jnp.int32, (8, 1), 0) == g)
    acc_ref[...] += jnp.where(rowmask, part, 0.0)

    @pl.when(i == nblk - 1)
    def _head():
        m1 = acc_ref[0:1, :] * (1.0 / N)
        m2 = acc_ref[1:2, :] * (1.0 / N)
        hg = m1 * m2
        l1 = jnp.dot(hg, lw1_ref[...], preferred_element_type=jnp.float32) + lb1_ref[...]
        l2 = jnp.dot(l1, lw2_ref[...], preferred_element_type=jnp.float32) + lb2_ref[...]
        l3 = jnp.dot(l2, lw3_ref[...], preferred_element_type=jnp.float32) + lb3_ref[...]
        o_ref[...] = jax.nn.softmax(l3, axis=-1)


def _final(agg, degi, b2, lw1, lb1, lw2, lb2, lw3, lb3):
    blk = 2000
    return pl.pallas_call(
        _final_body,
        grid=(2 * N // blk,),
        in_specs=[
            pl.BlockSpec((None, blk, F), lambda i: (i // 5, i % 5, 0)),
            pl.BlockSpec((blk, 1), lambda i: (i, 0)),
            pl.BlockSpec((1, F), lambda i: (0, 0)),
            pl.BlockSpec((F, 512), lambda i: (0, 0)),
            pl.BlockSpec((1, 512), lambda i: (0, 0)),
            pl.BlockSpec((512, F), lambda i: (0, 0)),
            pl.BlockSpec((1, F), lambda i: (0, 0)),
            pl.BlockSpec((F, 2), lambda i: (0, 0)),
            pl.BlockSpec((1, 2), lambda i: (0, 0)),
        ],
        out_specs=pl.BlockSpec((1, 2), lambda i: (0, 0)),
        out_shape=jax.ShapeDtypeStruct((1, 2), jnp.float32),
        scratch_shapes=[pltpu.VMEM((8, F), jnp.float32)],
    )(agg, degi, b2, lw1, lb1, lw2, lb2, lw3, lb3)


def _padv(a, v):
    return jnp.concatenate([a, jnp.full((PE - E,), v, jnp.int32)])


def kernel(fea1, fea2, edge_index1, edge_index2, W1, b1, W2, b2,
           lw1, lb1, lw2, lb2, lw3, lb3):
    s1, d1 = edge_index1[0], edge_index1[1]
    s2, d2 = edge_index2[0], edge_index2[1]

    srcd = jnp.stack([_padv(s1, DUMP), _padv(s2, DUMP)]).reshape(2, NS, CHUNKS, C)
    srcx = jnp.stack([_padv(s1, 0), _padv(s2, 0) + N]).reshape(2, NS, CHUNKS, C)
    dstl = jnp.stack([_padv(d1, DUMP), _padv(d2, DUMP)]).reshape(2, NS, CHUNKS, C)

    zdeg = jnp.zeros((DEGT_T, 16), jnp.float32)
    ones8 = jnp.ones((C, 8), jnp.float32)
    zero8 = jnp.zeros((C, 8), jnp.float32)
    ones_lo = jnp.concatenate([ones8, zero8], axis=1)
    ones_hi = jnp.concatenate([zero8, ones8], axis=1)
    zagg = jnp.zeros((AGGR_T, F), jnp.bfloat16)

    degs = _deg_kernel(srcd, dstl, zdeg, ones_lo, ones_hi)
    dego = jnp.concatenate([degs[0, :N, 0], degs[1, :N, 0]]).reshape(2 * N, 1)
    degi = jnp.concatenate([degs[0, :N, 8], degs[1, :N, 8]]).reshape(2 * N, 1)

    x = jnp.concatenate([fea1, fea2], axis=0)
    hs1 = _scale1(x, dego, W1)
    a1 = _agg_kernel(hs1, srcx, dstl, zagg)
    hs2 = _prep2(a1, degi, dego, b1.reshape(1, F), W2)
    a2 = _agg_kernel(hs2, srcx, dstl, zagg)
    return _final(a2, degi, b2.reshape(1, F), lw1,
                  lb1.reshape(1, 512), lw2, lb2.reshape(1, F),
                  lw3, lb3.reshape(1, 2))

# --- scband reference (transcript-rebuilt; emitter-appended) ---
"""Pipeline reference for scband-my-gcn-11690900980297 (READ-ONLY COPY).

The authoritative reference and input builder live on the scoring server;
editing this copy changes nothing except your own understanding.
"""

import jax, jax.numpy as jnp
import numpy as np

N, E, F, H = 10000, 320000, 128, 128


def gcn_conv(x, src, dst, W, b):
    n = x.shape[0]
    deg_out = jnp.zeros((n,), x.dtype).at[src].add(1.0)
    deg_in = jnp.zeros((n,), x.dtype).at[dst].add(1.0)
    ns = jnp.where(deg_out > 0, jax.lax.rsqrt(jnp.maximum(deg_out, 1e-9)), 0.0)
    nd = jnp.where(deg_in > 0, jax.lax.rsqrt(jnp.maximum(deg_in, 1e-9)), 0.0)
    h = x @ W
    h = h * ns[:, None]
    agg = jnp.zeros_like(h).at[dst].add(h[src])
    return agg * nd[:, None] + b


def setup_inputs(seed: int = 0):
    key = jax.random.key(seed)
    ks = jax.random.split(key, 16)
    inp = {}
    inp['fea1'] = jax.random.normal(ks[0], (N, F), dtype=jnp.float32)
    inp['fea2'] = jax.random.normal(ks[1], (N, F), dtype=jnp.float32)
    inp['edge_index1'] = jax.random.randint(ks[2], (2, E), 0, N, dtype=jnp.int32)
    inp['edge_index2'] = jax.random.randint(ks[3], (2, E), 0, N, dtype=jnp.int32)
    # GraphConv weights (shared out1, out2 applied to both graphs)
    inp['W1'] = jax.random.normal(ks[4], (F, H), dtype=jnp.float32) * (1.0 / np.sqrt(F))
    inp['b1'] = jnp.zeros((H,), dtype=jnp.float32)
    inp['W2'] = jax.random.normal(ks[5], (H, H), dtype=jnp.float32) * (1.0 / np.sqrt(H))
    inp['b2'] = jnp.zeros((H,), dtype=jnp.float32)
    # MLP head: l1 (H->512), l2 (512->128), l3 (128->2)
    inp['lw1'] = jax.random.normal(ks[6], (H, 512), dtype=jnp.float32) * (1.0 / np.sqrt(H))
    inp['lb1'] = jnp.zeros((512,), dtype=jnp.float32)
    inp['lw2'] = jax.random.normal(ks[7], (512, 128), dtype=jnp.float32) * (1.0 / np.sqrt(512))
    inp['lb2'] = jnp.zeros((128,), dtype=jnp.float32)
    inp['lw3'] = jax.random.normal(ks[8], (128, 2), dtype=jnp.float32) * (1.0 / np.sqrt(128))
    inp['lb3'] = jnp.zeros((2,), dtype=jnp.float32)
    return inp


def reference(fea1, fea2, edge_index1, edge_index2, W1, b1, W2, b2, lw1, lb1, lw2, lb2, lw3, lb3):
    s1, d1 = edge_index1[0], edge_index1[1]
    s2, d2 = edge_index2[0], edge_index2[1]
    h1 = jax.nn.relu(gcn_conv(fea1, s1, d1, W1, b1))
    h2 = jax.nn.relu(gcn_conv(fea2, s2, d2, W1, b1))
    h1 = jax.nn.relu(gcn_conv(h1, s1, d1, W2, b2))
    h2 = jax.nn.relu(gcn_conv(h2, s2, d2, W2, b2))
    hg1 = jnp.mean(h1, axis=0, keepdims=True)  # dgl.mean_nodes (single graph)
    hg2 = jnp.mean(h2, axis=0, keepdims=True)
    hg = hg1 * hg2
    l1 = hg @ lw1 + lb1
    l2 = l1 @ lw2 + lb2
    l3 = jax.nn.softmax(l2 @ lw3 + lb3, axis=-1)
    return l3

if __name__ == "__main__":
    import jax
    _d = setup_inputs()
    print(jax.jit(kernel)(*tuple(_d.values())))

</pallas_src>

<mosaic_0001>
#map = affine_map<(d0, d1) -> (0, 0, 0, 0)>
#map1 = affine_map<(d0, d1) -> (0, 0)>
#map2 = affine_map<(d0, d1) -> (0, 0, 0)>
module attributes {stable_mosaic.version = 14 : i64} {
  func.func @_deg_kernel(%arg0: i32, %arg1: i32, %arg2: memref<2x16x160x128xi32, #tpu.memory_space<hbm>>, %arg3: memref<2x16x160x128xi32, #tpu.memory_space<hbm>>, %arg4: memref<628x16xf32, #tpu.memory_space<hbm>>, %arg5: memref<128x16xf32, #tpu.memory_space<hbm>>, %arg6: memref<128x16xf32, #tpu.memory_space<hbm>>, %arg7: memref<2x10048x16xf32, #tpu.memory_space<hbm>>, %arg8: memref<160x128xi32, #tpu.memory_space<vmem>>, %arg9: memref<160x128xi32, #tpu.memory_space<vmem>>, %arg10: memref<128x16xf32, #tpu.memory_space<vmem>>, %arg11: memref<128x16xf32, #tpu.memory_space<vmem>>, %arg12: memref<10048x16xf32, #tpu.memory_space<vmem_shared>>, %arg13: memref<!tpu.dma_semaphore, #tpu.memory_space<semaphore_mem>>, %arg14: memref<!tpu.dma_semaphore, #tpu.memory_space<semaphore_mem>>) attributes {dimension_semantics = [#tpu.dimension_semantics<core_parallel>, #tpu.dimension_semantics<subcore_parallel>], iteration_bounds = array<i64: 2, 16>, scalar_prefetch = 0 : i64, scratch_operands = 7 : i64, tpu.core_type = #tpu.core_type<sc_vector_subcore>, window_params = [{transform_indices = #map}, {transform_indices = #map}, {transform_indices = #map1}, {transform_indices = #map1}, {transform_indices = #map1}, {transform_indices = #map2}]} {
    "tpu.region"() ({
      %run_scoped3A = tpu.sem_alloc : memref<!tpu.dma_semaphore, #tpu.memory_space<semaphore_mem>>
      %dma_start3A_121 = arith.constant 0 : i32
      %dma_start3A_122 = arith.constant 0 : i32
      %dma_start3A_123 = tpu.memref_slice %arg2[%arg0, %arg1, %dma_start3A_121, %dma_start3A_122] : memref<2x16x160x128xi32, #tpu.memory_space<hbm>> -> memref<1x1x160x128xi32, #tpu.memory_space<hbm>>
      %dma_start3A_124 = tpu.memref_squeeze %dma_start3A_123 : memref<1x1x160x128xi32, #tpu.memory_space<hbm>> -> memref<160x128xi32, #tpu.memory_space<hbm>>
      %dma_start3A_125 = arith.constant 0 : i32
      %dma_start3A_126 = arith.constant 0 : i32
      %dma_start3A_127 = tpu.memref_slice %arg2[%arg0, %arg1, %dma_start3A_125, %dma_start3A_126] : memref<2x16x160x128xi32, #tpu.memory_space<hbm>> -> memref<1x1x160x128xi32, #tpu.memory_space<hbm>>
      %dma_start3A_128 = tpu.memref_squeeze %dma_start3A_127 : memref<1x1x160x128xi32, #tpu.memory_space<hbm>> -> memref<160x128xi32, #tpu.memory_space<hbm>>
      tpu.enqueue_dma source(%dma_start3A_128 : memref<160x128xi32, #tpu.memory_space<hbm>>) target(%arg8 : memref<160x128xi32, #tpu.memory_space<vmem>>) target_semaphore(%run_scoped3A : memref<!tpu.dma_semaphore, #tpu.memory_space<semaphore_mem>>)
      %dma_wait3A_129 = arith.constant 0 : i32
      %dma_wait3A_130 = arith.constant 0 : i32
      %dma_wait3A_131 = tpu.memref_slice %arg2[%arg0, %arg1, %dma_wait3A_129, %dma_wait3A_130] : memref<2x16x160x128xi32, #tpu.memory_space<hbm>> -> memref<1x1x160x128xi32, #tpu.memory_space<hbm>>
      %dma_wait3A_132 = tpu.memref_squeeze %dma_wait3A_131 : memref<1x1x160x128xi32, #tpu.memory_space<hbm>> -> memref<160x128xi32, #tpu.memory_space<hbm>>
      %dma_wait3A_133 = arith.constant 0 : i32
      %dma_wait3A_134 = arith.constant 0 : i32
      %dma_wait3A_135 = tpu.memref_slice %arg2[%arg0, %arg1, %dma_wait3A_133, %dma_wait3A_134] : memref<2x16x160x128xi32, #tpu.memory_space<hbm>> -> memref<1x1x160x128xi32, #tpu.memory_space<hbm>>
      %dma_wait3A_136 = tpu.memref_squeeze %dma_wait3A_135 : memref<1x1x160x128xi32, #tpu.memory_space<hbm>> -> memref<160x128xi32, #tpu.memory_space<hbm>>
      tpu.wait_dma2 semaphore(%run_scoped3A : memref<!tpu.dma_semaphore, #tpu.memory_space<semaphore_mem>>) src(%dma_wait3A_136 : memref<160x128xi32, #tpu.memory_space<hbm>>) dst(%arg8 : memref<160x128xi32, #tpu.memory_space<vmem>>)
      tpu.yield
    }) : () -> ()
    "tpu.region"() ({
      %run_scoped3A = tpu.sem_alloc : memref<!tpu.dma_semaphore, #tpu.memory_space<semaphore_mem>>
      %dma_start3A_121 = arith.constant 0 : i32
      %dma_start3A_122 = arith.constant 0 : i32
      %dma_start3A_123 = tpu.memref_slice %arg3[%arg0, %arg1, %dma_start3A_121, %dma_start3A_122] : memref<2x16x160x128xi32, #tpu.memory_space<hbm>> -> memref<1x1x160x128xi32, #tpu.memory_space<hbm>>
      %dma_start3A_124 = tpu.memref_squeeze %dma_start3A_123 : memref<1x1x160x128xi32, #tpu.memory_space<hbm>> -> memref<160x128xi32, #tpu.memory_space<hbm>>
      %dma_start3A_125 = arith.constant 0 : i32
      %dma_start3A_126 = arith.constant 0 : i32
      %dma_start3A_127 = tpu.memref_slice %arg3[%arg0, %arg1, %dma_start3A_125, %dma_start3A_126] : memref<2x16x160x128xi32, #tpu.memory_space<hbm>> -> memref<1x1x160x128xi32, #tpu.memory_space<hbm>>
      %dma_start3A_128 = tpu.memref_squeeze %dma_start3A_127 : memref<1x1x160x128xi32, #tpu.memory_space<hbm>> -> memref<160x128xi32, #tpu.memory_space<hbm>>
      tpu.enqueue_dma source(%dma_start3A_128 : memref<160x128xi32, #tpu.memory_space<hbm>>) target(%arg9 : memref<160x128xi32, #tpu.memory_space<vmem>>) target_semaphore(%run_scoped3A : memref<!tpu.dma_semaphore, #tpu.memory_space<semaphore_mem>>)
      %dma_wait3A_129 = arith.constant 0 : i32
      %dma_wait3A_130 = arith.constant 0 : i32
      %dma_wait3A_131 = tpu.memref_slice %arg3[%arg0, %arg1, %dma_wait3A_129, %dma_wait3A_130] : memref<2x16x160x128xi32, #tpu.memory_space<hbm>> -> memref<1x1x160x128xi32, #tpu.memory_space<hbm>>
      %dma_wait3A_132 = tpu.memref_squeeze %dma_wait3A_131 : memref<1x1x160x128xi32, #tpu.memory_space<hbm>> -> memref<160x128xi32, #tpu.memory_space<hbm>>
      %dma_wait3A_133 = arith.constant 0 : i32
      %dma_wait3A_134 = arith.constant 0 : i32
      %dma_wait3A_135 = tpu.memref_slice %arg3[%arg0, %arg1, %dma_wait3A_133, %dma_wait3A_134] : memref<2x16x160x128xi32, #tpu.memory_space<hbm>> -> memref<1x1x160x128xi32, #tpu.memory_space<hbm>>
      %dma_wait3A_136 = tpu.memref_squeeze %dma_wait3A_135 : memref<1x1x160x128xi32, #tpu.memory_space<hbm>> -> memref<160x128xi32, #tpu.memory_space<hbm>>
      tpu.wait_dma2 semaphore(%run_scoped3A : memref<!tpu.dma_semaphore, #tpu.memory_space<semaphore_mem>>) src(%dma_wait3A_136 : memref<160x128xi32, #tpu.memory_space<hbm>>) dst(%arg9 : memref<160x128xi32, #tpu.memory_space<vmem>>)
      tpu.yield
    }) : () -> ()
    "tpu.region"() ({
      %run_scoped3A = tpu.sem_alloc : memref<!tpu.dma_semaphore, #tpu.memory_space<semaphore_mem>>
      tpu.enqueue_dma source(%arg5 : memref<128x16xf32, #tpu.memory_space<hbm>>) target(%arg10 : memref<128x16xf32, #tpu.memory_space<vmem>>) target_semaphore(%run_scoped3A : memref<!tpu.dma_semaphore, #tpu.memory_space<semaphore_mem>>)
      tpu.wait_dma2 semaphore(%run_scoped3A : memref<!tpu.dma_semaphore, #tpu.memory_space<semaphore_mem>>) src(%arg5 : memref<128x16xf32, #tpu.memory_space<hbm>>) dst(%arg10 : memref<128x16xf32, #tpu.memory_space<vmem>>)
      tpu.yield
    }) : () -> ()
    "tpu.region"() ({
      %run_scoped3A = tpu.sem_alloc : memref<!tpu.dma_semaphore, #tpu.memory_space<semaphore_mem>>
      tpu.enqueue_dma source(%arg6 : memref<128x16xf32, #tpu.memory_space<hbm>>) target(%arg11 : memref<128x16xf32, #tpu.memory_space<vmem>>) target_semaphore(%run_scoped3A : memref<!tpu.dma_semaphore, #tpu.memory_space<semaphore_mem>>)
      tpu.wait_dma2 semaphore(%run_scoped3A : memref<!tpu.dma_semaphore, #tpu.memory_space<semaphore_mem>>) src(%arg6 : memref<128x16xf32, #tpu.memory_space<hbm>>) dst(%arg11 : memref<128x16xf32, #tpu.memory_space<vmem>>)
      tpu.yield
    }) : () -> ()
    %mul3A = arith.constant 628 : i32
    %mul3A_0 = arith.muli %arg1, %mul3A : i32
    "tpu.region"() ({
      %run_scoped3A = tpu.sem_alloc : memref<!tpu.dma_semaphore, #tpu.memory_space<semaphore_mem>>
      %dma_start3A_121 = arith.constant 0 : i32
      %dma_start3A_122 = tpu.memref_slice %arg12[%mul3A_0, %dma_start3A_121] : memref<10048x16xf32, #tpu.memory_space<vmem_shared>> -> memref<628x16xf32, #tpu.memory_space<vmem_shared>>
      tpu.enqueue_dma source(%arg4 : memref<628x16xf32, #tpu.memory_space<hbm>>) target(%dma_start3A_122 : memref<628x16xf32, #tpu.memory_space<vmem_shared>>) target_semaphore(%run_scoped3A : memref<!tpu.dma_semaphore, #tpu.memory_space<semaphore_mem>>)
      %dma_wait3A_123 = arith.constant 0 : i32
      %dma_wait3A_124 = tpu.memref_slice %arg12[%mul3A_0, %dma_wait3A_123] : memref<10048x16xf32, #tpu.memory_space<vmem_shared>> -> memref<628x16xf32, #tpu.memory_space<vmem_shared>>
      tpu.wait_dma2 semaphore(%run_scoped3A : memref<!tpu.dma_semaphore, #tpu.memory_space<semaphore_mem>>) src(%arg4 : memref<628x16xf32, #tpu.memory_space<hbm>>) dst(%dma_wait3A_124 : memref<628x16xf32, #tpu.memory_space<vmem_shared>>)
      tpu.yield
    }) : () -> ()
    %barrier3A = arith.constant 0 : index
    tpu.barrier barrier_id(%barrier3A)
    %dma_start3A = arith.constant 0 : i32
    %dma_start3A_1 = arith.constant 0 : i32
    %dma_start3A_2 = tpu.memref_slice %arg8[%dma_start3A, %dma_start3A_1] : memref<160x128xi32, #tpu.memory_space<vmem>> -> memref<1x128xi32, #tpu.memory_space<vmem>>
    %dma_start3A_3 = tpu.memref_squeeze %dma_start3A_2 : memref<1x128xi32, #tpu.memory_space<vmem>> -> memref<128xi32, #tpu.memory_space<vmem>>
    %dma_start3A_4 = arith.constant 0 : i32
    %dma_start3A_5 = arith.constant 0 : i32
    %dma_start3A_6 = tpu.memref_slice %arg12[%dma_start3A_4, %dma_start3A_5] : memref<10048x16xf32, #tpu.memory_space<vmem_shared>> -> memref<10048x16xf32, #tpu.memory_space<vmem_shared>>
    tpu.enqueue_indirect_dma source(%arg10 : memref<128x16xf32, #tpu.memory_space<vmem>>) target(%dma_start3A_6 : memref<10048x16xf32, #tpu.memory_space<vmem_shared>>) offsets(%dma_start3A_3 : memref<128xi32, #tpu.memory_space<vmem>>) semaphore(%arg13 : memref<!tpu.dma_semaphore, #tpu.memory_space<semaphore_mem>>) {add = true}
    %dma_start3A_7 = arith.constant 0 : i32
    %dma_start3A_8 = arith.constant 0 : i32
    %dma_start3A_9 = tpu.memref_slice %arg9[%dma_start3A_7, %dma_start3A_8] : memref<160x128xi32, #tpu.memory_space<vmem>> -> memref<1x128xi32, #tpu.memory_space<vmem>>
    %dma_start3A_10 = tpu.memref_squeeze %dma_start3A_9 : memref<1x128xi32, #tpu.memory_space<vmem>> -> memref<128xi32, #tpu.memory_space<vmem>>
    %dma_start3A_11 = arith.constant 0 : i32
    %dma_start3A_12 = arith.constant 0 : i32
    %dma_start3A_13 = tpu.memref_slice %arg12[%dma_start3A_11, %dma_start3A_12] : memref<10048x16xf32, #tpu.memory_space<vmem_shared>> -> memref<10048x16xf32, #tpu.memory_space<vmem_shared>>
    tpu.enqueue_indirect_dma source(%arg11 : memref<128x16xf32, #tpu.memory_space<vmem>>) target(%dma_start3A_13 : memref<10048x16xf32, #tpu.memory_space<vmem_shared>>) offsets(%dma_start3A_10 : memref<128xi32, #tpu.memory_space<vmem>>) semaphore(%arg14 : memref<!tpu.dma_semaphore, #tpu.memory_space<semaphore_mem>>) {add = true}
    %dma_start3A_14 = arith.constant 1 : i32
    %dma_start3A_15 = arith.constant 0 : i32
    %dma_start3A_16 = tpu.memref_slice %arg8[%dma_start3A_14, %dma_start3A_15] : memref<160x128xi32, #tpu.memory_space<vmem>> -> memref<1x128xi32, #tpu.memory_space<vmem>>
    %dma_start3A_17 = tpu.memref_squeeze %dma_start3A_16 : memref<1x128xi32, #tpu.memory_space<vmem>> -> memref<128xi32, #tpu.memory_space<vmem>>
    %dma_start3A_18 = arith.constant 0 : i32
    %dma_start3A_19 = arith.constant 0 : i32
    %dma_start3A_20 = tpu.memref_slice %arg12[%dma_start3A_18, %dma_start3A_19] : memref<10048x16xf32, #tpu.memory_space<vmem_shared>> -> memref<10048x16xf32, #tpu.memory_space<vmem_shared>>
    tpu.enqueue_indirect_dma source(%arg10 : memref<128x16xf32, #tpu.memory_space<vmem>>) target(%dma_start3A_20 : memref<10048x16xf32, #tpu.memory_space<vmem_shared>>) offsets(%dma_start3A_17 : memref<128xi32, #tpu.memory_space<vmem>>) semaphore(%arg13 : memref<!tpu.dma_semaphore, #tpu.memory_space<semaphore_mem>>) {add = true}
    %dma_start3A_21 = arith.constant 1 : i32
    %dma_start3A_22 = arith.constant 0 : i32
    %dma_start3A_23 = tpu.memref_slice %arg9[%dma_start3A_21, %dma_start3A_22] : memref<160x128xi32, #tpu.memory_space<vmem>> -> memref<1x128xi32, #tpu.memory_space<vmem>>
    %dma_start3A_24 = tpu.memref_squeeze %dma_start3A_23 : memref<1x128xi32, #tpu.memory_space<vmem>> -> memref<128xi32, #tpu.memory_space<vmem>>
    %dma_start3A_25 = arith.constant 0 : i32
    %dma_start3A_26 = arith.constant 0 : i32
    %dma_start3A_27 = tpu.memref_slice %arg12[%dma_start3A_25, %dma_start3A_26] : memref<10048x16xf32, #tpu.memory_space<vmem_shared>> -> memref<10048x16xf32, #tpu.memory_space<vmem_shared>>
    tpu.enqueue_indirect_dma source(%arg11 : memref<128x16xf32, #tpu.memory_space<vmem>>) target(%dma_start3A_27 : memref<10048x16xf32, #tpu.memory_space<vmem_shared>>) offsets(%dma_start3A_24 : memref<128xi32, #tpu.memory_space<vmem>>) semaphore(%arg14 : memref<!tpu.dma_semaphore, #tpu.memory_space<semaphore_mem>>) {add = true}
    %dma_start3A_28 = arith.constant 2 : i32
    %dma_start3A_29 = arith.constant 0 : i32
    %dma_start3A_30 = tpu.memref_slice %arg8[%dma_start3A_28, %dma_start3A_29] : memref<160x128xi32, #tpu.memory_space<vmem>> -> memref<1x128xi32, #tpu.memory_space<vmem>>
    %dma_start3A_31 = tpu.memref_squeeze %dma_start3A_30 : memref<1x128xi32, #tpu.memory_space<vmem>> -> memref<128xi32, #tpu.memory_space<vmem>>
    %dma_start3A_32 = arith.constant 0 : i32
    %dma_start3A_33 = arith.constant 0 : i32
    %dma_start3A_34 = tpu.memref_slice %arg12[%dma_start3A_32, %dma_start3A_33] : memref<10048x16xf32, #tpu.memory_space<vmem_shared>> -> memref<10048x16xf32, #tpu.memory_space<vmem_shared>>
    tpu.enqueue_indirect_dma source(%arg10 : memref<128x16xf32, #tpu.memory_space<vmem>>) target(%dma_start3A_34 : memref<10048x16xf32, #tpu.memory_space<vmem_shared>>) offsets(%dma_start3A_31 : memref<128xi32, #tpu.memory_space<vmem>>) semaphore(%arg13 : memref<!tpu.dma_semaphore, #tpu.memory_space<semaphore_mem>>) {add = true}
    %dma_start3A_35 = arith.constant 2 : i32
    %dma_start3A_36 = arith.constant 0 : i32
    %dma_start3A_37 = tpu.memref_slice %arg9[%dma_start3A_35, %dma_start3A_36] : memref<160x128xi32, #tpu.memory_space<vmem>> -> memref<1x128xi32, #tpu.memory_space<vmem>>
    %dma_start3A_38 = tpu.memref_squeeze %dma_start3A_37 : memref<1x128xi32, #tpu.memory_space<vmem>> -> memref<128xi32, #tpu.memory_space<vmem>>
    %dma_start3A_39 = arith.constant 0 : i32
    %dma_start3A_40 = arith.constant 0 : i32
    %dma_start3A_41 = tpu.memref_slice %arg12[%dma_start3A_39, %dma_start3A_40] : memref<10048x16xf32, #tpu.memory_space<vmem_shared>> -> memref<10048x16xf32, #tpu.memory_space<vmem_shared>>
    tpu.enqueue_indirect_dma source(%arg11 : memref<128x16xf32, #tpu.memory_space<vmem>>) target(%dma_start3A_41 : memref<10048x16xf32, #tpu.memory_space<vmem_shared>>) offsets(%dma_start3A_38 : memref<128xi32, #tpu.memory_space<vmem>>) semaphore(%arg14 : memref<!tpu.dma_semaphore, #tpu.memory_space<semaphore_mem>>) {add = true}
    %dma_start3A_42 = arith.constant 3 : i32
    %dma_start3A_43 = arith.constant 0 : i32
    %dma_start3A_44 = tpu.memref_slice %arg8[%dma_start3A_42, %dma_start3A_43] : memref<160x128xi32, #tpu.memory_space<vmem>> -> memref<1x128xi32, #tpu.memory_space<vmem>>
    %dma_start3A_45 = tpu.memref_squeeze %dma_start3A_44 : memref<1x128xi32, #tpu.memory_space<vmem>> -> memref<128xi32, #tpu.memory_space<vmem>>
    %dma_start3A_46 = arith.constant 0 : i32
    %dma_start3A_47 = arith.constant 0 : i32
    %dma_start3A_48 = tpu.memref_slice %arg12[%dma_start3A_46, %dma_start3A_47] : memref<10048x16xf32, #tpu.memory_space<vmem_shared>> -> memref<10048x16xf32, #tpu.memory_space<vmem_shared>>
    tpu.enqueue_indirect_dma source(%arg10 : memref<128x16xf32, #tpu.memory_space<vmem>>) target(%dma_start3A_48 : memref<10048x16xf32, #tpu.memory_space<vmem_shared>>) offsets(%dma_start3A_45 : memref<128xi32, #tpu.memory_space<vmem>>) semaphore(%arg13 : memref<!tpu.dma_semaphore, #tpu.memory_space<semaphore_mem>>) {add = true}
    %dma_start3A_49 = arith.constant 3 : i32
    %dma_start3A_50 = arith.constant 0 : i32
    %dma_start3A_51 = tpu.memref_slice %arg9[%dma_start3A_49, %dma_start3A_50] : memref<160x128xi32, #tpu.memory_space<vmem>> -> memref<1x128xi32, #tpu.memory_space<vmem>>
    %dma_start3A_52 = tpu.memref_squeeze %dma_start3A_51 : memref<1x128xi32, #tpu.memory_space<vmem>> -> memref<128xi32, #tpu.memory_space<vmem>>
    %dma_start3A_53 = arith.constant 0 : i32
    %dma_start3A_54 = arith.constant 0 : i32
    %dma_start3A_55 = tpu.memref_slice %arg12[%dma_start3A_53, %dma_start3A_54] : memref<10048x16xf32, #tpu.memory_space<vmem_shared>> -> memref<10048x16xf32, #tpu.memory_space<vmem_shared>>
    tpu.enqueue_indirect_dma source(%arg11 : memref<128x16xf32, #tpu.memory_space<vmem>>) target(%dma_start3A_55 : memref<10048x16xf32, #tpu.memory_space<vmem_shared>>) offsets(%dma_start3A_52 : memref<128xi32, #tpu.memory_space<vmem>>) semaphore(%arg14 : memref<!tpu.dma_semaphore, #tpu.memory_space<semaphore_mem>>) {add = true}
    %scan3A = arith.constant 0 : i32
    %scan3A_56 = arith.constant 0 : i32
    %scan3A_57 = arith.constant 156 : i32
    %scan3A_58 = arith.addi %scan3A_56, %scan3A_57 : i32
    %scan3A_59 = arith.constant 1 : i32
    scf.for %scan3A_121 = %scan3A_56 to %scan3A_58 step %scan3A_59  : i32 {
      %dma_wait3A_122 = arith.constant 0 : i32
      %dma_wait3A_123 = tpu.memref_slice %arg8[%scan3A_121, %dma_wait3A_122] : memref<160x128xi32, #tpu.memory_space<vmem>> -> memref<1x128xi32, #tpu.memory_space<vmem>>
      %dma_wait3A_124 = tpu.memref_squeeze %dma_wait3A_123 : memref<1x128xi32, #tpu.memory_space<vmem>> -> memref<128xi32, #tpu.memory_space<vmem>>
      %dma_wait3A_125 = arith.constant 0 : i32
      %dma_wait3A_126 = arith.constant 0 : i32
      %dma_wait3A_127 = tpu.memref_slice %arg12[%dma_wait3A_125, %dma_wait3A_126] : memref<10048x16xf32, #tpu.memory_space<vmem_shared>> -> memref<10048x16xf32, #tpu.memory_space<vmem_shared>>
      tpu.wait_indirect_dma semaphore(%arg13 : memref<!tpu.dma_semaphore, #tpu.memory_space<semaphore_mem>>) src(%arg10 : memref<128x16xf32, #tpu.memory_space<vmem>>) dst(%dma_wait3A_127 : memref<10048x16xf32, #tpu.memory_space<vmem_shared>>)
      %dma_wait3A_128 = arith.constant 0 : i32
      %dma_wait3A_129 = tpu.memref_slice %arg9[%scan3A_121, %dma_wait3A_128] : memref<160x128xi32, #tpu.memory_space<vmem>> -> memref<1x128xi32, #tpu.memory_space<vmem>>
      %dma_wait3A_130 = tpu.memref_squeeze %dma_wait3A_129 : memref<1x128xi32, #tpu.memory_space<vmem>> -> memref<128xi32, #tpu.memory_space<vmem>>
      %dma_wait3A_131 = arith.constant 0 : i32
      %dma_wait3A_132 = arith.constant 0 : i32
      %dma_wait3A_133 = tpu.memref_slice %arg12[%dma_wait3A_131, %dma_wait3A_132] : memref<10048x16xf32, #tpu.memory_space<vmem_shared>> -> memref<10048x16xf32, #tpu.memory_space<vmem_shared>>
      tpu.wait_indirect_dma semaphore(%arg14 : memref<!tpu.dma_semaphore, #tpu.memory_space<semaphore_mem>>) src(%arg11 : memref<128x16xf32, #tpu.memory_space<vmem>>) dst(%dma_wait3A_133 : memref<10048x16xf32, #tpu.memory_space<vmem_shared>>)
      %add3A = arith.constant 4 : i32
      %add3A_134 = arith.addi %scan3A_121, %add3A : i32
      %dma_start3A_135 = arith.constant 0 : i32
      %dma_start3A_136 = tpu.memref_slice %arg8[%add3A_134, %dma_start3A_135] : memref<160x128xi32, #tpu.memory_space<vmem>> -> memref<1x128xi32, #tpu.memory_space<vmem>>
      %dma_start3A_137 = tpu.memref_squeeze %dma_start3A_136 : memref<1x128xi32, #tpu.memory_space<vmem>> -> memref<128xi32, #tpu.memory_space<vmem>>
      %dma_start3A_138 = arith.constant 0 : i32
      %dma_start3A_139 = arith.constant 0 : i32
      %dma_start3A_140 = tpu.memref_slice %arg12[%dma_start3A_138, %dma_start3A_139] : memref<10048x16xf32, #tpu.memory_space<vmem_shared>> -> memref<10048x16xf32, #tpu.memory_space<vmem_shared>>
      tpu.enqueue_indirect_dma source(%arg10 : memref<128x16xf32, #tpu.memory_space<vmem>>) target(%dma_start3A_140 : memref<10048x16xf32, #tpu.memory_space<vmem_shared>>) offsets(%dma_start3A_137 : memref<128xi32, #tpu.memory_space<vmem>>) semaphore(%arg13 : memref<!tpu.dma_semaphore, #tpu.memory_space<semaphore_mem>>) {add = true}
      %add3A_141 = arith.constant 4 : i32
      %add3A_142 = arith.addi %scan3A_121, %add3A_141 : i32
      %dma_start3A_143 = arith.constant 0 : i32
      %dma_start3A_144 = tpu.memref_slice %arg9[%add3A_142, %dma_start3A_143] : memref<160x128xi32, #tpu.memory_space<vmem>> -> memref<1x128xi32, #tpu.memory_space<vmem>>
      %dma_start3A_145 = tpu.memref_squeeze %dma_start3A_144 : memref<1x128xi32, #tpu.memory_space<vmem>> -> memref<128xi32, #tpu.memory_space<vmem>>
      %dma_start3A_146 = arith.constant 0 : i32
      %dma_start3A_147 = arith.constant 0 : i32
      %dma_start3A_148 = tpu.memref_slice %arg12[%dma_start3A_146, %dma_start3A_147] : memref<10048x16xf32, #tpu.memory_space<vmem_shared>> -> memref<10048x16xf32, #tpu.memory_space<vmem_shared>>
      tpu.enqueue_indirect_dma source(%arg11 : memref<128x16xf32, #tpu.memory_space<vmem>>) target(%dma_start3A_148 : memref<10048x16xf32, #tpu.memory_space<vmem_shared>>) offsets(%dma_start3A_145 : memref<128xi32, #tpu.memory_space<vmem>>) semaphore(%arg14 : memref<!tpu.dma_semaphore, #tpu.memory_space<semaphore_mem>>) {add = true}
    }
    %scan3A_60 = arith.constant 156 : i32
    %dma_wait3A = arith.constant 156 : i32
    %dma_wait3A_61 = arith.constant 0 : i32
    %dma_wait3A_62 = tpu.memref_slice %arg8[%dma_wait3A, %dma_wait3A_61] : memref<160x128xi32, #tpu.memory_space<vmem>> -> memref<1x128xi32, #tpu.memory_space<vmem>>
    %dma_wait3A_63 = tpu.memref_squeeze %dma_wait3A_62 : memref<1x128xi32, #tpu.memory_space<vmem>> -> memref<128xi32, #tpu.memory_space<vmem>>
    %dma_wait3A_64 = arith.constant 0 : i32
    %dma_wait3A_65 = arith.constant 0 : i32
    %dma_wait3A_66 = tpu.memref_slice %arg12[%dma_wait3A_64, %dma_wait3A_65] : memref<10048x16xf32, #tpu.memory_space<vmem_shared>> -> memref<10048x16xf32, #tpu.memory_space<vmem_shared>>
    tpu.wait_indirect_dma semaphore(%arg13 : memref<!tpu.dma_semaphore, #tpu.memory_space<semaphore_mem>>) src(%arg10 : memref<128x16xf32, #tpu.memory_space<vmem>>) dst(%dma_wait3A_66 : memref<10048x16xf32, #tpu.memory_space<vmem_shared>>)
    %dma_wait3A_67 = arith.constant 156 : i32
    %dma_wait3A_68 = arith.constant 0 : i32
    %dma_wait3A_69 = tpu.memref_slice %arg9[%dma_wait3A_67, %dma_wait3A_68] : memref<160x128xi32, #tpu.memory_space<vmem>> -> memref<1x128xi32, #tpu.memory_space<vmem>>
    %dma_wait3A_70 = tpu.memref_squeeze %dma_wait3A_69 : memref<1x128xi32, #tpu.memory_space<vmem>> -> memref<128xi32, #tpu.memory_space<vmem>>
    %dma_wait3A_71 = arith.constant 0 : i32
    %dma_wait3A_72 = arith.constant 0 : i32
    %dma_wait3A_73 = tpu.memref_slice %arg12[%dma_wait3A_71, %dma_wait3A_72] : memref<10048x16xf32, #tpu.memory_space<vmem_shared>> -> memref<10048x16xf32, #tpu.memory_space<vmem_shared>>
    tpu.wait_indirect_dma semaphore(%arg14 : memref<!tpu.dma_semaphore, #tpu.memory_space<semaphore_mem>>) src(%arg11 : memref<128x16xf32, #tpu.memory_space<vmem>>) dst(%dma_wait3A_73 : memref<10048x16xf32, #tpu.memory_space<vmem_shared>>)
    %dma_wait3A_74 = arith.constant 157 : i32
    %dma_wait3A_75 = arith.constant 0 : i32
    %dma_wait3A_76 = tpu.memref_slice %arg8[%dma_wait3A_74, %dma_wait3A_75] : memref<160x128xi32, #tpu.memory_space<vmem>> -> memref<1x128xi32, #tpu.memory_space<vmem>>
    %dma_wait3A_77 = tpu.memref_squeeze %dma_wait3A_76 : memref<1x128xi32, #tpu.memory_space<vmem>> -> memref<128xi32, #tpu.memory_space<vmem>>
    %dma_wait3A_78 = arith.constant 0 : i32
    %dma_wait3A_79 = arith.constant 0 : i32
    %dma_wait3A_80 = tpu.memref_slice %arg12[%dma_wait3A_78, %dma_wait3A_79] : memref<10048x16xf32, #tpu.memory_space<vmem_shared>> -> memref<10048x16xf32, #tpu.memory_space<vmem_shared>>
    tpu.wait_indirect_dma semaphore(%arg13 : memref<!tpu.dma_semaphore, #tpu.memory_space<semaphore_mem>>) src(%arg10 : memref<128x16xf32, #tpu.memory_space<vmem>>) dst(%dma_wait3A_80 : memref<10048x16xf32, #tpu.memory_space<vmem_shared>>)
    %dma_wait3A_81 = arith.constant 157 : i32
    %dma_wait3A_82 = arith.constant 0 : i32
    %dma_wait3A_83 = tpu.memref_slice %arg9[%dma_wait3A_81, %dma_wait3A_82] : memref<160x128xi32, #tpu.memory_space<vmem>> -> memref<1x128xi32, #tpu.memory_space<vmem>>
    %dma_wait3A_84 = tpu.memref_squeeze %dma_wait3A_83 : memref<1x128xi32, #tpu.memory_space<vmem>> -> memref<128xi32, #tpu.memory_space<vmem>>
    %dma_wait3A_85 = arith.constant 0 : i32
    %dma_wait3A_86 = arith.constant 0 : i32
    %dma_wait3A_87 = tpu.memref_slice %arg12[%dma_wait3A_85, %dma_wait3A_86] : memref<10048x16xf32, #tpu.memory_space<vmem_shared>> -> memref<10048x16xf32, #tpu.memory_space<vmem_shared>>
    tpu.wait_indirect_dma semaphore(%arg14 : memref<!tpu.dma_semaphore, #tpu.memory_space<semaphore_mem>>) src(%arg11 : memref<128x16xf32, #tpu.memory_space<vmem>>) dst(%dma_wait3A_87 : memref<10048x16xf32, #tpu.memory_space<vmem_shared>>)
    %dma_wait3A_88 = arith.constant 158 : i32
    %dma_wait3A_89 = arith.constant 0 : i32
    %dma_wait3A_90 = tpu.memref_slice %arg8[%dma_wait3A_88, %dma_wait3A_89] : memref<160x128xi32, #tpu.memory_space<vmem>> -> memref<1x128xi32, #tpu.memory_space<vmem>>
    %dma_wait3A_91 = tpu.memref_squeeze %dma_wait3A_90 : memref<1x128xi32, #tpu.memory_space<vmem>> -> memref<128xi32, #tpu.memory_space<vmem>>
    %dma_wait3A_92 = arith.constant 0 : i32
    %dma_wait3A_93 = arith.constant 0 : i32
    %dma_wait3A_94 = tpu.memref_slice %arg12[%dma_wait3A_92, %dma_wait3A_93] : memref<10048x16xf32, #tpu.memory_space<vmem_shared>> -> memref<10048x16xf32, #tpu.memory_space<vmem_shared>>
    tpu.wait_indirect_dma semaphore(%arg13 : memref<!tpu.dma_semaphore, #tpu.memory_space<semaphore_mem>>) src(%arg10 : memref<128x16xf32, #tpu.memory_space<vmem>>) dst(%dma_wait3A_94 : memref<10048x16xf32, #tpu.memory_space<vmem_shared>>)
    %dma_wait3A_95 = arith.constant 158 : i32
    %dma_wait3A_96 = arith.constant 0 : i32
    %dma_wait3A_97 = tpu.memref_slice %arg9[%dma_wait3A_95, %dma_wait3A_96] : memref<160x128xi32, #tpu.memory_space<vmem>> -> memref<1x128xi32, #tpu.memory_space<vmem>>
    %dma_wait3A_98 = tpu.memref_squeeze %dma_wait3A_97 : memref<1x128xi32, #tpu.memory_space<vmem>> -> memref<128xi32, #tpu.memory_space<vmem>>
    %dma_wait3A_99 = arith.constant 0 : i32
    %dma_wait3A_100 = arith.constant 0 : i32
    %dma_wait3A_101 = tpu.memref_slice %arg12[%dma_wait3A_99, %dma_wait3A_100] : memref<10048x16xf32, #tpu.memory_space<vmem_shared>> -> memref<10048x16xf32, #tpu.memory_space<vmem_shared>>
    tpu.wait_indirect_dma semaphore(%arg14 : memref<!tpu.dma_semaphore, #tpu.memory_space<semaphore_mem>>) src(%arg11 : memref<128x16xf32, #tpu.memory_space<vmem>>) dst(%dma_wait3A_101 : memref<10048x16xf32, #tpu.memory_space<vmem_shared>>)
    %dma_wait3A_102 = arith.constant 159 : i32
    %dma_wait3A_103 = arith.constant 0 : i32
    %dma_wait3A_104 = tpu.memref_slice %arg8[%dma_wait3A_102, %dma_wait3A_103] : memref<160x128xi32, #tpu.memory_space<vmem>> -> memref<1x128xi32, #tpu.memory_space<vmem>>
    %dma_wait3A_105 = tpu.memref_squeeze %dma_wait3A_104 : memref<1x128xi32, #tpu.memory_space<vmem>> -> memref<128xi32, #tpu.memory_space<vmem>>
    %dma_wait3A_106 = arith.constant 0 : i32
    %dma_wait3A_107 = arith.constant 0 : i32
    %dma_wait3A_108 = tpu.memref_slice %arg12[%dma_wait3A_106, %dma_wait3A_107] : memref<10048x16xf32, #tpu.memory_space<vmem_shared>> -> memref<10048x16xf32, #tpu.memory_space<vmem_shared>>
    tpu.wait_indirect_dma semaphore(%arg13 : memref<!tpu.dma_semaphore, #tpu.memory_space<semaphore_mem>>) src(%arg10 : memref<128x16xf32, #tpu.memory_space<vmem>>) dst(%dma_wait3A_108 : memref<10048x16xf32, #tpu.memory_space<vmem_shared>>)
    %dma_wait3A_109 = arith.constant 159 : i32
    %dma_wait3A_110 = arith.constant 0 : i32
    %dma_wait3A_111 = tpu.memref_slice %arg9[%dma_wait3A_109, %dma_wait3A_110] : memref<160x128xi32, #tpu.memory_space<vmem>> -> memref<1x128xi32, #tpu.memory_space<vmem>>
    %dma_wait3A_112 = tpu.memref_squeeze %dma_wait3A_111 : memref<1x128xi32, #tpu.memory_space<vmem>> -> memref<128xi32, #tpu.memory_space<vmem>>
    %dma_wait3A_113 = arith.constant 0 : i32
    %dma_wait3A_114 = arith.constant 0 : i32
    %dma_wait3A_115 = tpu.memref_slice %arg12[%dma_wait3A_113, %dma_wait3A_114] : memref<10048x16xf32, #tpu.memory_space<vmem_shared>> -> memref<10048x16xf32, #tpu.memory_space<vmem_shared>>
    tpu.wait_indirect_dma semaphore(%arg14 : memref<!tpu.dma_semaphore, #tpu.memory_space<semaphore_mem>>) src(%arg11 : memref<128x16xf32, #tpu.memory_space<vmem>>) dst(%dma_wait3A_115 : memref<10048x16xf32, #tpu.memory_space<vmem_shared>>)
    %barrier3A_116 = arith.constant 0 : index
    tpu.barrier barrier_id(%barrier3A_116)
    %mul3A_117 = arith.constant 628 : i32
    %mul3A_118 = arith.muli %arg1, %mul3A_117 : i32
    %mul3A_119 = arith.constant 628 : i32
    %mul3A_120 = arith.muli %arg1, %mul3A_119 : i32
    "tpu.region"() ({
      %run_scoped3A = tpu.sem_alloc : memref<!tpu.dma_semaphore, #tpu.memory_space<semaphore_mem>>
      %dma_start3A_121 = arith.constant 0 : i32
      %dma_start3A_122 = tpu.memref_slice %arg7[%arg0, %mul3A_120, %dma_start3A_121] : memref<2x10048x16xf32, #tpu.memory_space<hbm>> -> memref<1x628x16xf32, #tpu.memory_space<hbm>>
      %dma_start3A_123 = tpu.memref_squeeze %dma_start3A_122 : memref<1x628x16xf32, #tpu.memory_space<hbm>> -> memref<628x16xf32, #tpu.memory_space<hbm>>
      %dma_start3A_124 = arith.constant 0 : i32
      %dma_start3A_125 = tpu.memref_slice %arg12[%mul3A_118, %dma_start3A_124] : memref<10048x16xf32, #tpu.memory_space<vmem_shared>> -> memref<628x16xf32, #tpu.memory_space<vmem_shared>>
      tpu.enqueue_dma source(%dma_start3A_125 : memref<628x16xf32, #tpu.memory_space<vmem_shared>>) target(%dma_start3A_123 : memref<628x16xf32, #tpu.memory_space<hbm>>) target_semaphore(%run_scoped3A : memref<!tpu.dma_semaphore, #tpu.memory_space<semaphore_mem>>)
      %dma_wait3A_126 = arith.constant 0 : i32
      %dma_wait3A_127 = tpu.memref_slice %arg7[%arg0, %mul3A_120, %dma_wait3A_126] : memref<2x10048x16xf32, #tpu.memory_space<hbm>> -> memref<1x628x16xf32, #tpu.memory_space<hbm>>
      %dma_wait3A_128 = tpu.memref_squeeze %dma_wait3A_127 : memref<1x628x16xf32, #tpu.memory_space<hbm>> -> memref<628x16xf32, #tpu.memory_space<hbm>>
      %dma_wait3A_129 = arith.constant 0 : i32
      %dma_wait3A_130 = tpu.memref_slice %arg12[%mul3A_118, %dma_wait3A_129] : memref<10048x16xf32, #tpu.memory_space<vmem_shared>> -> memref<628x16xf32, #tpu.memory_space<vmem_shared>>
      tpu.wait_dma2 semaphore(%run_scoped3A : memref<!tpu.dma_semaphore, #tpu.memory_space<semaphore_mem>>) src(%dma_wait3A_130 : memref<628x16xf32, #tpu.memory_space<vmem_shared>>) dst(%dma_wait3A_128 : memref<628x16xf32, #tpu.memory_space<hbm>>)
      tpu.yield
    }) : () -> ()
    return
  }
}

#map = affine_map<(d0, d1) -> (0, 0)>
#map1 = affine_map<(d0, d1) -> (0, 0, 0, 0)>
#map2 = affine_map<(d0, d1) -> (0, 0, 0)>
module attributes {stable_mosaic.version = 14 : i64} {
  func.func @_agg_kernel(%arg0: i32, %arg1: i32, %arg2: memref<20000x128xbf16, #tpu.memory_space<hbm>>, %arg3: memref<2x16x160x128xi32, #tpu.memory_space<hbm>>, %arg4: memref<2x16x160x128xi32, #tpu.memory_space<hbm>>, %arg5: memref<628x128xbf16, #tpu.memory_space<hbm>>, %arg6: memref<2x10048x128xbf16, #tpu.memory_space<hbm>>, %arg7: memref<160x128xi32, #tpu.memory_space<vmem>>, %arg8: memref<160x128xi32, #tpu.memory_space<vmem>>, %arg9: memref<128x128xbf16, #tpu.memory_space<vmem>>, %arg10: memref<128x128xbf16, #tpu.memory_space<vmem>>, %arg11: memref<128x128xbf16, #tpu.memory_space<vmem>>, %arg12: memref<128x128xbf16, #tpu.memory_space<vmem>>, %arg13: memref<10048x128xbf16, #tpu.memory_space<vmem_shared>>, %arg14: memref<!tpu.dma_semaphore, #tpu.memory_space<semaphore_mem>>, %arg15: memref<!tpu.dma_semaphore, #tpu.memory_space<semaphore_mem>>, %arg16: memref<!tpu.dma_semaphore, #tpu.memory_space<semaphore_mem>>, %arg17: memref<!tpu.dma_semaphore, #tpu.memory_space<semaphore_mem>>, %arg18: memref<!tpu.dma_semaphore, #tpu.memory_space<semaphore_mem>>, %arg19: memref<!tpu.dma_semaphore, #tpu.memory_space<semaphore_mem>>, %arg20: memref<!tpu.dma_semaphore, #tpu.memory_space<semaphore_mem>>, %arg21: memref<!tpu.dma_semaphore, #tpu.memory_space<semaphore_mem>>) attributes {dimension_semantics = [#tpu.dimension_semantics<core_parallel>, #tpu.dimension_semantics<subcore_parallel>], iteration_bounds = array<i64: 2, 16>, scalar_prefetch = 0 : i64, scratch_operands = 15 : i64, tpu.core_type = #tpu.core_type<sc_vector_subcore>, window_params = [{transform_indices = #map}, {transform_indices = #map1}, {transform_indices = #map1}, {transform_indices = #map}, {transform_indices = #map2}]} {
    "tpu.region"() ({
      %run_scoped3A = tpu.sem_alloc : memref<!tpu.dma_semaphore, #tpu.memory_space<semaphore_mem>>
      %dma_start3A_117 = arith.constant 0 : i32
      %dma_start3A_118 = arith.constant 0 : i32
      %dma_start3A_119 = tpu.memref_slice %arg3[%arg0, %arg1, %dma_start3A_117, %dma_start3A_118] : memref<2x16x160x128xi32, #tpu.memory_space<hbm>> -> memref<1x1x160x128xi32, #tpu.memory_space<hbm>>
      %dma_start3A_120 = tpu.memref_squeeze %dma_start3A_119 : memref<1x1x160x128xi32, #tpu.memory_space<hbm>> -> memref<160x128xi32, #tpu.memory_space<hbm>>
      %dma_start3A_121 = arith.constant 0 : i32
      %dma_start3A_122 = arith.constant 0 : i32
      %dma_start3A_123 = tpu.memref_slice %arg3[%arg0, %arg1, %dma_start3A_121, %dma_start3A_122] : memref<2x16x160x128xi32, #tpu.memory_space<hbm>> -> memref<1x1x160x128xi32, #tpu.memory_space<hbm>>
      %dma_start3A_124 = tpu.memref_squeeze %dma_start3A_123 : memref<1x1x160x128xi32, #tpu.memory_space<hbm>> -> memref<160x128xi32, #tpu.memory_space<hbm>>
      tpu.enqueue_dma source(%dma_start3A_124 : memref<160x128xi32, #tpu.memory_space<hbm>>) target(%arg7 : memref<160x128xi32, #tpu.memory_space<vmem>>) target_semaphore(%run_scoped3A : memref<!tpu.dma_semaphore, #tpu.memory_space<semaphore_mem>>)
      %dma_wait3A_125 = arith.constant 0 : i32
      %dma_wait3A_126 = arith.constant 0 : i32
      %dma_wait3A_127 = tpu.memref_slice %arg3[%arg0, %arg1, %dma_wait3A_125, %dma_wait3A_126] : memref<2x16x160x128xi32, #tpu.memory_space<hbm>> -> memref<1x1x160x128xi32, #tpu.memory_space<hbm>>
      %dma_wait3A_128 = tpu.memref_squeeze %dma_wait3A_127 : memref<1x1x160x128xi32, #tpu.memory_space<hbm>> -> memref<160x128xi32, #tpu.memory_space<hbm>>
      %dma_wait3A_129 = arith.constant 0 : i32
      %dma_wait3A_130 = arith.constant 0 : i32
      %dma_wait3A_131 = tpu.memref_slice %arg3[%arg0, %arg1, %dma_wait3A_129, %dma_wait3A_130] : memref<2x16x160x128xi32, #tpu.memory_space<hbm>> -> memref<1x1x160x128xi32, #tpu.memory_space<hbm>>
      %dma_wait3A_132 = tpu.memref_squeeze %dma_wait3A_131 : memref<1x1x160x128xi32, #tpu.memory_space<hbm>> -> memref<160x128xi32, #tpu.memory_space<hbm>>
      tpu.wait_dma2 semaphore(%run_scoped3A : memref<!tpu.dma_semaphore, #tpu.memory_space<semaphore_mem>>) src(%dma_wait3A_132 : memref<160x128xi32, #tpu.memory_space<hbm>>) dst(%arg7 : memref<160x128xi32, #tpu.memory_space<vmem>>)
      tpu.yield
    }) : () -> ()
    "tpu.region"() ({
      %run_scoped3A = tpu.sem_alloc : memref<!tpu.dma_semaphore, #tpu.memory_space<semaphore_mem>>
      %dma_start3A_117 = arith.constant 0 : i32
      %dma_start3A_118 = arith.constant 0 : i32
      %dma_start3A_119 = tpu.memref_slice %arg4[%arg0, %arg1, %dma_start3A_117, %dma_start3A_118] : memref<2x16x160x128xi32, #tpu.memory_space<hbm>> -> memref<1x1x160x128xi32, #tpu.memory_space<hbm>>
      %dma_start3A_120 = tpu.memref_squeeze %dma_start3A_119 : memref<1x1x160x128xi32, #tpu.memory_space<hbm>> -> memref<160x128xi32, #tpu.memory_space<hbm>>
      %dma_start3A_121 = arith.constant 0 : i32
      %dma_start3A_122 = arith.constant 0 : i32
      %dma_start3A_123 = tpu.memref_slice %arg4[%arg0, %arg1, %dma_start3A_121, %dma_start3A_122] : memref<2x16x160x128xi32, #tpu.memory_space<hbm>> -> memref<1x1x160x128xi32, #tpu.memory_space<hbm>>
      %dma_start3A_124 = tpu.memref_squeeze %dma_start3A_123 : memref<1x1x160x128xi32, #tpu.memory_space<hbm>> -> memref<160x128xi32, #tpu.memory_space<hbm>>
      tpu.enqueue_dma source(%dma_start3A_124 : memref<160x128xi32, #tpu.memory_space<hbm>>) target(%arg8 : memref<160x128xi32, #tpu.memory_space<vmem>>) target_semaphore(%run_scoped3A : memref<!tpu.dma_semaphore, #tpu.memory_space<semaphore_mem>>)
      %dma_wait3A_125 = arith.constant 0 : i32
      %dma_wait3A_126 = arith.constant 0 : i32
      %dma_wait3A_127 = tpu.memref_slice %arg4[%arg0, %arg1, %dma_wait3A_125, %dma_wait3A_126] : memref<2x16x160x128xi32, #tpu.memory_space<hbm>> -> memref<1x1x160x128xi32, #tpu.memory_space<hbm>>
      %dma_wait3A_128 = tpu.memref_squeeze %dma_wait3A_127 : memref<1x1x160x128xi32, #tpu.memory_space<hbm>> -> memref<160x128xi32, #tpu.memory_space<hbm>>
      %dma_wait3A_129 = arith.constant 0 : i32
      %dma_wait3A_130 = arith.constant 0 : i32
      %dma_wait3A_131 = tpu.memref_slice %arg4[%arg0, %arg1, %dma_wait3A_129, %dma_wait3A_130] : memref<2x16x160x128xi32, #tpu.memory_space<hbm>> -> memref<1x1x160x128xi32, #tpu.memory_space<hbm>>
      %dma_wait3A_132 = tpu.memref_squeeze %dma_wait3A_131 : memref<1x1x160x128xi32, #tpu.memory_space<hbm>> -> memref<160x128xi32, #tpu.memory_space<hbm>>
      tpu.wait_dma2 semaphore(%run_scoped3A : memref<!tpu.dma_semaphore, #tpu.memory_space<semaphore_mem>>) src(%dma_wait3A_132 : memref<160x128xi32, #tpu.memory_space<hbm>>) dst(%arg8 : memref<160x128xi32, #tpu.memory_space<vmem>>)
      tpu.yield
    }) : () -> ()
    %mul3A = arith.constant 628 : i32
    %mul3A_0 = arith.muli %arg1, %mul3A : i32
    "tpu.region"() ({
      %run_scoped3A = tpu.sem_alloc : memref<!tpu.dma_semaphore, #tpu.memory_space<semaphore_mem>>
      %dma_start3A_117 = arith.constant 0 : i32
      %dma_start3A_118 = tpu.memref_slice %arg13[%mul3A_0, %dma_start3A_117] : memref<10048x128xbf16, #tpu.memory_space<vmem_shared>> -> memref<628x128xbf16, #tpu.memory_space<vmem_shared>>
      tpu.enqueue_dma source(%arg5 : memref<628x128xbf16, #tpu.memory_space<hbm>>) target(%dma_start3A_118 : memref<628x128xbf16, #tpu.memory_space<vmem_shared>>) target_semaphore(%run_scoped3A : memref<!tpu.dma_semaphore, #tpu.memory_space<semaphore_mem>>)
      %dma_wait3A_119 = arith.constant 0 : i32
      %dma_wait3A_120 = tpu.memref_slice %arg13[%mul3A_0, %dma_wait3A_119] : memref<10048x128xbf16, #tpu.memory_space<vmem_shared>> -> memref<628x128xbf16, #tpu.memory_space<vmem_shared>>
      tpu.wait_dma2 semaphore(%run_scoped3A : memref<!tpu.dma_semaphore, #tpu.memory_space<semaphore_mem>>) src(%arg5 : memref<628x128xbf16, #tpu.memory_space<hbm>>) dst(%dma_wait3A_120 : memref<628x128xbf16, #tpu.memory_space<vmem_shared>>)
      tpu.yield
    }) : () -> ()
    %barrier3A = arith.constant 0 : index
    tpu.barrier barrier_id(%barrier3A)
    %dma_start3A = arith.constant 0 : i32
    %dma_start3A_1 = arith.constant 0 : i32
    %dma_start3A_2 = tpu.memref_slice %arg7[%dma_start3A, %dma_start3A_1] : memref<160x128xi32, #tpu.memory_space<vmem>> -> memref<1x128xi32, #tpu.memory_space<vmem>>
    %dma_start3A_3 = tpu.memref_squeeze %dma_start3A_2 : memref<1x128xi32, #tpu.memory_space<vmem>> -> memref<128xi32, #tpu.memory_space<vmem>>
    %dma_start3A_4 = arith.constant 0 : i32
    %dma_start3A_5 = arith.constant 0 : i32
    %dma_start3A_6 = tpu.memref_slice %arg2[%dma_start3A_4, %dma_start3A_5] : memref<20000x128xbf16, #tpu.memory_space<hbm>> -> memref<20000x128xbf16, #tpu.memory_space<hbm>>
    tpu.enqueue_indirect_dma source(%dma_start3A_6 : memref<20000x128xbf16, #tpu.memory_space<hbm>>) target(%arg9 : memref<128x128xbf16, #tpu.memory_space<vmem>>) offsets(%dma_start3A_3 : memref<128xi32, #tpu.memory_space<vmem>>) semaphore(%arg14 : memref<!tpu.dma_semaphore, #tpu.memory_space<semaphore_mem>>)
    %dma_start3A_7 = arith.constant 1 : i32
    %dma_start3A_8 = arith.constant 0 : i32
    %dma_start3A_9 = tpu.memref_slice %arg7[%dma_start3A_7, %dma_start3A_8] : memref<160x128xi32, #tpu.memory_space<vmem>> -> memref<1x128xi32, #tpu.memory_space<vmem>>
    %dma_start3A_10 = tpu.memref_squeeze %dma_start3A_9 : memref<1x128xi32, #tpu.memory_space<vmem>> -> memref<128xi32, #tpu.memory_space<vmem>>
    %dma_start3A_11 = arith.constant 0 : i32
    %dma_start3A_12 = arith.constant 0 : i32
    %dma_start3A_13 = tpu.memref_slice %arg2[%dma_start3A_11, %dma_start3A_12] : memref<20000x128xbf16, #tpu.memory_space<hbm>> -> memref<20000x128xbf16, #tpu.memory_space<hbm>>
    tpu.enqueue_indirect_dma source(%dma_start3A_13 : memref<20000x128xbf16, #tpu.memory_space<hbm>>) target(%arg10 : memref<128x128xbf16, #tpu.memory_space<vmem>>) offsets(%dma_start3A_10 : memref<128xi32, #tpu.memory_space<vmem>>) semaphore(%arg15 : memref<!tpu.dma_semaphore, #tpu.memory_space<semaphore_mem>>)
    %dma_start3A_14 = arith.constant 2 : i32
    %dma_start3A_15 = arith.constant 0 : i32
    %dma_start3A_16 = tpu.memref_slice %arg7[%dma_start3A_14, %dma_start3A_15] : memref<160x128xi32, #tpu.memory_space<vmem>> -> memref<1x128xi32, #tpu.memory_space<vmem>>
    %dma_start3A_17 = tpu.memref_squeeze %dma_start3A_16 : memref<1x128xi32, #tpu.memory_space<vmem>> -> memref<128xi32, #tpu.memory_space<vmem>>
    %dma_start3A_18 = arith.constant 0 : i32
    %dma_start3A_19 = arith.constant 0 : i32
    %dma_start3A_20 = tpu.memref_slice %arg2[%dma_start3A_18, %dma_start3A_19] : memref<20000x128xbf16, #tpu.memory_space<hbm>> -> memref<20000x128xbf16, #tpu.memory_space<hbm>>
    tpu.enqueue_indirect_dma source(%dma_start3A_20 : memref<20000x128xbf16, #tpu.memory_space<hbm>>) target(%arg11 : memref<128x128xbf16, #tpu.memory_space<vmem>>) offsets(%dma_start3A_17 : memref<128xi32, #tpu.memory_space<vmem>>) semaphore(%arg16 : memref<!tpu.dma_semaphore, #tpu.memory_space<semaphore_mem>>)
    %dma_start3A_21 = arith.constant 3 : i32
    %dma_start3A_22 = arith.constant 0 : i32
    %dma_start3A_23 = tpu.memref_slice %arg7[%dma_start3A_21, %dma_start3A_22] : memref<160x128xi32, #tpu.memory_space<vmem>> -> memref<1x128xi32, #tpu.memory_space<vmem>>
    %dma_start3A_24 = tpu.memref_squeeze %dma_start3A_23 : memref<1x128xi32, #tpu.memory_space<vmem>> -> memref<128xi32, #tpu.memory_space<vmem>>
    %dma_start3A_25 = arith.constant 0 : i32
    %dma_start3A_26 = arith.constant 0 : i32
    %dma_start3A_27 = tpu.memref_slice %arg2[%dma_start3A_25, %dma_start3A_26] : memref<20000x128xbf16, #tpu.memory_space<hbm>> -> memref<20000x128xbf16, #tpu.memory_space<hbm>>
    tpu.enqueue_indirect_dma source(%dma_start3A_27 : memref<20000x128xbf16, #tpu.memory_space<hbm>>) target(%arg12 : memref<128x128xbf16, #tpu.memory_space<vmem>>) offsets(%dma_start3A_24 : memref<128xi32, #tpu.memory_space<vmem>>) semaphore(%arg17 : memref<!tpu.dma_semaphore, #tpu.memory_space<semaphore_mem>>)
    %scan3A = arith.constant 0 : i32
    %scan3A_28 = arith.constant 0 : i32
    %scan3A_29 = arith.constant 39 : i32
    %scan3A_30 = arith.addi %scan3A_28, %scan3A_29 : i32
    %scan3A_31 = arith.constant 1 : i32
    scf.for %scan3A_117 = %scan3A_28 to %scan3A_30 step %scan3A_31  : i32 {
      %mul3A_118 = arith.constant 4 : i32
      %mul3A_119 = arith.muli %scan3A_117, %mul3A_118 : i32
      %add3A = arith.constant 0 : i32
      %add3A_120 = arith.addi %mul3A_119, %add3A : i32
      %dma_wait3A_121 = arith.constant 0 : i32
      %dma_wait3A_122 = tpu.memref_slice %arg7[%add3A_120, %dma_wait3A_121] : memref<160x128xi32, #tpu.memory_space<vmem>> -> memref<1x128xi32, #tpu.memory_space<vmem>>
      %dma_wait3A_123 = tpu.memref_squeeze %dma_wait3A_122 : memref<1x128xi32, #tpu.memory_space<vmem>> -> memref<128xi32, #tpu.memory_space<vmem>>
      %dma_wait3A_124 = arith.constant 0 : i32
      %dma_wait3A_125 = arith.constant 0 : i32
      %dma_wait3A_126 = tpu.memref_slice %arg2[%dma_wait3A_124, %dma_wait3A_125] : memref<20000x128xbf16, #tpu.memory_space<hbm>> -> memref<20000x128xbf16, #tpu.memory_space<hbm>>
      tpu.wait_indirect_dma semaphore(%arg14 : memref<!tpu.dma_semaphore, #tpu.memory_space<semaphore_mem>>) src(%dma_wait3A_126 : memref<20000x128xbf16, #tpu.memory_space<hbm>>) dst(%arg9 : memref<128x128xbf16, #tpu.memory_space<vmem>>)
      %add3A_127 = arith.constant 0 : i32
      %add3A_128 = arith.addi %mul3A_119, %add3A_127 : i32
      %dma_start3A_129 = arith.constant 0 : i32
      %dma_start3A_130 = tpu.memref_slice %arg8[%add3A_128, %dma_start3A_129] : memref<160x128xi32, #tpu.memory_space<vmem>> -> memref<1x128xi32, #tpu.memory_space<vmem>>
      %dma_start3A_131 = tpu.memref_squeeze %dma_start3A_130 : memref<1x128xi32, #tpu.memory_space<vmem>> -> memref<128xi32, #tpu.memory_space<vmem>>
      %dma_start3A_132 = arith.constant 0 : i32
      %dma_start3A_133 = arith.constant 0 : i32
      %dma_start3A_134 = tpu.memref_slice %arg13[%dma_start3A_132, %dma_start3A_133] : memref<10048x128xbf16, #tpu.memory_space<vmem_shared>> -> memref<10048x128xbf16, #tpu.memory_space<vmem_shared>>
      tpu.enqueue_indirect_dma source(%arg9 : memref<128x128xbf16, #tpu.memory_space<vmem>>) target(%dma_start3A_134 : memref<10048x128xbf16, #tpu.memory_space<vmem_shared>>) offsets(%dma_start3A_131 : memref<128xi32, #tpu.memory_space<vmem>>) semaphore(%arg18 : memref<!tpu.dma_semaphore, #tpu.memory_space<semaphore_mem>>) {add = true}
      %add3A_135 = arith.constant 1 : i32
      %add3A_136 = arith.addi %mul3A_119, %add3A_135 : i32
      %dma_wait3A_137 = arith.constant 0 : i32
      %dma_wait3A_138 = tpu.memref_slice %arg7[%add3A_136, %dma_wait3A_137] : memref<160x128xi32, #tpu.memory_space<vmem>> -> memref<1x128xi32, #tpu.memory_space<vmem>>
      %dma_wait3A_139 = tpu.memref_squeeze %dma_wait3A_138 : memref<1x128xi32, #tpu.memory_space<vmem>> -> memref<128xi32, #tpu.memory_space<vmem>>
      %dma_wait3A_140 = arith.constant 0 : i32
      %dma_wait3A_141 = arith.constant 0 : i32
      %dma_wait3A_142 = tpu.memref_slice %arg2[%dma_wait3A_140, %dma_wait3A_141] : memref<20000x128xbf16, #tpu.memory_space<hbm>> -> memref<20000x128xbf16, #tpu.memory_space<hbm>>
      tpu.wait_indirect_dma semaphore(%arg15 : memref<!tpu.dma_semaphore, #tpu.memory_space<semaphore_mem>>) src(%dma_wait3A_142 : memref<20000x128xbf16, #tpu.memory_space<hbm>>) dst(%arg10 : memref<128x128xbf16, #tpu.memory_space<vmem>>)
      %add3A_143 = arith.constant 1 : i32
      %add3A_144 = arith.addi %mul3A_119, %add3A_143 : i32
      %dma_start3A_145 = arith.constant 0 : i32
      %dma_start3A_146 = tpu.memref_slice %arg8[%add3A_144, %dma_start3A_145] : memref<160x128xi32, #tpu.memory_space<vmem>> -> memref<1x128xi32, #tpu.memory_space<vmem>>
      %dma_start3A_147 = tpu.memref_squeeze %dma_start3A_146 : memref<1x128xi32, #tpu.memory_space<vmem>> -> memref<128xi32, #tpu.memory_space<vmem>>
      %dma_start3A_148 = arith.constant 0 : i32
      %dma_start3A_149 = arith.constant 0 : i32
      %dma_start3A_150 = tpu.memref_slice %arg13[%dma_start3A_148, %dma_start3A_149] : memref<10048x128xbf16, #tpu.memory_space<vmem_shared>> -> memref<10048x128xbf16, #tpu.memory_space<vmem_shared>>
      tpu.enqueue_indirect_dma source(%arg10 : memref<128x128xbf16, #tpu.memory_space<vmem>>) target(%dma_start3A_150 : memref<10048x128xbf16, #tpu.memory_space<vmem_shared>>) offsets(%dma_start3A_147 : memref<128xi32, #tpu.memory_space<vmem>>) semaphore(%arg19 : memref<!tpu.dma_semaphore, #tpu.memory_space<semaphore_mem>>) {add = true}
      %add3A_151 = arith.constant 2 : i32
      %add3A_152 = arith.addi %mul3A_119, %add3A_151 : i32
      %dma_wait3A_153 = arith.constant 0 : i32
      %dma_wait3A_154 = tpu.memref_slice %arg7[%add3A_152, %dma_wait3A_153] : memref<160x128xi32, #tpu.memory_space<vmem>> -> memref<1x128xi32, #tpu.memory_space<vmem>>
      %dma_wait3A_155 = tpu.memref_squeeze %dma_wait3A_154 : memref<1x128xi32, #tpu.memory_space<vmem>> -> memref<128xi32, #tpu.memory_space<vmem>>
      %dma_wait3A_156 = arith.constant 0 : i32
      %dma_wait3A_157 = arith.constant 0 : i32
      %dma_wait3A_158 = tpu.memref_slice %arg2[%dma_wait3A_156, %dma_wait3A_157] : memref<20000x128xbf16, #tpu.memory_space<hbm>> -> memref<20000x128xbf16, #tpu.memory_space<hbm>>
      tpu.wait_indirect_dma semaphore(%arg16 : memref<!tpu.dma_semaphore, #tpu.memory_space<semaphore_mem>>) src(%dma_wait3A_158 : memref<20000x128xbf16, #tpu.memory_space<hbm>>) dst(%arg11 : memref<128x128xbf16, #tpu.memory_space<vmem>>)
      %add3A_159 = arith.constant 2 : i32
      %add3A_160 = arith.addi %mul3A_119, %add3A_159 : i32
      %dma_start3A_161 = arith.constant 0 : i32
      %dma_start3A_162 = tpu.memref_slice %arg8[%add3A_160, %dma_start3A_161] : memref<160x128xi32, #tpu.memory_space<vmem>> -> memref<1x128xi32, #tpu.memory_space<vmem>>
      %dma_start3A_163 = tpu.memref_squeeze %dma_start3A_162 : memref<1x128xi32, #tpu.memory_space<vmem>> -> memref<128xi32, #tpu.memory_space<vmem>>
      %dma_start3A_164 = arith.constant 0 : i32
      %dma_start3A_165 = arith.constant 0 : i32
      %dma_start3A_166 = tpu.memref_slice %arg13[%dma_start3A_164, %dma_start3A_165] : memref<10048x128xbf16, #tpu.memory_space<vmem_shared>> -> memref<10048x128xbf16, #tpu.memory_space<vmem_shared>>
      tpu.enqueue_indirect_dma source(%arg11 : memref<128x128xbf16, #tpu.memory_space<vmem>>) target(%dma_start3A_166 : memref<10048x128xbf16, #tpu.memory_space<vmem_shared>>) offsets(%dma_start3A_163 : memref<128xi32, #tpu.memory_space<vmem>>) semaphore(%arg20 : memref<!tpu.dma_semaphore, #tpu.memory_space<semaphore_mem>>) {add = true}
      %add3A_167 = arith.constant 3 : i32
      %add3A_168 = arith.addi %mul3A_119, %add3A_167 : i32
      %dma_wait3A_169 = arith.constant 0 : i32
      %dma_wait3A_170 = tpu.memref_slice %arg7[%add3A_168, %dma_wait3A_169] : memref<160x128xi32, #tpu.memory_space<vmem>> -> memref<1x128xi32, #tpu.memory_space<vmem>>
      %dma_wait3A_171 = tpu.memref_squeeze %dma_wait3A_170 : memref<1x128xi32, #tpu.memory_space<vmem>> -> memref<128xi32, #tpu.memory_space<vmem>>
      %dma_wait3A_172 = arith.constant 0 : i32
      %dma_wait3A_173 = arith.constant 0 : i32
      %dma_wait3A_174 = tpu.memref_slice %arg2[%dma_wait3A_172, %dma_wait3A_173] : memref<20000x128xbf16, #tpu.memory_space<hbm>> -> memref<20000x128xbf16, #tpu.memory_space<hbm>>
      tpu.wait_indirect_dma semaphore(%arg17 : memref<!tpu.dma_semaphore, #tpu.memory_space<semaphore_mem>>) src(%dma_wait3A_174 : memref<20000x128xbf16, #tpu.memory_space<hbm>>) dst(%arg12 : memref<128x128xbf16, #tpu.memory_space<vmem>>)
      %add3A_175 = arith.constant 3 : i32
      %add3A_176 = arith.addi %mul3A_119, %add3A_175 : i32
      %dma_start3A_177 = arith.constant 0 : i32
      %dma_start3A_178 = tpu.memref_slice %arg8[%add3A_176, %dma_start3A_177] : memref<160x128xi32, #tpu.memory_space<vmem>> -> memref<1x128xi32, #tpu.memory_space<vmem>>
      %dma_start3A_179 = tpu.memref_squeeze %dma_start3A_178 : memref<1x128xi32, #tpu.memory_space<vmem>> -> memref<128xi32, #tpu.memory_space<vmem>>
      %dma_start3A_180 = arith.constant 0 : i32
      %dma_start3A_181 = arith.constant 0 : i32
      %dma_start3A_182 = tpu.memref_slice %arg13[%dma_start3A_180, %dma_start3A_181] : memref<10048x128xbf16, #tpu.memory_space<vmem_shared>> -> memref<10048x128xbf16, #tpu.memory_space<vmem_shared>>
      tpu.enqueue_indirect_dma source(%arg12 : memref<128x128xbf16, #tpu.memory_space<vmem>>) target(%dma_start3A_182 : memref<10048x128xbf16, #tpu.memory_space<vmem_shared>>) offsets(%dma_start3A_179 : memref<128xi32, #tpu.memory_space<vmem>>) semaphore(%arg21 : memref<!tpu.dma_semaphore, #tpu.memory_space<semaphore_mem>>) {add = true}
      %add3A_183 = arith.constant 0 : i32
      %add3A_184 = arith.addi %mul3A_119, %add3A_183 : i32
      %dma_wait3A_185 = arith.constant 0 : i32
      %dma_wait3A_186 = tpu.memref_slice %arg8[%add3A_184, %dma_wait3A_185] : memref<160x128xi32, #tpu.memory_space<vmem>> -> memref<1x128xi32, #tpu.memory_space<vmem>>
      %dma_wait3A_187 = tpu.memref_squeeze %dma_wait3A_186 : memref<1x128xi32, #tpu.memory_space<vmem>> -> memref<128xi32, #tpu.memory_space<vmem>>
      %dma_wait3A_188 = arith.constant 0 : i32
      %dma_wait3A_189 = arith.constant 0 : i32
      %dma_wait3A_190 = tpu.memref_slice %arg13[%dma_wait3A_188, %dma_wait3A_189] : memref<10048x128xbf16, #tpu.memory_space<vmem_shared>> -> memref<10048x128xbf16, #tpu.memory_space<vmem_shared>>
      tpu.wait_indirect_dma semaphore(%arg18 : memref<!tpu.dma_semaphore, #tpu.memory_space<semaphore_mem>>) src(%arg9 : memref<128x128xbf16, #tpu.memory_space<vmem>>) dst(%dma_wait3A_190 : memref<10048x128xbf16, #tpu.memory_space<vmem_shared>>)
      %add3A_191 = arith.constant 4 : i32
      %add3A_192 = arith.addi %mul3A_119, %add3A_191 : i32
      %add3A_193 = arith.constant 0 : i32
      %add3A_194 = arith.addi %add3A_192, %add3A_193 : i32
      %dma_start3A_195 = arith.constant 0 : i32
      %dma_start3A_196 = tpu.memref_slice %arg7[%add3A_194, %dma_start3A_195] : memref<160x128xi32, #tpu.memory_space<vmem>> -> memref<1x128xi32, #tpu.memory_space<vmem>>
      %dma_start3A_197 = tpu.memref_squeeze %dma_start3A_196 : memref<1x128xi32, #tpu.memory_space<vmem>> -> memref<128xi32, #tpu.memory_space<vmem>>
      %dma_start3A_198 = arith.constant 0 : i32
      %dma_start3A_199 = arith.constant 0 : i32
      %dma_start3A_200 = tpu.memref_slice %arg2[%dma_start3A_198, %dma_start3A_199] : memref<20000x128xbf16, #tpu.memory_space<hbm>> -> memref<20000x128xbf16, #tpu.memory_space<hbm>>
      tpu.enqueue_indirect_dma source(%dma_start3A_200 : memref<20000x128xbf16, #tpu.memory_space<hbm>>) target(%arg9 : memref<128x128xbf16, #tpu.memory_space<vmem>>) offsets(%dma_start3A_197 : memref<128xi32, #tpu.memory_space<vmem>>) semaphore(%arg14 : memref<!tpu.dma_semaphore, #tpu.memory_space<semaphore_mem>>)
      %add3A_201 = arith.constant 1 : i32
      %add3A_202 = arith.addi %mul3A_119, %add3A_201 : i32
      %dma_wait3A_203 = arith.constant 0 : i32
      %dma_wait3A_204 = tpu.memref_slice %arg8[%add3A_202, %dma_wait3A_203] : memref<160x128xi32, #tpu.memory_space<vmem>> -> memref<1x128xi32, #tpu.memory_space<vmem>>
      %dma_wait3A_205 = tpu.memref_squeeze %dma_wait3A_204 : memref<1x128xi32, #tpu.memory_space<vmem>> -> memref<128xi32, #tpu.memory_space<vmem>>
      %dma_wait3A_206 = arith.constant 0 : i32
      %dma_wait3A_207 = arith.constant 0 : i32
      %dma_wait3A_208 = tpu.memref_slice %arg13[%dma_wait3A_206, %dma_wait3A_207] : memref<10048x128xbf16, #tpu.memory_space<vmem_shared>> -> memref<10048x128xbf16, #tpu.memory_space<vmem_shared>>
      tpu.wait_indirect_dma semaphore(%arg19 : memref<!tpu.dma_semaphore, #tpu.memory_space<semaphore_mem>>) src(%arg10 : memref<128x128xbf16, #tpu.memory_space<vmem>>) dst(%dma_wait3A_208 : memref<10048x128xbf16, #tpu.memory_space<vmem_shared>>)
      %add3A_209 = arith.constant 4 : i32
      %add3A_210 = arith.addi %mul3A_119, %add3A_209 : i32
      %add3A_211 = arith.constant 1 : i32
      %add3A_212 = arith.addi %add3A_210, %add3A_211 : i32
      %dma_start3A_213 = arith.constant 0 : i32
      %dma_start3A_214 = tpu.memref_slice %arg7[%add3A_212, %dma_start3A_213] : memref<160x128xi32, #tpu.memory_space<vmem>> -> memref<1x128xi32, #tpu.memory_space<vmem>>
      %dma_start3A_215 = tpu.memref_squeeze %dma_start3A_214 : memref<1x128xi32, #tpu.memory_space<vmem>> -> memref<128xi32, #tpu.memory_space<vmem>>
      %dma_start3A_216 = arith.constant 0 : i32
      %dma_start3A_217 = arith.constant 0 : i32
      %dma_start3A_218 = tpu.memref_slice %arg2[%dma_start3A_216, %dma_start3A_217] : memref<20000x128xbf16, #tpu.memory_space<hbm>> -> memref<20000x128xbf16, #tpu.memory_space<hbm>>
      tpu.enqueue_indirect_dma source(%dma_start3A_218 : memref<20000x128xbf16, #tpu.memory_space<hbm>>) target(%arg10 : memref<128x128xbf16, #tpu.memory_space<vmem>>) offsets(%dma_start3A_215 : memref<128xi32, #tpu.memory_space<vmem>>) semaphore(%arg15 : memref<!tpu.dma_semaphore, #tpu.memory_space<semaphore_mem>>)
      %add3A_219 = arith.constant 2 : i32
      %add3A_220 = arith.addi %mul3A_119, %add3A_219 : i32
      %dma_wait3A_221 = arith.constant 0 : i32
      %dma_wait3A_222 = tpu.memref_slice %arg8[%add3A_220, %dma_wait3A_221] : memref<160x128xi32, #tpu.memory_space<vmem>> -> memref<1x128xi32, #tpu.memory_space<vmem>>
      %dma_wait3A_223 = tpu.memref_squeeze %dma_wait3A_222 : memref<1x128xi32, #tpu.memory_space<vmem>> -> memref<128xi32, #tpu.memory_space<vmem>>
      %dma_wait3A_224 = arith.constant 0 : i32
      %dma_wait3A_225 = arith.constant 0 : i32
      %dma_wait3A_226 = tpu.memref_slice %arg13[%dma_wait3A_224, %dma_wait3A_225] : memref<10048x128xbf16, #tpu.memory_space<vmem_shared>> -> memref<10048x128xbf16, #tpu.memory_space<vmem_shared>>
      tpu.wait_indirect_dma semaphore(%arg20 : memref<!tpu.dma_semaphore, #tpu.memory_space<semaphore_mem>>) src(%arg11 : memref<128x128xbf16, #tpu.memory_space<vmem>>) dst(%dma_wait3A_226 : memref<10048x128xbf16, #tpu.memory_space<vmem_shared>>)
      %add3A_227 = arith.constant 4 : i32
      %add3A_228 = arith.addi %mul3A_119, %add3A_227 : i32
      %add3A_229 = arith.constant 2 : i32
      %add3A_230 = arith.addi %add3A_228, %add3A_229 : i32
      %dma_start3A_231 = arith.constant 0 : i32
      %dma_start3A_232 = tpu.memref_slice %arg7[%add3A_230, %dma_start3A_231] : memref<160x128xi32, #tpu.memory_space<vmem>> -> memref<1x128xi32, #tpu.memory_space<vmem>>
      %dma_start3A_233 = tpu.memref_squeeze %dma_start3A_232 : memref<1x128xi32, #tpu.memory_space<vmem>> -> memref<128xi32, #tpu.memory_space<vmem>>
      %dma_start3A_234 = arith.constant 0 : i32
      %dma_start3A_235 = arith.constant 0 : i32
      %dma_start3A_236 = tpu.memref_slice %arg2[%dma_start3A_234, %dma_start3A_235] : memref<20000x128xbf16, #tpu.memory_space<hbm>> -> memref<20000x128xbf16, #tpu.memory_space<hbm>>
      tpu.enqueue_indirect_dma source(%dma_start3A_236 : memref<20000x128xbf16, #tpu.memory_space<hbm>>) target(%arg11 : memref<128x128xbf16, #tpu.memory_space<vmem>>) offsets(%dma_start3A_233 : memref<128xi32, #tpu.memory_space<vmem>>) semaphore(%arg16 : memref<!tpu.dma_semaphore, #tpu.memory_space<semaphore_mem>>)
      %add3A_237 = arith.constant 3 : i32
      %add3A_238 = arith.addi %mul3A_119, %add3A_237 : i32
      %dma_wait3A_239 = arith.constant 0 : i32
      %dma_wait3A_240 = tpu.memref_slice %arg8[%add3A_238, %dma_wait3A_239] : memref<160x128xi32, #tpu.memory_space<vmem>> -> memref<1x128xi32, #tpu.memory_space<vmem>>
      %dma_wait3A_241 = tpu.memref_squeeze %dma_wait3A_240 : memref<1x128xi32, #tpu.memory_space<vmem>> -> memref<128xi32, #tpu.memory_space<vmem>>
      %dma_wait3A_242 = arith.constant 0 : i32
      %dma_wait3A_243 = arith.constant 0 : i32
      %dma_wait3A_244 = tpu.memref_slice %arg13[%dma_wait3A_242, %dma_wait3A_243] : memref<10048x128xbf16, #tpu.memory_space<vmem_shared>> -> memref<10048x128xbf16, #tpu.memory_space<vmem_shared>>
      tpu.wait_indirect_dma semaphore(%arg21 : memref<!tpu.dma_semaphore, #tpu.memory_space<semaphore_mem>>) src(%arg12 : memref<128x128xbf16, #tpu.memory_space<vmem>>) dst(%dma_wait3A_244 : memref<10048x128xbf16, #tpu.memory_space<vmem_shared>>)
      %add3A_245 = arith.constant 4 : i32
      %add3A_246 = arith.addi %mul3A_119, %add3A_245 : i32
      %add3A_247 = arith.constant 3 : i32
      %add3A_248 = arith.addi %add3A_246, %add3A_247 : i32
      %dma_start3A_249 = arith.constant 0 : i32
      %dma_start3A_250 = tpu.memref_slice %arg7[%add3A_248, %dma_start3A_249] : memref<160x128xi32, #tpu.memory_space<vmem>> -> memref<1x128xi32, #tpu.memory_space<vmem>>
      %dma_start3A_251 = tpu.memref_squeeze %dma_start3A_250 : memref<1x128xi32, #tpu.memory_space<vmem>> -> memref<128xi32, #tpu.memory_space<vmem>>
      %dma_start3A_252 = arith.constant 0 : i32
      %dma_start3A_253 = arith.constant 0 : i32
      %dma_start3A_254 = tpu.memref_slice %arg2[%dma_start3A_252, %dma_start3A_253] : memref<20000x128xbf16, #tpu.memory_space<hbm>> -> memref<20000x128xbf16, #tpu.memory_space<hbm>>
      tpu.enqueue_indirect_dma source(%dma_start3A_254 : memref<20000x128xbf16, #tpu.memory_space<hbm>>) target(%arg12 : memref<128x128xbf16, #tpu.memory_space<vmem>>) offsets(%dma_start3A_251 : memref<128xi32, #tpu.memory_space<vmem>>) semaphore(%arg17 : memref<!tpu.dma_semaphore, #tpu.memory_space<semaphore_mem>>)
    }
    %scan3A_32 = arith.constant 39 : i32
    %dma_wait3A = arith.constant 156 : i32
    %dma_wait3A_33 = arith.constant 0 : i32
    %dma_wait3A_34 = tpu.memref_slice %arg7[%dma_wait3A, %dma_wait3A_33] : memref<160x128xi32, #tpu.memory_space<vmem>> -> memref<1x128xi32, #tpu.memory_space<vmem>>
    %dma_wait3A_35 = tpu.memref_squeeze %dma_wait3A_34 : memref<1x128xi32, #tpu.memory_space<vmem>> -> memref<128xi32, #tpu.memory_space<vmem>>
    %dma_wait3A_36 = arith.constant 0 : i32
    %dma_wait3A_37 = arith.constant 0 : i32
    %dma_wait3A_38 = tpu.memref_slice %arg2[%dma_wait3A_36, %dma_wait3A_37] : memref<20000x128xbf16, #tpu.memory_space<hbm>> -> memref<20000x128xbf16, #tpu.memory_space<hbm>>
    tpu.wait_indirect_dma semaphore(%arg14 : memref<!tpu.dma_semaphore, #tpu.memory_space<semaphore_mem>>) src(%dma_wait3A_38 : memref<20000x128xbf16, #tpu.memory_space<hbm>>) dst(%arg9 : memref<128x128xbf16, #tpu.memory_space<vmem>>)
    %dma_start3A_39 = arith.constant 156 : i32
    %dma_start3A_40 = arith.constant 0 : i32
    %dma_start3A_41 = tpu.memref_slice %arg8[%dma_start3A_39, %dma_start3A_40] : memref<160x128xi32, #tpu.memory_space<vmem>> -> memref<1x128xi32, #tpu.memory_space<vmem>>
    %dma_start3A_42 = tpu.memref_squeeze %dma_start3A_41 : memref<1x128xi32, #tpu.memory_space<vmem>> -> memref<128xi32, #tpu.memory_space<vmem>>
    %dma_start3A_43 = arith.constant 0 : i32
    %dma_start3A_44 = arith.constant 0 : i32
    %dma_start3A_45 = tpu.memref_slice %arg13[%dma_start3A_43, %dma_start3A_44] : memref<10048x128xbf16, #tpu.memory_space<vmem_shared>> -> memref<10048x128xbf16, #tpu.memory_space<vmem_shared>>
    tpu.enqueue_indirect_dma source(%arg9 : memref<128x128xbf16, #tpu.memory_space<vmem>>) target(%dma_start3A_45 : memref<10048x128xbf16, #tpu.memory_space<vmem_shared>>) offsets(%dma_start3A_42 : memref<128xi32, #tpu.memory_space<vmem>>) semaphore(%arg18 : memref<!tpu.dma_semaphore, #tpu.memory_space<semaphore_mem>>) {add = true}
    %dma_wait3A_46 = arith.constant 157 : i32
    %dma_wait3A_47 = arith.constant 0 : i32
    %dma_wait3A_48 = tpu.memref_slice %arg7[%dma_wait3A_46, %dma_wait3A_47] : memref<160x128xi32, #tpu.memory_space<vmem>> -> memref<1x128xi32, #tpu.memory_space<vmem>>
    %dma_wait3A_49 = tpu.memref_squeeze %dma_wait3A_48 : memref<1x128xi32, #tpu.memory_space<vmem>> -> memref<128xi32, #tpu.memory_space<vmem>>
    %dma_wait3A_50 = arith.constant 0 : i32
    %dma_wait3A_51 = arith.constant 0 : i32
    %dma_wait3A_52 = tpu.memref_slice %arg2[%dma_wait3A_50, %dma_wait3A_51] : memref<20000x128xbf16, #tpu.memory_space<hbm>> -> memref<20000x128xbf16, #tpu.memory_space<hbm>>
    tpu.wait_indirect_dma semaphore(%arg15 : memref<!tpu.dma_semaphore, #tpu.memory_space<semaphore_mem>>) src(%dma_wait3A_52 : memref<20000x128xbf16, #tpu.memory_space<hbm>>) dst(%arg10 : memref<128x128xbf16, #tpu.memory_space<vmem>>)
    %dma_start3A_53 = arith.constant 157 : i32
    %dma_start3A_54 = arith.constant 0 : i32
    %dma_start3A_55 = tpu.memref_slice %arg8[%dma_start3A_53, %dma_start3A_54] : memref<160x128xi32, #tpu.memory_space<vmem>> -> memref<1x128xi32, #tpu.memory_space<vmem>>
    %dma_start3A_56 = tpu.memref_squeeze %dma_start3A_55 : memref<1x128xi32, #tpu.memory_space<vmem>> -> memref<128xi32, #tpu.memory_space<vmem>>
    %dma_start3A_57 = arith.constant 0 : i32
    %dma_start3A_58 = arith.constant 0 : i32
    %dma_start3A_59 = tpu.memref_slice %arg13[%dma_start3A_57, %dma_start3A_58] : memref<10048x128xbf16, #tpu.memory_space<vmem_shared>> -> memref<10048x128xbf16, #tpu.memory_space<vmem_shared>>
    tpu.enqueue_indirect_dma source(%arg10 : memref<128x128xbf16, #tpu.memory_space<vmem>>) target(%dma_start3A_59 : memref<10048x128xbf16, #tpu.memory_space<vmem_shared>>) offsets(%dma_start3A_56 : memref<128xi32, #tpu.memory_space<vmem>>) semaphore(%arg19 : memref<!tpu.dma_semaphore, #tpu.memory_space<semaphore_mem>>) {add = true}
    %dma_wait3A_60 = arith.constant 158 : i32
    %dma_wait3A_61 = arith.constant 0 : i32
    %dma_wait3A_62 = tpu.memref_slice %arg7[%dma_wait3A_60, %dma_wait3A_61] : memref<160x128xi32, #tpu.memory_space<vmem>> -> memref<1x128xi32, #tpu.memory_space<vmem>>
    %dma_wait3A_63 = tpu.memref_squeeze %dma_wait3A_62 : memref<1x128xi32, #tpu.memory_space<vmem>> -> memref<128xi32, #tpu.memory_space<vmem>>
    %dma_wait3A_64 = arith.constant 0 : i32
    %dma_wait3A_65 = arith.constant 0 : i32
    %dma_wait3A_66 = tpu.memref_slice %arg2[%dma_wait3A_64, %dma_wait3A_65] : memref<20000x128xbf16, #tpu.memory_space<hbm>> -> memref<20000x128xbf16, #tpu.memory_space<hbm>>
    tpu.wait_indirect_dma semaphore(%arg16 : memref<!tpu.dma_semaphore, #tpu.memory_space<semaphore_mem>>) src(%dma_wait3A_66 : memref<20000x128xbf16, #tpu.memory_space<hbm>>) dst(%arg11 : memref<128x128xbf16, #tpu.memory_space<vmem>>)
    %dma_start3A_67 = arith.constant 158 : i32
    %dma_start3A_68 = arith.constant 0 : i32
    %dma_start3A_69 = tpu.memref_slice %arg8[%dma_start3A_67, %dma_start3A_68] : memref<160x128xi32, #tpu.memory_space<vmem>> -> memref<1x128xi32, #tpu.memory_space<vmem>>
    %dma_start3A_70 = tpu.memref_squeeze %dma_start3A_69 : memref<1x128xi32, #tpu.memory_space<vmem>> -> memref<128xi32, #tpu.memory_space<vmem>>
    %dma_start3A_71 = arith.constant 0 : i32
    %dma_start3A_72 = arith.constant 0 : i32
    %dma_start3A_73 = tpu.memref_slice %arg13[%dma_start3A_71, %dma_start3A_72] : memref<10048x128xbf16, #tpu.memory_space<vmem_shared>> -> memref<10048x128xbf16, #tpu.memory_space<vmem_shared>>
    tpu.enqueue_indirect_dma source(%arg11 : memref<128x128xbf16, #tpu.memory_space<vmem>>) target(%dma_start3A_73 : memref<10048x128xbf16, #tpu.memory_space<vmem_shared>>) offsets(%dma_start3A_70 : memref<128xi32, #tpu.memory_space<vmem>>) semaphore(%arg20 : memref<!tpu.dma_semaphore, #tpu.memory_space<semaphore_mem>>) {add = true}
    %dma_wait3A_74 = arith.constant 159 : i32
    %dma_wait3A_75 = arith.constant 0 : i32
    %dma_wait3A_76 = tpu.memref_slice %arg7[%dma_wait3A_74, %dma_wait3A_75] : memref<160x128xi32, #tpu.memory_space<vmem>> -> memref<1x128xi32, #tpu.memory_space<vmem>>
    %dma_wait3A_77 = tpu.memref_squeeze %dma_wait3A_76 : memref<1x128xi32, #tpu.memory_space<vmem>> -> memref<128xi32, #tpu.memory_space<vmem>>
    %dma_wait3A_78 = arith.constant 0 : i32
    %dma_wait3A_79 = arith.constant 0 : i32
    %dma_wait3A_80 = tpu.memref_slice %arg2[%dma_wait3A_78, %dma_wait3A_79] : memref<20000x128xbf16, #tpu.memory_space<hbm>> -> memref<20000x128xbf16, #tpu.memory_space<hbm>>
    tpu.wait_indirect_dma semaphore(%arg17 : memref<!tpu.dma_semaphore, #tpu.memory_space<semaphore_mem>>) src(%dma_wait3A_80 : memref<20000x128xbf16, #tpu.memory_space<hbm>>) dst(%arg12 : memref<128x128xbf16, #tpu.memory_space<vmem>>)
    %dma_start3A_81 = arith.constant 159 : i32
    %dma_start3A_82 = arith.constant 0 : i32
    %dma_start3A_83 = tpu.memref_slice %arg8[%dma_start3A_81, %dma_start3A_82] : memref<160x128xi32, #tpu.memory_space<vmem>> -> memref<1x128xi32, #tpu.memory_space<vmem>>
    %dma_start3A_84 = tpu.memref_squeeze %dma_start3A_83 : memref<1x128xi32, #tpu.memory_space<vmem>> -> memref<128xi32, #tpu.memory_space<vmem>>
    %dma_start3A_85 = arith.constant 0 : i32
    %dma_start3A_86 = arith.constant 0 : i32
    %dma_start3A_87 = tpu.memref_slice %arg13[%dma_start3A_85, %dma_start3A_86] : memref<10048x128xbf16, #tpu.memory_space<vmem_shared>> -> memref<10048x128xbf16, #tpu.memory_space<vmem_shared>>
    tpu.enqueue_indirect_dma source(%arg12 : memref<128x128xbf16, #tpu.memory_space<vmem>>) target(%dma_start3A_87 : memref<10048x128xbf16, #tpu.memory_space<vmem_shared>>) offsets(%dma_start3A_84 : memref<128xi32, #tpu.memory_space<vmem>>) semaphore(%arg21 : memref<!tpu.dma_semaphore, #tpu.memory_space<semaphore_mem>>) {add = true}
    %dma_wait3A_88 = arith.constant 156 : i32
    %dma_wait3A_89 = arith.constant 0 : i32
    %dma_wait3A_90 = tpu.memref_slice %arg8[%dma_wait3A_88, %dma_wait3A_89] : memref<160x128xi32, #tpu.memory_space<vmem>> -> memref<1x128xi32, #tpu.memory_space<vmem>>
    %dma_wait3A_91 = tpu.memref_squeeze %dma_wait3A_90 : memref<1x128xi32, #tpu.memory_space<vmem>> -> memref<128xi32, #tpu.memory_space<vmem>>
    %dma_wait3A_92 = arith.constant 0 : i32
    %dma_wait3A_93 = arith.constant 0 : i32
    %dma_wait3A_94 = tpu.memref_slice %arg13[%dma_wait3A_92, %dma_wait3A_93] : memref<10048x128xbf16, #tpu.memory_space<vmem_shared>> -> memref<10048x128xbf16, #tpu.memory_space<vmem_shared>>
    tpu.wait_indirect_dma semaphore(%arg18 : memref<!tpu.dma_semaphore, #tpu.memory_space<semaphore_mem>>) src(%arg9 : memref<128x128xbf16, #tpu.memory_space<vmem>>) dst(%dma_wait3A_94 : memref<10048x128xbf16, #tpu.memory_space<vmem_shared>>)
    %dma_wait3A_95 = arith.constant 157 : i32
    %dma_wait3A_96 = arith.constant 0 : i32
    %dma_wait3A_97 = tpu.memref_slice %arg8[%dma_wait3A_95, %dma_wait3A_96] : memref<160x128xi32, #tpu.memory_space<vmem>> -> memref<1x128xi32, #tpu.memory_space<vmem>>
    %dma_wait3A_98 = tpu.memref_squeeze %dma_wait3A_97 : memref<1x128xi32, #tpu.memory_space<vmem>> -> memref<128xi32, #tpu.memory_space<vmem>>
    %dma_wait3A_99 = arith.constant 0 : i32
    %dma_wait3A_100 = arith.constant 0 : i32
    %dma_wait3A_101 = tpu.memref_slice %arg13[%dma_wait3A_99, %dma_wait3A_100] : memref<10048x128xbf16, #tpu.memory_space<vmem_shared>> -> memref<10048x128xbf16, #tpu.memory_space<vmem_shared>>
    tpu.wait_indirect_dma semaphore(%arg19 : memref<!tpu.dma_semaphore, #tpu.memory_space<semaphore_mem>>) src(%arg10 : memref<128x128xbf16, #tpu.memory_space<vmem>>) dst(%dma_wait3A_101 : memref<10048x128xbf16, #tpu.memory_space<vmem_shared>>)
    %dma_wait3A_102 = arith.constant 158 : i32
    %dma_wait3A_103 = arith.constant 0 : i32
    %dma_wait3A_104 = tpu.memref_slice %arg8[%dma_wait3A_102, %dma_wait3A_103] : memref<160x128xi32, #tpu.memory_space<vmem>> -> memref<1x128xi32, #tpu.memory_space<vmem>>
    %dma_wait3A_105 = tpu.memref_squeeze %dma_wait3A_104 : memref<1x128xi32, #tpu.memory_space<vmem>> -> memref<128xi32, #tpu.memory_space<vmem>>
    %dma_wait3A_106 = arith.constant 0 : i32
    %dma_wait3A_107 = arith.constant 0 : i32
    %dma_wait3A_108 = tpu.memref_slice %arg13[%dma_wait3A_106, %dma_wait3A_107] : memref<10048x128xbf16, #tpu.memory_space<vmem_shared>> -> memref<10048x128xbf16, #tpu.memory_space<vmem_shared>>
    tpu.wait_indirect_dma semaphore(%arg20 : memref<!tpu.dma_semaphore, #tpu.memory_space<semaphore_mem>>) src(%arg11 : memref<128x128xbf16, #tpu.memory_space<vmem>>) dst(%dma_wait3A_108 : memref<10048x128xbf16, #tpu.memory_space<vmem_shared>>)
    %dma_wait3A_109 = arith.constant 159 : i32
    %dma_wait3A_110 = arith.constant 0 : i32
    %dma_wait3A_111 = tpu.memref_slice %arg8[%dma_wait3A_109, %dma_wait3A_110] : memref<160x128xi32, #tpu.memory_space<vmem>> -> memref<1x128xi32, #tpu.memory_space<vmem>>
    %dma_wait3A_112 = tpu.memref_squeeze %dma_wait3A_111 : memref<1x128xi32, #tpu.memory_space<vmem>> -> memref<128xi32, #tpu.memory_space<vmem>>
    %dma_wait3A_113 = arith.constant 0 : i32
    %dma_wait3A_114 = arith.constant 0 : i32
    %dma_wait3A_115 = tpu.memref_slice %arg13[%dma_wait3A_113, %dma_wait3A_114] : memref<10048x128xbf16, #tpu.memory_space<vmem_shared>> -> memref<10048x128xbf16, #tpu.memory_space<vmem_shared>>
    tpu.wait_indirect_dma semaphore(%arg21 : memref<!tpu.dma_semaphore, #tpu.memory_space<semaphore_mem>>) src(%arg12 : memref<128x128xbf16, #tpu.memory_space<vmem>>) dst(%dma_wait3A_115 : memref<10048x128xbf16, #tpu.memory_space<vmem_shared>>)
    %barrier3A_116 = arith.constant 0 : index
    tpu.barrier barrier_id(%barrier3A_116)
    "tpu.region"() ({
      %run_scoped3A = tpu.sem_alloc : memref<!tpu.dma_semaphore, #tpu.memory_space<semaphore_mem>>
      %dma_start3A_117 = arith.constant 0 : i32
      %dma_start3A_118 = tpu.memref_slice %arg6[%arg0, %mul3A_0, %dma_start3A_117] : memref<2x10048x128xbf16, #tpu.memory_space<hbm>> -> memref<1x628x128xbf16, #tpu.memory_space<hbm>>
      %dma_start3A_119 = tpu.memref_squeeze %dma_start3A_118 : memref<1x628x128xbf16, #tpu.memory_space<hbm>> -> memref<628x128xbf16, #tpu.memory_space<hbm>>
      %dma_start3A_120 = arith.constant 0 : i32
      %dma_start3A_121 = tpu.memref_slice %arg13[%mul3A_0, %dma_start3A_120] : memref<10048x128xbf16, #tpu.memory_space<vmem_shared>> -> memref<628x128xbf16, #tpu.memory_space<vmem_shared>>
      tpu.enqueue_dma source(%dma_start3A_121 : memref<628x128xbf16, #tpu.memory_space<vmem_shared>>) target(%dma_start3A_119 : memref<628x128xbf16, #tpu.memory_space<hbm>>) target_semaphore(%run_scoped3A : memref<!tpu.dma_semaphore, #tpu.memory_space<semaphore_mem>>)
      %dma_wait3A_122 = arith.constant 0 : i32
      %dma_wait3A_123 = tpu.memref_slice %arg6[%arg0, %mul3A_0, %dma_wait3A_122] : memref<2x10048x128xbf16, #tpu.memory_space<hbm>> -> memref<1x628x128xbf16, #tpu.memory_space<hbm>>
      %dma_wait3A_124 = tpu.memref_squeeze %dma_wait3A_123 : memref<1x628x128xbf16, #tpu.memory_space<hbm>> -> memref<628x128xbf16, #tpu.memory_space<hbm>>
      %dma_wait3A_125 = arith.constant 0 : i32
      %dma_wait3A_126 = tpu.memref_slice %arg13[%mul3A_0, %dma_wait3A_125] : memref<10048x128xbf16, #tpu.memory_space<vmem_shared>> -> memref<628x128xbf16, #tpu.memory_space<vmem_shared>>
      tpu.wait_dma2 semaphore(%run_scoped3A : memref<!tpu.dma_semaphore, #tpu.memory_space<semaphore_mem>>) src(%dma_wait3A_126 : memref<628x128xbf16, #tpu.memory_space<vmem_shared>>) dst(%dma_wait3A_124 : memref<628x128xbf16, #tpu.memory_space<hbm>>)
      tpu.yield
    }) : () -> ()
    return
  }
}

#map = affine_map<(d0, d1) -> (0, 0)>
#map1 = affine_map<(d0, d1) -> (0, 0, 0, 0)>
#map2 = affine_map<(d0, d1) -> (0, 0, 0)>
module attributes {stable_mosaic.version = 14 : i64} {
  func.func @_agg_kernel(%arg0: i32, %arg1: i32, %arg2: memref<20000x128xbf16, #tpu.memory_space<hbm>>, %arg3: memref<2x16x160x128xi32, #tpu.memory_space<hbm>>, %arg4: memref<2x16x160x128xi32, #tpu.memory_space<hbm>>, %arg5: memref<628x128xbf16, #tpu.memory_space<hbm>>, %arg6: memref<2x10048x128xbf16, #tpu.memory_space<hbm>>, %arg7: memref<160x128xi32, #tpu.memory_space<vmem>>, %arg8: memref<160x128xi32, #tpu.memory_space<vmem>>, %arg9: memref<128x128xbf16, #tpu.memory_space<vmem>>, %arg10: memref<128x128xbf16, #tpu.memory_space<vmem>>, %arg11: memref<128x128xbf16, #tpu.memory_space<vmem>>, %arg12: memref<128x128xbf16, #tpu.memory_space<vmem>>, %arg13: memref<10048x128xbf16, #tpu.memory_space<vmem_shared>>, %arg14: memref<!tpu.dma_semaphore, #tpu.memory_space<semaphore_mem>>, %arg15: memref<!tpu.dma_semaphore, #tpu.memory_space<semaphore_mem>>, %arg16: memref<!tpu.dma_semaphore, #tpu.memory_space<semaphore_mem>>, %arg17: memref<!tpu.dma_semaphore, #tpu.memory_space<semaphore_mem>>, %arg18: memref<!tpu.dma_semaphore, #tpu.memory_space<semaphore_mem>>, %arg19: memref<!tpu.dma_semaphore, #tpu.memory_space<semaphore_mem>>, %arg20: memref<!tpu.dma_semaphore, #tpu.memory_space<semaphore_mem>>, %arg21: memref<!tpu.dma_semaphore, #tpu.memory_space<semaphore_mem>>) attributes {dimension_semantics = [#tpu.dimension_semantics<core_parallel>, #tpu.dimension_semantics<subcore_parallel>], iteration_bounds = array<i64: 2, 16>, scalar_prefetch = 0 : i64, scratch_operands = 15 : i64, tpu.core_type = #tpu.core_type<sc_vector_subcore>, window_params = [{transform_indices = #map}, {transform_indices = #map1}, {transform_indices = #map1}, {transform_indices = #map}, {transform_indices = #map2}]} {
    "tpu.region"() ({
      %run_scoped3A = tpu.sem_alloc : memref<!tpu.dma_semaphore, #tpu.memory_space<semaphore_mem>>
      %dma_start3A_117 = arith.constant 0 : i32
      %dma_start3A_118 = arith.constant 0 : i32
      %dma_start3A_119 = tpu.memref_slice %arg3[%arg0, %arg1, %dma_start3A_117, %dma_start3A_118] : memref<2x16x160x128xi32, #tpu.memory_space<hbm>> -> memref<1x1x160x128xi32, #tpu.memory_space<hbm>>
      %dma_start3A_120 = tpu.memref_squeeze %dma_start3A_119 : memref<1x1x160x128xi32, #tpu.memory_space<hbm>> -> memref<160x128xi32, #tpu.memory_space<hbm>>
      %dma_start3A_121 = arith.constant 0 : i32
      %dma_start3A_122 = arith.constant 0 : i32
      %dma_start3A_123 = tpu.memref_slice %arg3[%arg0, %arg1, %dma_start3A_121, %dma_start3A_122] : memref<2x16x160x128xi32, #tpu.memory_space<hbm>> -> memref<1x1x160x128xi32, #tpu.memory_space<hbm>>
      %dma_start3A_124 = tpu.memref_squeeze %dma_start3A_123 : memref<1x1x160x128xi32, #tpu.memory_space<hbm>> -> memref<160x128xi32, #tpu.memory_space<hbm>>
      tpu.enqueue_dma source(%dma_start3A_124 : memref<160x128xi32, #tpu.memory_space<hbm>>) target(%arg7 : memref<160x128xi32, #tpu.memory_space<vmem>>) target_semaphore(%run_scoped3A : memref<!tpu.dma_semaphore, #tpu.memory_space<semaphore_mem>>)
      %dma_wait3A_125 = arith.constant 0 : i32
      %dma_wait3A_126 = arith.constant 0 : i32
      %dma_wait3A_127 = tpu.memref_slice %arg3[%arg0, %arg1, %dma_wait3A_125, %dma_wait3A_126] : memref<2x16x160x128xi32, #tpu.memory_space<hbm>> -> memref<1x1x160x128xi32, #tpu.memory_space<hbm>>
      %dma_wait3A_128 = tpu.memref_squeeze %dma_wait3A_127 : memref<1x1x160x128xi32, #tpu.memory_space<hbm>> -> memref<160x128xi32, #tpu.memory_space<hbm>>
      %dma_wait3A_129 = arith.constant 0 : i32
      %dma_wait3A_130 = arith.constant 0 : i32
      %dma_wait3A_131 = tpu.memref_slice %arg3[%arg0, %arg1, %dma_wait3A_129, %dma_wait3A_130] : memref<2x16x160x128xi32, #tpu.memory_space<hbm>> -> memref<1x1x160x128xi32, #tpu.memory_space<hbm>>
      %dma_wait3A_132 = tpu.memref_squeeze %dma_wait3A_131 : memref<1x1x160x128xi32, #tpu.memory_space<hbm>> -> memref<160x128xi32, #tpu.memory_space<hbm>>
      tpu.wait_dma2 semaphore(%run_scoped3A : memref<!tpu.dma_semaphore, #tpu.memory_space<semaphore_mem>>) src(%dma_wait3A_132 : memref<160x128xi32, #tpu.memory_space<hbm>>) dst(%arg7 : memref<160x128xi32, #tpu.memory_space<vmem>>)
      tpu.yield
    }) : () -> ()
    "tpu.region"() ({
      %run_scoped3A = tpu.sem_alloc : memref<!tpu.dma_semaphore, #tpu.memory_space<semaphore_mem>>
      %dma_start3A_117 = arith.constant 0 : i32
      %dma_start3A_118 = arith.constant 0 : i32
      %dma_start3A_119 = tpu.memref_slice %arg4[%arg0, %arg1, %dma_start3A_117, %dma_start3A_118] : memref<2x16x160x128xi32, #tpu.memory_space<hbm>> -> memref<1x1x160x128xi32, #tpu.memory_space<hbm>>
      %dma_start3A_120 = tpu.memref_squeeze %dma_start3A_119 : memref<1x1x160x128xi32, #tpu.memory_space<hbm>> -> memref<160x128xi32, #tpu.memory_space<hbm>>
      %dma_start3A_121 = arith.constant 0 : i32
      %dma_start3A_122 = arith.constant 0 : i32
      %dma_start3A_123 = tpu.memref_slice %arg4[%arg0, %arg1, %dma_start3A_121, %dma_start3A_122] : memref<2x16x160x128xi32, #tpu.memory_space<hbm>> -> memref<1x1x160x128xi32, #tpu.memory_space<hbm>>
      %dma_start3A_124 = tpu.memref_squeeze %dma_start3A_123 : memref<1x1x160x128xi32, #tpu.memory_space<hbm>> -> memref<160x128xi32, #tpu.memory_space<hbm>>
      tpu.enqueue_dma source(%dma_start3A_124 : memref<160x128xi32, #tpu.memory_space<hbm>>) target(%arg8 : memref<160x128xi32, #tpu.memory_space<vmem>>) target_semaphore(%run_scoped3A : memref<!tpu.dma_semaphore, #tpu.memory_space<semaphore_mem>>)
      %dma_wait3A_125 = arith.constant 0 : i32
      %dma_wait3A_126 = arith.constant 0 : i32
      %dma_wait3A_127 = tpu.memref_slice %arg4[%arg0, %arg1, %dma_wait3A_125, %dma_wait3A_126] : memref<2x16x160x128xi32, #tpu.memory_space<hbm>> -> memref<1x1x160x128xi32, #tpu.memory_space<hbm>>
      %dma_wait3A_128 = tpu.memref_squeeze %dma_wait3A_127 : memref<1x1x160x128xi32, #tpu.memory_space<hbm>> -> memref<160x128xi32, #tpu.memory_space<hbm>>
      %dma_wait3A_129 = arith.constant 0 : i32
      %dma_wait3A_130 = arith.constant 0 : i32
      %dma_wait3A_131 = tpu.memref_slice %arg4[%arg0, %arg1, %dma_wait3A_129, %dma_wait3A_130] : memref<2x16x160x128xi32, #tpu.memory_space<hbm>> -> memref<1x1x160x128xi32, #tpu.memory_space<hbm>>
      %dma_wait3A_132 = tpu.memref_squeeze %dma_wait3A_131 : memref<1x1x160x128xi32, #tpu.memory_space<hbm>> -> memref<160x128xi32, #tpu.memory_space<hbm>>
      tpu.wait_dma2 semaphore(%run_scoped3A : memref<!tpu.dma_semaphore, #tpu.memory_space<semaphore_mem>>) src(%dma_wait3A_132 : memref<160x128xi32, #tpu.memory_space<hbm>>) dst(%arg8 : memref<160x128xi32, #tpu.memory_space<vmem>>)
      tpu.yield
    }) : () -> ()
    %mul3A = arith.constant 628 : i32
    %mul3A_0 = arith.muli %arg1, %mul3A : i32
    "tpu.region"() ({
      %run_scoped3A = tpu.sem_alloc : memref<!tpu.dma_semaphore, #tpu.memory_space<semaphore_mem>>
      %dma_start3A_117 = arith.constant 0 : i32
      %dma_start3A_118 = tpu.memref_slice %arg13[%mul3A_0, %dma_start3A_117] : memref<10048x128xbf16, #tpu.memory_space<vmem_shared>> -> memref<628x128xbf16, #tpu.memory_space<vmem_shared>>
      tpu.enqueue_dma source(%arg5 : memref<628x128xbf16, #tpu.memory_space<hbm>>) target(%dma_start3A_118 : memref<628x128xbf16, #tpu.memory_space<vmem_shared>>) target_semaphore(%run_scoped3A : memref<!tpu.dma_semaphore, #tpu.memory_space<semaphore_mem>>)
      %dma_wait3A_119 = arith.constant 0 : i32
      %dma_wait3A_120 = tpu.memref_slice %arg13[%mul3A_0, %dma_wait3A_119] : memref<10048x128xbf16, #tpu.memory_space<vmem_shared>> -> memref<628x128xbf16, #tpu.memory_space<vmem_shared>>
      tpu.wait_dma2 semaphore(%run_scoped3A : memref<!tpu.dma_semaphore, #tpu.memory_space<semaphore_mem>>) src(%arg5 : memref<628x128xbf16, #tpu.memory_space<hbm>>) dst(%dma_wait3A_120 : memref<628x128xbf16, #tpu.memory_space<vmem_shared>>)
      tpu.yield
    }) : () -> ()
    %barrier3A = arith.constant 0 : index
    tpu.barrier barrier_id(%barrier3A)
    %dma_start3A = arith.constant 0 : i32
    %dma_start3A_1 = arith.constant 0 : i32
    %dma_start3A_2 = tpu.memref_slice %arg7[%dma_start3A, %dma_start3A_1] : memref<160x128xi32, #tpu.memory_space<vmem>> -> memref<1x128xi32, #tpu.memory_space<vmem>>
    %dma_start3A_3 = tpu.memref_squeeze %dma_start3A_2 : memref<1x128xi32, #tpu.memory_space<vmem>> -> memref<128xi32, #tpu.memory_space<vmem>>
    %dma_start3A_4 = arith.constant 0 : i32
    %dma_start3A_5 = arith.constant 0 : i32
    %dma_start3A_6 = tpu.memref_slice %arg2[%dma_start3A_4, %dma_start3A_5] : memref<20000x128xbf16, #tpu.memory_space<hbm>> -> memref<20000x128xbf16, #tpu.memory_space<hbm>>
    tpu.enqueue_indirect_dma source(%dma_start3A_6 : memref<20000x128xbf16, #tpu.memory_space<hbm>>) target(%arg9 : memref<128x128xbf16, #tpu.memory_space<vmem>>) offsets(%dma_start3A_3 : memref<128xi32, #tpu.memory_space<vmem>>) semaphore(%arg14 : memref<!tpu.dma_semaphore, #tpu.memory_space<semaphore_mem>>)
    %dma_start3A_7 = arith.constant 1 : i32
    %dma_start3A_8 = arith.constant 0 : i32
    %dma_start3A_9 = tpu.memref_slice %arg7[%dma_start3A_7, %dma_start3A_8] : memref<160x128xi32, #tpu.memory_space<vmem>> -> memref<1x128xi32, #tpu.memory_space<vmem>>
    %dma_start3A_10 = tpu.memref_squeeze %dma_start3A_9 : memref<1x128xi32, #tpu.memory_space<vmem>> -> memref<128xi32, #tpu.memory_space<vmem>>
    %dma_start3A_11 = arith.constant 0 : i32
    %dma_start3A_12 = arith.constant 0 : i32
    %dma_start3A_13 = tpu.memref_slice %arg2[%dma_start3A_11, %dma_start3A_12] : memref<20000x128xbf16, #tpu.memory_space<hbm>> -> memref<20000x128xbf16, #tpu.memory_space<hbm>>
    tpu.enqueue_indirect_dma source(%dma_start3A_13 : memref<20000x128xbf16, #tpu.memory_space<hbm>>) target(%arg10 : memref<128x128xbf16, #tpu.memory_space<vmem>>) offsets(%dma_start3A_10 : memref<128xi32, #tpu.memory_space<vmem>>) semaphore(%arg15 : memref<!tpu.dma_semaphore, #tpu.memory_space<semaphore_mem>>)
    %dma_start3A_14 = arith.constant 2 : i32
    %dma_start3A_15 = arith.constant 0 : i32
    %dma_start3A_16 = tpu.memref_slice %arg7[%dma_start3A_14, %dma_start3A_15] : memref<160x128xi32, #tpu.memory_space<vmem>> -> memref<1x128xi32, #tpu.memory_space<vmem>>
    %dma_start3A_17 = tpu.memref_squeeze %dma_start3A_16 : memref<1x128xi32, #tpu.memory_space<vmem>> -> memref<128xi32, #tpu.memory_space<vmem>>
    %dma_start3A_18 = arith.constant 0 : i32
    %dma_start3A_19 = arith.constant 0 : i32
    %dma_start3A_20 = tpu.memref_slice %arg2[%dma_start3A_18, %dma_start3A_19] : memref<20000x128xbf16, #tpu.memory_space<hbm>> -> memref<20000x128xbf16, #tpu.memory_space<hbm>>
    tpu.enqueue_indirect_dma source(%dma_start3A_20 : memref<20000x128xbf16, #tpu.memory_space<hbm>>) target(%arg11 : memref<128x128xbf16, #tpu.memory_space<vmem>>) offsets(%dma_start3A_17 : memref<128xi32, #tpu.memory_space<vmem>>) semaphore(%arg16 : memref<!tpu.dma_semaphore, #tpu.memory_space<semaphore_mem>>)
    %dma_start3A_21 = arith.constant 3 : i32
    %dma_start3A_22 = arith.constant 0 : i32
    %dma_start3A_23 = tpu.memref_slice %arg7[%dma_start3A_21, %dma_start3A_22] : memref<160x128xi32, #tpu.memory_space<vmem>> -> memref<1x128xi32, #tpu.memory_space<vmem>>
    %dma_start3A_24 = tpu.memref_squeeze %dma_start3A_23 : memref<1x128xi32, #tpu.memory_space<vmem>> -> memref<128xi32, #tpu.memory_space<vmem>>
    %dma_start3A_25 = arith.constant 0 : i32
    %dma_start3A_26 = arith.constant 0 : i32
    %dma_start3A_27 = tpu.memref_slice %arg2[%dma_start3A_25, %dma_start3A_26] : memref<20000x128xbf16, #tpu.memory_space<hbm>> -> memref<20000x128xbf16, #tpu.memory_space<hbm>>
    tpu.enqueue_indirect_dma source(%dma_start3A_27 : memref<20000x128xbf16, #tpu.memory_space<hbm>>) target(%arg12 : memref<128x128xbf16, #tpu.memory_space<vmem>>) offsets(%dma_start3A_24 : memref<128xi32, #tpu.memory_space<vmem>>) semaphore(%arg17 : memref<!tpu.dma_semaphore, #tpu.memory_space<semaphore_mem>>)
    %scan3A = arith.constant 0 : i32
    %scan3A_28 = arith.constant 0 : i32
    %scan3A_29 = arith.constant 39 : i32
    %scan3A_30 = arith.addi %scan3A_28, %scan3A_29 : i32
    %scan3A_31 = arith.constant 1 : i32
    scf.for %scan3A_117 = %scan3A_28 to %scan3A_30 step %scan3A_31  : i32 {
      %mul3A_118 = arith.constant 4 : i32
      %mul3A_119 = arith.muli %scan3A_117, %mul3A_118 : i32
      %add3A = arith.constant 0 : i32
      %add3A_120 = arith.addi %mul3A_119, %add3A : i32
      %dma_wait3A_121 = arith.constant 0 : i32
      %dma_wait3A_122 = tpu.memref_slice %arg7[%add3A_120, %dma_wait3A_121] : memref<160x128xi32, #tpu.memory_space<vmem>> -> memref<1x128xi32, #tpu.memory_space<vmem>>
      %dma_wait3A_123 = tpu.memref_squeeze %dma_wait3A_122 : memref<1x128xi32, #tpu.memory_space<vmem>> -> memref<128xi32, #tpu.memory_space<vmem>>
      %dma_wait3A_124 = arith.constant 0 : i32
      %dma_wait3A_125 = arith.constant 0 : i32
      %dma_wait3A_126 = tpu.memref_slice %arg2[%dma_wait3A_124, %dma_wait3A_125] : memref<20000x128xbf16, #tpu.memory_space<hbm>> -> memref<20000x128xbf16, #tpu.memory_space<hbm>>
      tpu.wait_indirect_dma semaphore(%arg14 : memref<!tpu.dma_semaphore, #tpu.memory_space<semaphore_mem>>) src(%dma_wait3A_126 : memref<20000x128xbf16, #tpu.memory_space<hbm>>) dst(%arg9 : memref<128x128xbf16, #tpu.memory_space<vmem>>)
      %add3A_127 = arith.constant 0 : i32
      %add3A_128 = arith.addi %mul3A_119, %add3A_127 : i32
      %dma_start3A_129 = arith.constant 0 : i32
      %dma_start3A_130 = tpu.memref_slice %arg8[%add3A_128, %dma_start3A_129] : memref<160x128xi32, #tpu.memory_space<vmem>> -> memref<1x128xi32, #tpu.memory_space<vmem>>
      %dma_start3A_131 = tpu.memref_squeeze %dma_start3A_130 : memref<1x128xi32, #tpu.memory_space<vmem>> -> memref<128xi32, #tpu.memory_space<vmem>>
      %dma_start3A_132 = arith.constant 0 : i32
      %dma_start3A_133 = arith.constant 0 : i32
      %dma_start3A_134 = tpu.memref_slice %arg13[%dma_start3A_132, %dma_start3A_133] : memref<10048x128xbf16, #tpu.memory_space<vmem_shared>> -> memref<10048x128xbf16, #tpu.memory_space<vmem_shared>>
      tpu.enqueue_indirect_dma source(%arg9 : memref<128x128xbf16, #tpu.memory_space<vmem>>) target(%dma_start3A_134 : memref<10048x128xbf16, #tpu.memory_space<vmem_shared>>) offsets(%dma_start3A_131 : memref<128xi32, #tpu.memory_space<vmem>>) semaphore(%arg18 : memref<!tpu.dma_semaphore, #tpu.memory_space<semaphore_mem>>) {add = true}
      %add3A_135 = arith.constant 1 : i32
      %add3A_136 = arith.addi %mul3A_119, %add3A_135 : i32
      %dma_wait3A_137 = arith.constant 0 : i32
      %dma_wait3A_138 = tpu.memref_slice %arg7[%add3A_136, %dma_wait3A_137] : memref<160x128xi32, #tpu.memory_space<vmem>> -> memref<1x128xi32, #tpu.memory_space<vmem>>
      %dma_wait3A_139 = tpu.memref_squeeze %dma_wait3A_138 : memref<1x128xi32, #tpu.memory_space<vmem>> -> memref<128xi32, #tpu.memory_space<vmem>>
      %dma_wait3A_140 = arith.constant 0 : i32
      %dma_wait3A_141 = arith.constant 0 : i32
      %dma_wait3A_142 = tpu.memref_slice %arg2[%dma_wait3A_140, %dma_wait3A_141] : memref<20000x128xbf16, #tpu.memory_space<hbm>> -> memref<20000x128xbf16, #tpu.memory_space<hbm>>
      tpu.wait_indirect_dma semaphore(%arg15 : memref<!tpu.dma_semaphore, #tpu.memory_space<semaphore_mem>>) src(%dma_wait3A_142 : memref<20000x128xbf16, #tpu.memory_space<hbm>>) dst(%arg10 : memref<128x128xbf16, #tpu.memory_space<vmem>>)
      %add3A_143 = arith.constant 1 : i32
      %add3A_144 = arith.addi %mul3A_119, %add3A_143 : i32
      %dma_start3A_145 = arith.constant 0 : i32
      %dma_start3A_146 = tpu.memref_slice %arg8[%add3A_144, %dma_start3A_145] : memref<160x128xi32, #tpu.memory_space<vmem>> -> memref<1x128xi32, #tpu.memory_space<vmem>>
      %dma_start3A_147 = tpu.memref_squeeze %dma_start3A_146 : memref<1x128xi32, #tpu.memory_space<vmem>> -> memref<128xi32, #tpu.memory_space<vmem>>
      %dma_start3A_148 = arith.constant 0 : i32
      %dma_start3A_149 = arith.constant 0 : i32
      %dma_start3A_150 = tpu.memref_slice %arg13[%dma_start3A_148, %dma_start3A_149] : memref<10048x128xbf16, #tpu.memory_space<vmem_shared>> -> memref<10048x128xbf16, #tpu.memory_space<vmem_shared>>
      tpu.enqueue_indirect_dma source(%arg10 : memref<128x128xbf16, #tpu.memory_space<vmem>>) target(%dma_start3A_150 : memref<10048x128xbf16, #tpu.memory_space<vmem_shared>>) offsets(%dma_start3A_147 : memref<128xi32, #tpu.memory_space<vmem>>) semaphore(%arg19 : memref<!tpu.dma_semaphore, #tpu.memory_space<semaphore_mem>>) {add = true}
      %add3A_151 = arith.constant 2 : i32
      %add3A_152 = arith.addi %mul3A_119, %add3A_151 : i32
      %dma_wait3A_153 = arith.constant 0 : i32
      %dma_wait3A_154 = tpu.memref_slice %arg7[%add3A_152, %dma_wait3A_153] : memref<160x128xi32, #tpu.memory_space<vmem>> -> memref<1x128xi32, #tpu.memory_space<vmem>>
      %dma_wait3A_155 = tpu.memref_squeeze %dma_wait3A_154 : memref<1x128xi32, #tpu.memory_space<vmem>> -> memref<128xi32, #tpu.memory_space<vmem>>
      %dma_wait3A_156 = arith.constant 0 : i32
      %dma_wait3A_157 = arith.constant 0 : i32
      %dma_wait3A_158 = tpu.memref_slice %arg2[%dma_wait3A_156, %dma_wait3A_157] : memref<20000x128xbf16, #tpu.memory_space<hbm>> -> memref<20000x128xbf16, #tpu.memory_space<hbm>>
      tpu.wait_indirect_dma semaphore(%arg16 : memref<!tpu.dma_semaphore, #tpu.memory_space<semaphore_mem>>) src(%dma_wait3A_158 : memref<20000x128xbf16, #tpu.memory_space<hbm>>) dst(%arg11 : memref<128x128xbf16, #tpu.memory_space<vmem>>)
      %add3A_159 = arith.constant 2 : i32
      %add3A_160 = arith.addi %mul3A_119, %add3A_159 : i32
      %dma_start3A_161 = arith.constant 0 : i32
      %dma_start3A_162 = tpu.memref_slice %arg8[%add3A_160, %dma_start3A_161] : memref<160x128xi32, #tpu.memory_space<vmem>> -> memref<1x128xi32, #tpu.memory_space<vmem>>
      %dma_start3A_163 = tpu.memref_squeeze %dma_start3A_162 : memref<1x128xi32, #tpu.memory_space<vmem>> -> memref<128xi32, #tpu.memory_space<vmem>>
      %dma_start3A_164 = arith.constant 0 : i32
      %dma_start3A_165 = arith.constant 0 : i32
      %dma_start3A_166 = tpu.memref_slice %arg13[%dma_start3A_164, %dma_start3A_165] : memref<10048x128xbf16, #tpu.memory_space<vmem_shared>> -> memref<10048x128xbf16, #tpu.memory_space<vmem_shared>>
      tpu.enqueue_indirect_dma source(%arg11 : memref<128x128xbf16, #tpu.memory_space<vmem>>) target(%dma_start3A_166 : memref<10048x128xbf16, #tpu.memory_space<vmem_shared>>) offsets(%dma_start3A_163 : memref<128xi32, #tpu.memory_space<vmem>>) semaphore(%arg20 : memref<!tpu.dma_semaphore, #tpu.memory_space<semaphore_mem>>) {add = true}
      %add3A_167 = arith.constant 3 : i32
      %add3A_168 = arith.addi %mul3A_119, %add3A_167 : i32
      %dma_wait3A_169 = arith.constant 0 : i32
      %dma_wait3A_170 = tpu.memref_slice %arg7[%add3A_168, %dma_wait3A_169] : memref<160x128xi32, #tpu.memory_space<vmem>> -> memref<1x128xi32, #tpu.memory_space<vmem>>
      %dma_wait3A_171 = tpu.memref_squeeze %dma_wait3A_170 : memref<1x128xi32, #tpu.memory_space<vmem>> -> memref<128xi32, #tpu.memory_space<vmem>>
      %dma_wait3A_172 = arith.constant 0 : i32
      %dma_wait3A_173 = arith.constant 0 : i32
      %dma_wait3A_174 = tpu.memref_slice %arg2[%dma_wait3A_172, %dma_wait3A_173] : memref<20000x128xbf16, #tpu.memory_space<hbm>> -> memref<20000x128xbf16, #tpu.memory_space<hbm>>
      tpu.wait_indirect_dma semaphore(%arg17 : memref<!tpu.dma_semaphore, #tpu.memory_space<semaphore_mem>>) src(%dma_wait3A_174 : memref<20000x128xbf16, #tpu.memory_space<hbm>>) dst(%arg12 : memref<128x128xbf16, #tpu.memory_space<vmem>>)
      %add3A_175 = arith.constant 3 : i32
      %add3A_176 = arith.addi %mul3A_119, %add3A_175 : i32
      %dma_start3A_177 = arith.constant 0 : i32
      %dma_start3A_178 = tpu.memref_slice %arg8[%add3A_176, %dma_start3A_177] : memref<160x128xi32, #tpu.memory_space<vmem>> -> memref<1x128xi32, #tpu.memory_space<vmem>>
      %dma_start3A_179 = tpu.memref_squeeze %dma_start3A_178 : memref<1x128xi32, #tpu.memory_space<vmem>> -> memref<128xi32, #tpu.memory_space<vmem>>
      %dma_start3A_180 = arith.constant 0 : i32
      %dma_start3A_181 = arith.constant 0 : i32
      %dma_start3A_182 = tpu.memref_slice %arg13[%dma_start3A_180, %dma_start3A_181] : memref<10048x128xbf16, #tpu.memory_space<vmem_shared>> -> memref<10048x128xbf16, #tpu.memory_space<vmem_shared>>
      tpu.enqueue_indirect_dma source(%arg12 : memref<128x128xbf16, #tpu.memory_space<vmem>>) target(%dma_start3A_182 : memref<10048x128xbf16, #tpu.memory_space<vmem_shared>>) offsets(%dma_start3A_179 : memref<128xi32, #tpu.memory_space<vmem>>) semaphore(%arg21 : memref<!tpu.dma_semaphore, #tpu.memory_space<semaphore_mem>>) {add = true}
      %add3A_183 = arith.constant 0 : i32
      %add3A_184 = arith.addi %mul3A_119, %add3A_183 : i32
      %dma_wait3A_185 = arith.constant 0 : i32
      %dma_wait3A_186 = tpu.memref_slice %arg8[%add3A_184, %dma_wait3A_185] : memref<160x128xi32, #tpu.memory_space<vmem>> -> memref<1x128xi32, #tpu.memory_space<vmem>>
      %dma_wait3A_187 = tpu.memref_squeeze %dma_wait3A_186 : memref<1x128xi32, #tpu.memory_space<vmem>> -> memref<128xi32, #tpu.memory_space<vmem>>
      %dma_wait3A_188 = arith.constant 0 : i32
      %dma_wait3A_189 = arith.constant 0 : i32
      %dma_wait3A_190 = tpu.memref_slice %arg13[%dma_wait3A_188, %dma_wait3A_189] : memref<10048x128xbf16, #tpu.memory_space<vmem_shared>> -> memref<10048x128xbf16, #tpu.memory_space<vmem_shared>>
      tpu.wait_indirect_dma semaphore(%arg18 : memref<!tpu.dma_semaphore, #tpu.memory_space<semaphore_mem>>) src(%arg9 : memref<128x128xbf16, #tpu.memory_space<vmem>>) dst(%dma_wait3A_190 : memref<10048x128xbf16, #tpu.memory_space<vmem_shared>>)
      %add3A_191 = arith.constant 4 : i32
      %add3A_192 = arith.addi %mul3A_119, %add3A_191 : i32
      %add3A_193 = arith.constant 0 : i32
      %add3A_194 = arith.addi %add3A_192, %add3A_193 : i32
      %dma_start3A_195 = arith.constant 0 : i32
      %dma_start3A_196 = tpu.memref_slice %arg7[%add3A_194, %dma_start3A_195] : memref<160x128xi32, #tpu.memory_space<vmem>> -> memref<1x128xi32, #tpu.memory_space<vmem>>
      %dma_start3A_197 = tpu.memref_squeeze %dma_start3A_196 : memref<1x128xi32, #tpu.memory_space<vmem>> -> memref<128xi32, #tpu.memory_space<vmem>>
      %dma_start3A_198 = arith.constant 0 : i32
      %dma_start3A_199 = arith.constant 0 : i32
      %dma_start3A_200 = tpu.memref_slice %arg2[%dma_start3A_198, %dma_start3A_199] : memref<20000x128xbf16, #tpu.memory_space<hbm>> -> memref<20000x128xbf16, #tpu.memory_space<hbm>>
      tpu.enqueue_indirect_dma source(%dma_start3A_200 : memref<20000x128xbf16, #tpu.memory_space<hbm>>) target(%arg9 : memref<128x128xbf16, #tpu.memory_space<vmem>>) offsets(%dma_start3A_197 : memref<128xi32, #tpu.memory_space<vmem>>) semaphore(%arg14 : memref<!tpu.dma_semaphore, #tpu.memory_space<semaphore_mem>>)
      %add3A_201 = arith.constant 1 : i32
      %add3A_202 = arith.addi %mul3A_119, %add3A_201 : i32
      %dma_wait3A_203 = arith.constant 0 : i32
      %dma_wait3A_204 = tpu.memref_slice %arg8[%add3A_202, %dma_wait3A_203] : memref<160x128xi32, #tpu.memory_space<vmem>> -> memref<1x128xi32, #tpu.memory_space<vmem>>
      %dma_wait3A_205 = tpu.memref_squeeze %dma_wait3A_204 : memref<1x128xi32, #tpu.memory_space<vmem>> -> memref<128xi32, #tpu.memory_space<vmem>>
      %dma_wait3A_206 = arith.constant 0 : i32
      %dma_wait3A_207 = arith.constant 0 : i32
      %dma_wait3A_208 = tpu.memref_slice %arg13[%dma_wait3A_206, %dma_wait3A_207] : memref<10048x128xbf16, #tpu.memory_space<vmem_shared>> -> memref<10048x128xbf16, #tpu.memory_space<vmem_shared>>
      tpu.wait_indirect_dma semaphore(%arg19 : memref<!tpu.dma_semaphore, #tpu.memory_space<semaphore_mem>>) src(%arg10 : memref<128x128xbf16, #tpu.memory_space<vmem>>) dst(%dma_wait3A_208 : memref<10048x128xbf16, #tpu.memory_space<vmem_shared>>)
      %add3A_209 = arith.constant 4 : i32
      %add3A_210 = arith.addi %mul3A_119, %add3A_209 : i32
      %add3A_211 = arith.constant 1 : i32
      %add3A_212 = arith.addi %add3A_210, %add3A_211 : i32
      %dma_start3A_213 = arith.constant 0 : i32
      %dma_start3A_214 = tpu.memref_slice %arg7[%add3A_212, %dma_start3A_213] : memref<160x128xi32, #tpu.memory_space<vmem>> -> memref<1x128xi32, #tpu.memory_space<vmem>>
      %dma_start3A_215 = tpu.memref_squeeze %dma_start3A_214 : memref<1x128xi32, #tpu.memory_space<vmem>> -> memref<128xi32, #tpu.memory_space<vmem>>
      %dma_start3A_216 = arith.constant 0 : i32
      %dma_start3A_217 = arith.constant 0 : i32
      %dma_start3A_218 = tpu.memref_slice %arg2[%dma_start3A_216, %dma_start3A_217] : memref<20000x128xbf16, #tpu.memory_space<hbm>> -> memref<20000x128xbf16, #tpu.memory_space<hbm>>
      tpu.enqueue_indirect_dma source(%dma_start3A_218 : memref<20000x128xbf16, #tpu.memory_space<hbm>>) target(%arg10 : memref<128x128xbf16, #tpu.memory_space<vmem>>) offsets(%dma_start3A_215 : memref<128xi32, #tpu.memory_space<vmem>>) semaphore(%arg15 : memref<!tpu.dma_semaphore, #tpu.memory_space<semaphore_mem>>)
      %add3A_219 = arith.constant 2 : i32
      %add3A_220 = arith.addi %mul3A_119, %add3A_219 : i32
      %dma_wait3A_221 = arith.constant 0 : i32
      %dma_wait3A_222 = tpu.memref_slice %arg8[%add3A_220, %dma_wait3A_221] : memref<160x128xi32, #tpu.memory_space<vmem>> -> memref<1x128xi32, #tpu.memory_space<vmem>>
      %dma_wait3A_223 = tpu.memref_squeeze %dma_wait3A_222 : memref<1x128xi32, #tpu.memory_space<vmem>> -> memref<128xi32, #tpu.memory_space<vmem>>
      %dma_wait3A_224 = arith.constant 0 : i32
      %dma_wait3A_225 = arith.constant 0 : i32
      %dma_wait3A_226 = tpu.memref_slice %arg13[%dma_wait3A_224, %dma_wait3A_225] : memref<10048x128xbf16, #tpu.memory_space<vmem_shared>> -> memref<10048x128xbf16, #tpu.memory_space<vmem_shared>>
      tpu.wait_indirect_dma semaphore(%arg20 : memref<!tpu.dma_semaphore, #tpu.memory_space<semaphore_mem>>) src(%arg11 : memref<128x128xbf16, #tpu.memory_space<vmem>>) dst(%dma_wait3A_226 : memref<10048x128xbf16, #tpu.memory_space<vmem_shared>>)
      %add3A_227 = arith.constant 4 : i32
      %add3A_228 = arith.addi %mul3A_119, %add3A_227 : i32
      %add3A_229 = arith.constant 2 : i32
      %add3A_230 = arith.addi %add3A_228, %add3A_229 : i32
      %dma_start3A_231 = arith.constant 0 : i32
      %dma_start3A_232 = tpu.memref_slice %arg7[%add3A_230, %dma_start3A_231] : memref<160x128xi32, #tpu.memory_space<vmem>> -> memref<1x128xi32, #tpu.memory_space<vmem>>
      %dma_start3A_233 = tpu.memref_squeeze %dma_start3A_232 : memref<1x128xi32, #tpu.memory_space<vmem>> -> memref<128xi32, #tpu.memory_space<vmem>>
      %dma_start3A_234 = arith.constant 0 : i32
      %dma_start3A_235 = arith.constant 0 : i32
      %dma_start3A_236 = tpu.memref_slice %arg2[%dma_start3A_234, %dma_start3A_235] : memref<20000x128xbf16, #tpu.memory_space<hbm>> -> memref<20000x128xbf16, #tpu.memory_space<hbm>>
      tpu.enqueue_indirect_dma source(%dma_start3A_236 : memref<20000x128xbf16, #tpu.memory_space<hbm>>) target(%arg11 : memref<128x128xbf16, #tpu.memory_space<vmem>>) offsets(%dma_start3A_233 : memref<128xi32, #tpu.memory_space<vmem>>) semaphore(%arg16 : memref<!tpu.dma_semaphore, #tpu.memory_space<semaphore_mem>>)
      %add3A_237 = arith.constant 3 : i32
      %add3A_238 = arith.addi %mul3A_119, %add3A_237 : i32
      %dma_wait3A_239 = arith.constant 0 : i32
      %dma_wait3A_240 = tpu.memref_slice %arg8[%add3A_238, %dma_wait3A_239] : memref<160x128xi32, #tpu.memory_space<vmem>> -> memref<1x128xi32, #tpu.memory_space<vmem>>
      %dma_wait3A_241 = tpu.memref_squeeze %dma_wait3A_240 : memref<1x128xi32, #tpu.memory_space<vmem>> -> memref<128xi32, #tpu.memory_space<vmem>>
      %dma_wait3A_242 = arith.constant 0 : i32
      %dma_wait3A_243 = arith.constant 0 : i32
      %dma_wait3A_244 = tpu.memref_slice %arg13[%dma_wait3A_242, %dma_wait3A_243] : memref<10048x128xbf16, #tpu.memory_space<vmem_shared>> -> memref<10048x128xbf16, #tpu.memory_space<vmem_shared>>
      tpu.wait_indirect_dma semaphore(%arg21 : memref<!tpu.dma_semaphore, #tpu.memory_space<semaphore_mem>>) src(%arg12 : memref<128x128xbf16, #tpu.memory_space<vmem>>) dst(%dma_wait3A_244 : memref<10048x128xbf16, #tpu.memory_space<vmem_shared>>)
      %add3A_245 = arith.constant 4 : i32
      %add3A_246 = arith.addi %mul3A_119, %add3A_245 : i32
      %add3A_247 = arith.constant 3 : i32
      %add3A_248 = arith.addi %add3A_246, %add3A_247 : i32
      %dma_start3A_249 = arith.constant 0 : i32
      %dma_start3A_250 = tpu.memref_slice %arg7[%add3A_248, %dma_start3A_249] : memref<160x128xi32, #tpu.memory_space<vmem>> -> memref<1x128xi32, #tpu.memory_space<vmem>>
      %dma_start3A_251 = tpu.memref_squeeze %dma_start3A_250 : memref<1x128xi32, #tpu.memory_space<vmem>> -> memref<128xi32, #tpu.memory_space<vmem>>
      %dma_start3A_252 = arith.constant 0 : i32
      %dma_start3A_253 = arith.constant 0 : i32
      %dma_start3A_254 = tpu.memref_slice %arg2[%dma_start3A_252, %dma_start3A_253] : memref<20000x128xbf16, #tpu.memory_space<hbm>> -> memref<20000x128xbf16, #tpu.memory_space<hbm>>
      tpu.enqueue_indirect_dma source(%dma_start3A_254 : memref<20000x128xbf16, #tpu.memory_space<hbm>>) target(%arg12 : memref<128x128xbf16, #tpu.memory_space<vmem>>) offsets(%dma_start3A_251 : memref<128xi32, #tpu.memory_space<vmem>>) semaphore(%arg17 : memref<!tpu.dma_semaphore, #tpu.memory_space<semaphore_mem>>)
    }
    %scan3A_32 = arith.constant 39 : i32
    %dma_wait3A = arith.constant 156 : i32
    %dma_wait3A_33 = arith.constant 0 : i32
    %dma_wait3A_34 = tpu.memref_slice %arg7[%dma_wait3A, %dma_wait3A_33] : memref<160x128xi32, #tpu.memory_space<vmem>> -> memref<1x128xi32, #tpu.memory_space<vmem>>
    %dma_wait3A_35 = tpu.memref_squeeze %dma_wait3A_34 : memref<1x128xi32, #tpu.memory_space<vmem>> -> memref<128xi32, #tpu.memory_space<vmem>>
    %dma_wait3A_36 = arith.constant 0 : i32
    %dma_wait3A_37 = arith.constant 0 : i32
    %dma_wait3A_38 = tpu.memref_slice %arg2[%dma_wait3A_36, %dma_wait3A_37] : memref<20000x128xbf16, #tpu.memory_space<hbm>> -> memref<20000x128xbf16, #tpu.memory_space<hbm>>
    tpu.wait_indirect_dma semaphore(%arg14 : memref<!tpu.dma_semaphore, #tpu.memory_space<semaphore_mem>>) src(%dma_wait3A_38 : memref<20000x128xbf16, #tpu.memory_space<hbm>>) dst(%arg9 : memref<128x128xbf16, #tpu.memory_space<vmem>>)
    %dma_start3A_39 = arith.constant 156 : i32
    %dma_start3A_40 = arith.constant 0 : i32
    %dma_start3A_41 = tpu.memref_slice %arg8[%dma_start3A_39, %dma_start3A_40] : memref<160x128xi32, #tpu.memory_space<vmem>> -> memref<1x128xi32, #tpu.memory_space<vmem>>
    %dma_start3A_42 = tpu.memref_squeeze %dma_start3A_41 : memref<1x128xi32, #tpu.memory_space<vmem>> -> memref<128xi32, #tpu.memory_space<vmem>>
    %dma_start3A_43 = arith.constant 0 : i32
    %dma_start3A_44 = arith.constant 0 : i32
    %dma_start3A_45 = tpu.memref_slice %arg13[%dma_start3A_43, %dma_start3A_44] : memref<10048x128xbf16, #tpu.memory_space<vmem_shared>> -> memref<10048x128xbf16, #tpu.memory_space<vmem_shared>>
    tpu.enqueue_indirect_dma source(%arg9 : memref<128x128xbf16, #tpu.memory_space<vmem>>) target(%dma_start3A_45 : memref<10048x128xbf16, #tpu.memory_space<vmem_shared>>) offsets(%dma_start3A_42 : memref<128xi32, #tpu.memory_space<vmem>>) semaphore(%arg18 : memref<!tpu.dma_semaphore, #tpu.memory_space<semaphore_mem>>) {add = true}
    %dma_wait3A_46 = arith.constant 157 : i32
    %dma_wait3A_47 = arith.constant 0 : i32
    %dma_wait3A_48 = tpu.memref_slice %arg7[%dma_wait3A_46, %dma_wait3A_47] : memref<160x128xi32, #tpu.memory_space<vmem>> -> memref<1x128xi32, #tpu.memory_space<vmem>>
    %dma_wait3A_49 = tpu.memref_squeeze %dma_wait3A_48 : memref<1x128xi32, #tpu.memory_space<vmem>> -> memref<128xi32, #tpu.memory_space<vmem>>
    %dma_wait3A_50 = arith.constant 0 : i32
    %dma_wait3A_51 = arith.constant 0 : i32
    %dma_wait3A_52 = tpu.memref_slice %arg2[%dma_wait3A_50, %dma_wait3A_51] : memref<20000x128xbf16, #tpu.memory_space<hbm>> -> memref<20000x128xbf16, #tpu.memory_space<hbm>>
    tpu.wait_indirect_dma semaphore(%arg15 : memref<!tpu.dma_semaphore, #tpu.memory_space<semaphore_mem>>) src(%dma_wait3A_52 : memref<20000x128xbf16, #tpu.memory_space<hbm>>) dst(%arg10 : memref<128x128xbf16, #tpu.memory_space<vmem>>)
    %dma_start3A_53 = arith.constant 157 : i32
    %dma_start3A_54 = arith.constant 0 : i32
    %dma_start3A_55 = tpu.memref_slice %arg8[%dma_start3A_53, %dma_start3A_54] : memref<160x128xi32, #tpu.memory_space<vmem>> -> memref<1x128xi32, #tpu.memory_space<vmem>>
    %dma_start3A_56 = tpu.memref_squeeze %dma_start3A_55 : memref<1x128xi32, #tpu.memory_space<vmem>> -> memref<128xi32, #tpu.memory_space<vmem>>
    %dma_start3A_57 = arith.constant 0 : i32
    %dma_start3A_58 = arith.constant 0 : i32
    %dma_start3A_59 = tpu.memref_slice %arg13[%dma_start3A_57, %dma_start3A_58] : memref<10048x128xbf16, #tpu.memory_space<vmem_shared>> -> memref<10048x128xbf16, #tpu.memory_space<vmem_shared>>
    tpu.enqueue_indirect_dma source(%arg10 : memref<128x128xbf16, #tpu.memory_space<vmem>>) target(%dma_start3A_59 : memref<10048x128xbf16, #tpu.memory_space<vmem_shared>>) offsets(%dma_start3A_56 : memref<128xi32, #tpu.memory_space<vmem>>) semaphore(%arg19 : memref<!tpu.dma_semaphore, #tpu.memory_space<semaphore_mem>>) {add = true}
    %dma_wait3A_60 = arith.constant 158 : i32
    %dma_wait3A_61 = arith.constant 0 : i32
    %dma_wait3A_62 = tpu.memref_slice %arg7[%dma_wait3A_60, %dma_wait3A_61] : memref<160x128xi32, #tpu.memory_space<vmem>> -> memref<1x128xi32, #tpu.memory_space<vmem>>
    %dma_wait3A_63 = tpu.memref_squeeze %dma_wait3A_62 : memref<1x128xi32, #tpu.memory_space<vmem>> -> memref<128xi32, #tpu.memory_space<vmem>>
    %dma_wait3A_64 = arith.constant 0 : i32
    %dma_wait3A_65 = arith.constant 0 : i32
    %dma_wait3A_66 = tpu.memref_slice %arg2[%dma_wait3A_64, %dma_wait3A_65] : memref<20000x128xbf16, #tpu.memory_space<hbm>> -> memref<20000x128xbf16, #tpu.memory_space<hbm>>
    tpu.wait_indirect_dma semaphore(%arg16 : memref<!tpu.dma_semaphore, #tpu.memory_space<semaphore_mem>>) src(%dma_wait3A_66 : memref<20000x128xbf16, #tpu.memory_space<hbm>>) dst(%arg11 : memref<128x128xbf16, #tpu.memory_space<vmem>>)
    %dma_start3A_67 = arith.constant 158 : i32
    %dma_start3A_68 = arith.constant 0 : i32
    %dma_start3A_69 = tpu.memref_slice %arg8[%dma_start3A_67, %dma_start3A_68] : memref<160x128xi32, #tpu.memory_space<vmem>> -> memref<1x128xi32, #tpu.memory_space<vmem>>
    %dma_start3A_70 = tpu.memref_squeeze %dma_start3A_69 : memref<1x128xi32, #tpu.memory_space<vmem>> -> memref<128xi32, #tpu.memory_space<vmem>>
    %dma_start3A_71 = arith.constant 0 : i32
    %dma_start3A_72 = arith.constant 0 : i32
    %dma_start3A_73 = tpu.memref_slice %arg13[%dma_start3A_71, %dma_start3A_72] : memref<10048x128xbf16, #tpu.memory_space<vmem_shared>> -> memref<10048x128xbf16, #tpu.memory_space<vmem_shared>>
    tpu.enqueue_indirect_dma source(%arg11 : memref<128x128xbf16, #tpu.memory_space<vmem>>) target(%dma_start3A_73 : memref<10048x128xbf16, #tpu.memory_space<vmem_shared>>) offsets(%dma_start3A_70 : memref<128xi32, #tpu.memory_space<vmem>>) semaphore(%arg20 : memref<!tpu.dma_semaphore, #tpu.memory_space<semaphore_mem>>) {add = true}
    %dma_wait3A_74 = arith.constant 159 : i32
    %dma_wait3A_75 = arith.constant 0 : i32
    %dma_wait3A_76 = tpu.memref_slice %arg7[%dma_wait3A_74, %dma_wait3A_75] : memref<160x128xi32, #tpu.memory_space<vmem>> -> memref<1x128xi32, #tpu.memory_space<vmem>>
    %dma_wait3A_77 = tpu.memref_squeeze %dma_wait3A_76 : memref<1x128xi32, #tpu.memory_space<vmem>> -> memref<128xi32, #tpu.memory_space<vmem>>
    %dma_wait3A_78 = arith.constant 0 : i32
    %dma_wait3A_79 = arith.constant 0 : i32
    %dma_wait3A_80 = tpu.memref_slice %arg2[%dma_wait3A_78, %dma_wait3A_79] : memref<20000x128xbf16, #tpu.memory_space<hbm>> -> memref<20000x128xbf16, #tpu.memory_space<hbm>>
    tpu.wait_indirect_dma semaphore(%arg17 : memref<!tpu.dma_semaphore, #tpu.memory_space<semaphore_mem>>) src(%dma_wait3A_80 : memref<20000x128xbf16, #tpu.memory_space<hbm>>) dst(%arg12 : memref<128x128xbf16, #tpu.memory_space<vmem>>)
    %dma_start3A_81 = arith.constant 159 : i32
    %dma_start3A_82 = arith.constant 0 : i32
    %dma_start3A_83 = tpu.memref_slice %arg8[%dma_start3A_81, %dma_start3A_82] : memref<160x128xi32, #tpu.memory_space<vmem>> -> memref<1x128xi32, #tpu.memory_space<vmem>>
    %dma_start3A_84 = tpu.memref_squeeze %dma_start3A_83 : memref<1x128xi32, #tpu.memory_space<vmem>> -> memref<128xi32, #tpu.memory_space<vmem>>
    %dma_start3A_85 = arith.constant 0 : i32
    %dma_start3A_86 = arith.constant 0 : i32
    %dma_start3A_87 = tpu.memref_slice %arg13[%dma_start3A_85, %dma_start3A_86] : memref<10048x128xbf16, #tpu.memory_space<vmem_shared>> -> memref<10048x128xbf16, #tpu.memory_space<vmem_shared>>
    tpu.enqueue_indirect_dma source(%arg12 : memref<128x128xbf16, #tpu.memory_space<vmem>>) target(%dma_start3A_87 : memref<10048x128xbf16, #tpu.memory_space<vmem_shared>>) offsets(%dma_start3A_84 : memref<128xi32, #tpu.memory_space<vmem>>) semaphore(%arg21 : memref<!tpu.dma_semaphore, #tpu.memory_space<semaphore_mem>>) {add = true}
    %dma_wait3A_88 = arith.constant 156 : i32
    %dma_wait3A_89 = arith.constant 0 : i32
    %dma_wait3A_90 = tpu.memref_slice %arg8[%dma_wait3A_88, %dma_wait3A_89] : memref<160x128xi32, #tpu.memory_space<vmem>> -> memref<1x128xi32, #tpu.memory_space<vmem>>
    %dma_wait3A_91 = tpu.memref_squeeze %dma_wait3A_90 : memref<1x128xi32, #tpu.memory_space<vmem>> -> memref<128xi32, #tpu.memory_space<vmem>>
    %dma_wait3A_92 = arith.constant 0 : i32
    %dma_wait3A_93 = arith.constant 0 : i32
    %dma_wait3A_94 = tpu.memref_slice %arg13[%dma_wait3A_92, %dma_wait3A_93] : memref<10048x128xbf16, #tpu.memory_space<vmem_shared>> -> memref<10048x128xbf16, #tpu.memory_space<vmem_shared>>
    tpu.wait_indirect_dma semaphore(%arg18 : memref<!tpu.dma_semaphore, #tpu.memory_space<semaphore_mem>>) src(%arg9 : memref<128x128xbf16, #tpu.memory_space<vmem>>) dst(%dma_wait3A_94 : memref<10048x128xbf16, #tpu.memory_space<vmem_shared>>)
    %dma_wait3A_95 = arith.constant 157 : i32
    %dma_wait3A_96 = arith.constant 0 : i32
    %dma_wait3A_97 = tpu.memref_slice %arg8[%dma_wait3A_95, %dma_wait3A_96] : memref<160x128xi32, #tpu.memory_space<vmem>> -> memref<1x128xi32, #tpu.memory_space<vmem>>
    %dma_wait3A_98 = tpu.memref_squeeze %dma_wait3A_97 : memref<1x128xi32, #tpu.memory_space<vmem>> -> memref<128xi32, #tpu.memory_space<vmem>>
    %dma_wait3A_99 = arith.constant 0 : i32
    %dma_wait3A_100 = arith.constant 0 : i32
    %dma_wait3A_101 = tpu.memref_slice %arg13[%dma_wait3A_99, %dma_wait3A_100] : memref<10048x128xbf16, #tpu.memory_space<vmem_shared>> -> memref<10048x128xbf16, #tpu.memory_space<vmem_shared>>
    tpu.wait_indirect_dma semaphore(%arg19 : memref<!tpu.dma_semaphore, #tpu.memory_space<semaphore_mem>>) src(%arg10 : memref<128x128xbf16, #tpu.memory_space<vmem>>) dst(%dma_wait3A_101 : memref<10048x128xbf16, #tpu.memory_space<vmem_shared>>)
    %dma_wait3A_102 = arith.constant 158 : i32
    %dma_wait3A_103 = arith.constant 0 : i32
    %dma_wait3A_104 = tpu.memref_slice %arg8[%dma_wait3A_102, %dma_wait3A_103] : memref<160x128xi32, #tpu.memory_space<vmem>> -> memref<1x128xi32, #tpu.memory_space<vmem>>
    %dma_wait3A_105 = tpu.memref_squeeze %dma_wait3A_104 : memref<1x128xi32, #tpu.memory_space<vmem>> -> memref<128xi32, #tpu.memory_space<vmem>>
    %dma_wait3A_106 = arith.constant 0 : i32
    %dma_wait3A_107 = arith.constant 0 : i32
    %dma_wait3A_108 = tpu.memref_slice %arg13[%dma_wait3A_106, %dma_wait3A_107] : memref<10048x128xbf16, #tpu.memory_space<vmem_shared>> -> memref<10048x128xbf16, #tpu.memory_space<vmem_shared>>
    tpu.wait_indirect_dma semaphore(%arg20 : memref<!tpu.dma_semaphore, #tpu.memory_space<semaphore_mem>>) src(%arg11 : memref<128x128xbf16, #tpu.memory_space<vmem>>) dst(%dma_wait3A_108 : memref<10048x128xbf16, #tpu.memory_space<vmem_shared>>)
    %dma_wait3A_109 = arith.constant 159 : i32
    %dma_wait3A_110 = arith.constant 0 : i32
    %dma_wait3A_111 = tpu.memref_slice %arg8[%dma_wait3A_109, %dma_wait3A_110] : memref<160x128xi32, #tpu.memory_space<vmem>> -> memref<1x128xi32, #tpu.memory_space<vmem>>
    %dma_wait3A_112 = tpu.memref_squeeze %dma_wait3A_111 : memref<1x128xi32, #tpu.memory_space<vmem>> -> memref<128xi32, #tpu.memory_space<vmem>>
    %dma_wait3A_113 = arith.constant 0 : i32
    %dma_wait3A_114 = arith.constant 0 : i32
    %dma_wait3A_115 = tpu.memref_slice %arg13[%dma_wait3A_113, %dma_wait3A_114] : memref<10048x128xbf16, #tpu.memory_space<vmem_shared>> -> memref<10048x128xbf16, #tpu.memory_space<vmem_shared>>
    tpu.wait_indirect_dma semaphore(%arg21 : memref<!tpu.dma_semaphore, #tpu.memory_space<semaphore_mem>>) src(%arg12 : memref<128x128xbf16, #tpu.memory_space<vmem>>) dst(%dma_wait3A_115 : memref<10048x128xbf16, #tpu.memory_space<vmem_shared>>)
    %barrier3A_116 = arith.constant 0 : index
    tpu.barrier barrier_id(%barrier3A_116)
    "tpu.region"() ({
      %run_scoped3A = tpu.sem_alloc : memref<!tpu.dma_semaphore, #tpu.memory_space<semaphore_mem>>
      %dma_start3A_117 = arith.constant 0 : i32
      %dma_start3A_118 = tpu.memref_slice %arg6[%arg0, %mul3A_0, %dma_start3A_117] : memref<2x10048x128xbf16, #tpu.memory_space<hbm>> -> memref<1x628x128xbf16, #tpu.memory_space<hbm>>
      %dma_start3A_119 = tpu.memref_squeeze %dma_start3A_118 : memref<1x628x128xbf16, #tpu.memory_space<hbm>> -> memref<628x128xbf16, #tpu.memory_space<hbm>>
      %dma_start3A_120 = arith.constant 0 : i32
      %dma_start3A_121 = tpu.memref_slice %arg13[%mul3A_0, %dma_start3A_120] : memref<10048x128xbf16, #tpu.memory_space<vmem_shared>> -> memref<628x128xbf16, #tpu.memory_space<vmem_shared>>
      tpu.enqueue_dma source(%dma_start3A_121 : memref<628x128xbf16, #tpu.memory_space<vmem_shared>>) target(%dma_start3A_119 : memref<628x128xbf16, #tpu.memory_space<hbm>>) target_semaphore(%run_scoped3A : memref<!tpu.dma_semaphore, #tpu.memory_space<semaphore_mem>>)
      %dma_wait3A_122 = arith.constant 0 : i32
      %dma_wait3A_123 = tpu.memref_slice %arg6[%arg0, %mul3A_0, %dma_wait3A_122] : memref<2x10048x128xbf16, #tpu.memory_space<hbm>> -> memref<1x628x128xbf16, #tpu.memory_space<hbm>>
      %dma_wait3A_124 = tpu.memref_squeeze %dma_wait3A_123 : memref<1x628x128xbf16, #tpu.memory_space<hbm>> -> memref<628x128xbf16, #tpu.memory_space<hbm>>
      %dma_wait3A_125 = arith.constant 0 : i32
      %dma_wait3A_126 = tpu.memref_slice %arg13[%mul3A_0, %dma_wait3A_125] : memref<10048x128xbf16, #tpu.memory_space<vmem_shared>> -> memref<628x128xbf16, #tpu.memory_space<vmem_shared>>
      tpu.wait_dma2 semaphore(%run_scoped3A : memref<!tpu.dma_semaphore, #tpu.memory_space<semaphore_mem>>) src(%dma_wait3A_126 : memref<628x128xbf16, #tpu.memory_space<vmem_shared>>) dst(%dma_wait3A_124 : memref<628x128xbf16, #tpu.memory_space<hbm>>)
      tpu.yield
    }) : () -> ()
    return
  }
}

module attributes {stable_mosaic.version = 14 : i64} {
  func.func @_scale1_body(%arg0: i32, %arg1: memref<2000x128xf32, #tpu.memory_space<vmem>>, %arg2: memref<2000x1xf32, #tpu.memory_space<vmem>>, %arg3: memref<128x128xf32, #tpu.memory_space<vmem>>, %arg4: memref<2000x128xbf16, #tpu.memory_space<vmem>>) attributes {dimension_semantics = [#tpu.dimension_semantics<arbitrary>], iteration_bounds = array<i64: 10>, scalar_prefetch = 0 : i64, scratch_operands = 0 : i64, tpu.core_type = #tpu.core_type<tc>, window_params = [{transform_indices = @transform_0, window_bounds = array<i64: 2000, 128>}, {transform_indices = @transform_1, window_bounds = array<i64: 2000, 1>}, {pipeline_mode = #tpu.pipeline_mode<synchronous>, transform_indices = @transform_2, window_bounds = array<i64: 128, 128>}, {transform_indices = @transform_3, window_bounds = array<i64: 2000, 128>}]} {
    %get3A = arith.constant 0 : index
    %get3A_0 = arith.constant 0 : index
    %get3A_1 = vector.load %arg2[%get3A, %get3A_0] : memref<2000x1xf32, #tpu.memory_space<vmem>>, vector<2000x1xf32>
    %gt3A = arith.constant 0.000000e+00 : f32
    %gt3A_2 = vector.broadcast %gt3A : f32 to vector<2000x1xf32>
    %gt3A_3 = arith.cmpf ogt, %get3A_1, %gt3A_2 : vector<2000x1xf32>
    %max3A = arith.constant 9.99999971E-10 : f32
    %max3A_4 = vector.broadcast %max3A : f32 to vector<2000x1xf32>
    %max3A_5 = arith.maximumf %get3A_1, %max3A_4 : vector<2000x1xf32>
    %rsqrt3A = math.rsqrt %max3A_5 : vector<2000x1xf32>
    %jit3A = arith.constant 0.000000e+00 : f32
    %broadcast_in_dim3A = vector.broadcast %jit3A : f32 to vector<2000x1xf32>
    %select_n3A = arith.select %gt3A_3, %rsqrt3A, %broadcast_in_dim3A : vector<2000x1xi1>, vector<2000x1xf32>
    %get3A_6 = arith.constant 0 : index
    %get3A_7 = arith.constant 0 : index
    %get3A_8 = vector.load %arg1[%get3A_6, %get3A_7] : memref<2000x128xf32, #tpu.memory_space<vmem>>, vector<2000x128xf32>
    %get3A_9 = arith.constant 0 : index
    %get3A_10 = arith.constant 0 : index
    %get3A_11 = vector.load %arg3[%get3A_9, %get3A_10] : memref<128x128xf32, #tpu.memory_space<vmem>>, vector<128x128xf32>
    %dot_general3A = arith.constant dense<0.000000e+00> : vector<2000x128xf32>
    %dot_general3A_12 = tpu.matmul %get3A_8, %get3A_11, %dot_general3A {dimension_numbers = #tpu.dot_dimension_numbers<[1], [0], [0], [1], [0, 0, 1, 1], [], []>, transpose_lhs_hint = false} : vector<2000x128xf32>, vector<128x128xf32>, vector<2000x128xf32> -> vector<2000x128xf32>
    %mul3A = vector.broadcast %select_n3A : vector<2000x1xf32> to vector<2000x128xf32>
    %mul3A_13 = arith.mulf %dot_general3A_12, %mul3A : vector<2000x128xf32>
    %convert_element_type3A = arith.truncf %mul3A_13 : vector<2000x128xf32> to vector<2000x128xbf16>
    %swap3A = arith.constant 0 : index
    %swap3A_14 = arith.constant 0 : index
    %swap3A_15 = vector.load %arg4[%swap3A, %swap3A_14] : memref<2000x128xbf16, #tpu.memory_space<vmem>>, vector<2000x128xbf16>
    tpu.vector_store %arg4[%swap3A, %swap3A_14], %convert_element_type3A {strides = array<i32>} : memref<2000x128xbf16, #tpu.memory_space<vmem>>, vector<2000x128xbf16>,
    return
  }
  func.func @transform_0(%arg0: i32) -> (i32, i32) {
    %c0_i32 = arith.constant 0 : i32
    %c0_i32_0 = arith.constant 0 : i32
    return %arg0, %c0_i32 : i32, i32
  }
  func.func @transform_1(%arg0: i32) -> (i32, i32) {
    %c0_i32 = arith.constant 0 : i32
    %c0_i32_0 = arith.constant 0 : i32
    return %arg0, %c0_i32 : i32, i32
  }
  func.func @transform_2(%arg0: i32) -> (i32, i32) {
    %c0_i32 = arith.constant 0 : i32
    %c0_i32_0 = arith.constant 0 : i32
    %c0_i32_1 = arith.constant 0 : i32
    return %c0_i32, %c0_i32_0 : i32, i32
  }
  func.func @transform_3(%arg0: i32) -> (i32, i32) {
    %c0_i32 = arith.constant 0 : i32
    %c0_i32_0 = arith.constant 0 : i32
    return %arg0, %c0_i32 : i32, i32
  }
}

module attributes {stable_mosaic.version = 14 : i64} {
  func.func @_prep2_body(%arg0: i32, %arg1: memref<1x2000x128xbf16, #tpu.memory_space<vmem>>, %arg2: memref<2000x1xf32, #tpu.memory_space<vmem>>, %arg3: memref<2000x1xf32, #tpu.memory_space<vmem>>, %arg4: memref<1x128xf32, #tpu.memory_space<vmem>>, %arg5: memref<128x128xf32, #tpu.memory_space<vmem>>, %arg6: memref<2000x128xbf16, #tpu.memory_space<vmem>>) attributes {dimension_semantics = [#tpu.dimension_semantics<arbitrary>], iteration_bounds = array<i64: 10>, scalar_prefetch = 0 : i64, scratch_operands = 0 : i64, tpu.core_type = #tpu.core_type<tc>, window_params = [{transform_indices = @transform_0, window_bounds = array<i64: 1, 2000, 128>}, {transform_indices = @transform_1, window_bounds = array<i64: 2000, 1>}, {transform_indices = @transform_2, window_bounds = array<i64: 2000, 1>}, {pipeline_mode = #tpu.pipeline_mode<synchronous>, transform_indices = @transform_3, window_bounds = array<i64: 1, 128>}, {pipeline_mode = #tpu.pipeline_mode<synchronous>, transform_indices = @transform_4, window_bounds = array<i64: 128, 128>}, {transform_indices = @transform_5, window_bounds = array<i64: 2000, 128>}]} {
    %get3A = arith.constant 0 : index
    %get3A_0 = arith.constant 0 : index
    %get3A_1 = vector.load %arg2[%get3A, %get3A_0] : memref<2000x1xf32, #tpu.memory_space<vmem>>, vector<2000x1xf32>
    %gt3A = arith.constant 0.000000e+00 : f32
    %gt3A_2 = vector.broadcast %gt3A : f32 to vector<2000x1xf32>
    %gt3A_3 = arith.cmpf ogt, %get3A_1, %gt3A_2 : vector<2000x1xf32>
    %max3A = arith.constant 9.99999971E-10 : f32
    %max3A_4 = vector.broadcast %max3A : f32 to vector<2000x1xf32>
    %max3A_5 = arith.maximumf %get3A_1, %max3A_4 : vector<2000x1xf32>
    %rsqrt3A = math.rsqrt %max3A_5 : vector<2000x1xf32>
    %jit3A = arith.constant 0.000000e+00 : f32
    %broadcast_in_dim3A = vector.broadcast %jit3A : f32 to vector<2000x1xf32>
    %select_n3A = arith.select %gt3A_3, %rsqrt3A, %broadcast_in_dim3A : vector<2000x1xi1>, vector<2000x1xf32>
    %get3A_6 = arith.constant 0 : index
    %get3A_7 = arith.constant 0 : index
    %get3A_8 = vector.load %arg3[%get3A_6, %get3A_7] : memref<2000x1xf32, #tpu.memory_space<vmem>>, vector<2000x1xf32>
    %gt3A_9 = arith.constant 0.000000e+00 : f32
    %gt3A_10 = vector.broadcast %gt3A_9 : f32 to vector<2000x1xf32>
    %gt3A_11 = arith.cmpf ogt, %get3A_8, %gt3A_10 : vector<2000x1xf32>
    %max3A_12 = arith.constant 9.99999971E-10 : f32
    %max3A_13 = vector.broadcast %max3A_12 : f32 to vector<2000x1xf32>
    %max3A_14 = arith.maximumf %get3A_8, %max3A_13 : vector<2000x1xf32>
    %rsqrt3A_15 = math.rsqrt %max3A_14 : vector<2000x1xf32>
    %jit3A_16 = arith.constant 0.000000e+00 : f32
    %broadcast_in_dim3A_17 = vector.broadcast %jit3A_16 : f32 to vector<2000x1xf32>
    %select_n3A_18 = arith.select %gt3A_11, %rsqrt3A_15, %broadcast_in_dim3A_17 : vector<2000x1xi1>, vector<2000x1xf32>
    %get3A_19 = arith.constant 0 : index
    %get3A_20 = arith.constant 0 : index
    %get3A_21 = arith.constant 0 : index
    %get3A_22 = vector.load %arg1[%get3A_19, %get3A_20, %get3A_21] : memref<1x2000x128xbf16, #tpu.memory_space<vmem>>, vector<1x2000x128xbf16>
    %get3A_23 = vector.shape_cast %get3A_22 : vector<1x2000x128xbf16> to vector<2000x128xbf16>
    %convert_element_type3A = arith.extf %get3A_23 : vector<2000x128xbf16> to vector<2000x128xf32>
    %mul3A = vector.broadcast %select_n3A : vector<2000x1xf32> to vector<2000x128xf32>
    %mul3A_24 = arith.mulf %convert_element_type3A, %mul3A : vector<2000x128xf32>
    %get3A_25 = arith.constant 0 : index
    %get3A_26 = arith.constant 0 : index
    %get3A_27 = vector.load %arg4[%get3A_25, %get3A_26] : memref<1x128xf32, #tpu.memory_space<vmem>>, vector<1x128xf32>
    %add3A = vector.broadcast %get3A_27 : vector<1x128xf32> to vector<2000x128xf32>
    %add3A_28 = arith.addf %mul3A_24, %add3A : vector<2000x128xf32>
    %max3A_29 = arith.constant 0.000000e+00 : f32
    %max3A_30 = vector.broadcast %max3A_29 : f32 to vector<2000x128xf32>
    %max3A_31 = arith.maximumf %add3A_28, %max3A_30 : vector<2000x128xf32>
    %get3A_32 = arith.constant 0 : index
    %get3A_33 = arith.constant 0 : index
    %get3A_34 = vector.load %arg5[%get3A_32, %get3A_33] : memref<128x128xf32, #tpu.memory_space<vmem>>, vector<128x128xf32>
    %dot_general3A = arith.constant dense<0.000000e+00> : vector<2000x128xf32>
    %dot_general3A_35 = tpu.matmul %max3A_31, %get3A_34, %dot_general3A {dimension_numbers = #tpu.dot_dimension_numbers<[1], [0], [0], [1], [0, 0, 1, 1], [], []>, transpose_lhs_hint = false} : vector<2000x128xf32>, vector<128x128xf32>, vector<2000x128xf32> -> vector<2000x128xf32>
    %mul3A_36 = vector.broadcast %select_n3A_18 : vector<2000x1xf32> to vector<2000x128xf32>
    %mul3A_37 = arith.mulf %dot_general3A_35, %mul3A_36 : vector<2000x128xf32>
    %convert_element_type3A_38 = arith.truncf %mul3A_37 : vector<2000x128xf32> to vector<2000x128xbf16>
    %swap3A = arith.constant 0 : index
    %swap3A_39 = arith.constant 0 : index
    %swap3A_40 = vector.load %arg6[%swap3A, %swap3A_39] : memref<2000x128xbf16, #tpu.memory_space<vmem>>, vector<2000x128xbf16>
    tpu.vector_store %arg6[%swap3A, %swap3A_39], %convert_element_type3A_38 {strides = array<i32>} : memref<2000x128xbf16, #tpu.memory_space<vmem>>, vector<2000x128xbf16>,
    return
  }
  func.func @transform_0(%arg0: i32) -> (i32, i32, i32) {
    %jit3A = arith.constant 5 : i32
    %div3A = arith.divsi %arg0, %jit3A : i32
    %sign3A = arith.constant 0 : i32
    %sign3A_0 = arith.cmpi sgt, %arg0, %sign3A : i32
    %sign3A_1 = arith.extui %sign3A_0 : i1 to i32
    %sign3A_2 = arith.constant 0 : i32
    %sign3A_3 = arith.cmpi slt, %arg0, %sign3A_2 : i32
    %sign3A_4 = arith.extui %sign3A_3 : i1 to i32
    %sign3A_5 = arith.subi %sign3A_1, %sign3A_4 : i32
    %sign3A_6 = arith.constant 0 : i32
    %sign3A_7 = arith.cmpi sgt, %jit3A, %sign3A_6 : i32
    %sign3A_8 = arith.extui %sign3A_7 : i1 to i32
    %sign3A_9 = arith.constant 0 : i32
    %sign3A_10 = arith.cmpi slt, %jit3A, %sign3A_9 : i32
    %sign3A_11 = arith.extui %sign3A_10 : i1 to i32
    %sign3A_12 = arith.subi %sign3A_8, %sign3A_11 : i32
    %ne3A = arith.cmpi ne, %sign3A_5, %sign3A_12 : i32
    %rem3A = arith.remsi %arg0, %jit3A : i32
    %ne3A_13 = arith.constant 0 : i32
    %ne3A_14 = arith.cmpi ne, %rem3A, %ne3A_13 : i32
    %and3A = arith.andi %ne3A, %ne3A_14 : i1
    %sub3A = arith.constant 1 : i32
    %sub3A_15 = arith.subi %div3A, %sub3A : i32
    %select_n3A = arith.select %and3A, %sub3A_15, %div3A : i32
    %jit3A_16 = arith.constant 5 : i32
    %eq3A = arith.constant 0 : i32
    %eq3A_17 = arith.cmpi eq, %jit3A_16, %eq3A : i32
    %jit3A_18 = arith.constant 1 : i32
    %select_n3A_19 = arith.select %eq3A_17, %jit3A_18, %jit3A_16 : i32
    %rem3A_20 = arith.remsi %arg0, %select_n3A_19 : i32
    %ne3A_21 = arith.constant 0 : i32
    %ne3A_22 = arith.cmpi ne, %rem3A_20, %ne3A_21 : i32
    %lt3A = arith.constant 0 : i32
    %lt3A_23 = arith.cmpi slt, %rem3A_20, %lt3A : i32
    %lt3A_24 = arith.constant 0 : i32
    %lt3A_25 = arith.cmpi slt, %select_n3A_19, %lt3A_24 : i32
    %ne3A_26 = arith.xori %lt3A_23, %lt3A_25 : i1
    %and3A_27 = arith.andi %ne3A_26, %ne3A_22 : i1
    %add3A = arith.addi %rem3A_20, %select_n3A_19 : i32
    %select_n3A_28 = arith.select %and3A_27, %add3A, %rem3A_20 : i32
    %c0_i32 = arith.constant 0 : i32
    %c0_i32_29 = arith.constant 0 : i32
    return %select_n3A, %select_n3A_28, %c0_i32 : i32, i32, i32
  }
  func.func @transform_1(%arg0: i32) -> (i32, i32) {
    %c0_i32 = arith.constant 0 : i32
    %c0_i32_0 = arith.constant 0 : i32
    return %arg0, %c0_i32 : i32, i32
  }
  func.func @transform_2(%arg0: i32) -> (i32, i32) {
    %c0_i32 = arith.constant 0 : i32
    %c0_i32_0 = arith.constant 0 : i32
    return %arg0, %c0_i32 : i32, i32
  }
  func.func @transform_3(%arg0: i32) -> (i32, i32) {
    %c0_i32 = arith.constant 0 : i32
    %c0_i32_0 = arith.constant 0 : i32
    %c0_i32_1 = arith.constant 0 : i32
    return %c0_i32, %c0_i32_0 : i32, i32
  }
  func.func @transform_4(%arg0: i32) -> (i32, i32) {
    %c0_i32 = arith.constant 0 : i32
    %c0_i32_0 = arith.constant 0 : i32
    %c0_i32_1 = arith.constant 0 : i32
    return %c0_i32, %c0_i32_0 : i32, i32
  }
  func.func @transform_5(%arg0: i32) -> (i32, i32) {
    %c0_i32 = arith.constant 0 : i32
    %c0_i32_0 = arith.constant 0 : i32
    return %arg0, %c0_i32 : i32, i32
  }
}

module attributes {stable_mosaic.version = 14 : i64} {
  func.func @_final_body(%arg0: i32, %arg1: memref<1x2000x128xbf16, #tpu.memory_space<vmem>>, %arg2: memref<2000x1xf32, #tpu.memory_space<vmem>>, %arg3: memref<1x128xf32, #tpu.memory_space<vmem>>, %arg4: memref<128x512xf32, #tpu.memory_space<vmem>>, %arg5: memref<1x512xf32, #tpu.memory_space<vmem>>, %arg6: memref<512x128xf32, #tpu.memory_space<vmem>>, %arg7: memref<1x128xf32, #tpu.memory_space<vmem>>, %arg8: memref<128x2xf32, #tpu.memory_space<vmem>>, %arg9: memref<1x2xf32, #tpu.memory_space<vmem>>, %arg10: memref<1x2xf32, #tpu.memory_space<vmem>>, %arg11: memref<8x128xf32, #tpu.memory_space<vmem>>) attributes {dimension_semantics = [#tpu.dimension_semantics<arbitrary>], iteration_bounds = array<i64: 10>, scalar_prefetch = 0 : i64, scratch_operands = 1 : i64, tpu.core_type = #tpu.core_type<tc>, window_params = [{transform_indices = @transform_0, window_bounds = array<i64: 1, 2000, 128>}, {transform_indices = @transform_1, window_bounds = array<i64: 2000, 1>}, {pipeline_mode = #tpu.pipeline_mode<synchronous>, transform_indices = @transform_2, window_bounds = array<i64: 1, 128>}, {pipeline_mode = #tpu.pipeline_mode<synchronous>, transform_indices = @transform_3, window_bounds = array<i64: 128, 512>}, {pipeline_mode = #tpu.pipeline_mode<synchronous>, transform_indices = @transform_4, window_bounds = array<i64: 1, 512>}, {pipeline_mode = #tpu.pipeline_mode<synchronous>, transform_indices = @transform_5, window_bounds = array<i64: 512, 128>}, {pipeline_mode = #tpu.pipeline_mode<synchronous>, transform_indices = @transform_6, window_bounds = array<i64: 1, 128>}, {pipeline_mode = #tpu.pipeline_mode<synchronous>, transform_indices = @transform_7, window_bounds = array<i64: 128, 2>}, {pipeline_mode = #tpu.pipeline_mode<synchronous>, transform_indices = @transform_8, window_bounds = array<i64: 1, 2>}, {pipeline_mode = #tpu.pipeline_mode<synchronous>, transform_indices = @transform_9, window_bounds = array<i64: 1, 2>}]} {
    %eq3A = arith.constant 0 : i32
    %eq3A_0 = arith.cmpi eq, %arg0, %eq3A : i32
    %convert_element_type3A = arith.extui %eq3A_0 : i1 to i32
    %cond3A = arith.constant 0 : i32
    %cond3A_1 = arith.cmpi ne, %convert_element_type3A, %cond3A : i32
    scf.if %cond3A_1 {
      %broadcast_in_dim3A_62 = arith.constant 0.000000e+00 : f32
      %broadcast_in_dim3A_63 = vector.broadcast %broadcast_in_dim3A_62 : f32 to vector<8x128xf32>
      %swap3A_64 = arith.constant 0 : index
      %swap3A_65 = arith.constant 0 : index
      %swap3A_66 = vector.load %arg11[%swap3A_64, %swap3A_65] : memref<8x128xf32, #tpu.memory_space<vmem>>, vector<8x128xf32>
      tpu.vector_store %arg11[%swap3A_64, %swap3A_65], %broadcast_in_dim3A_63 {strides = array<i32>} : memref<8x128xf32, #tpu.memory_space<vmem>>, vector<8x128xf32>,
    } else {
    }
    %get3A = arith.constant 0 : index
    %get3A_2 = arith.constant 0 : index
    %get3A_3 = vector.load %arg2[%get3A, %get3A_2] : memref<2000x1xf32, #tpu.memory_space<vmem>>, vector<2000x1xf32>
    %gt3A = arith.constant 0.000000e+00 : f32
    %gt3A_4 = vector.broadcast %gt3A : f32 to vector<2000x1xf32>
    %gt3A_5 = arith.cmpf ogt, %get3A_3, %gt3A_4 : vector<2000x1xf32>
    %max3A = arith.constant 9.99999971E-10 : f32
    %max3A_6 = vector.broadcast %max3A : f32 to vector<2000x1xf32>
    %max3A_7 = arith.maximumf %get3A_3, %max3A_6 : vector<2000x1xf32>
    %rsqrt3A = math.rsqrt %max3A_7 : vector<2000x1xf32>
    %jit3A = arith.constant 0.000000e+00 : f32
    %broadcast_in_dim3A = vector.broadcast %jit3A : f32 to vector<2000x1xf32>
    %select_n3A = arith.select %gt3A_5, %rsqrt3A, %broadcast_in_dim3A : vector<2000x1xi1>, vector<2000x1xf32>
    %get3A_8 = arith.constant 0 : index
    %get3A_9 = arith.constant 0 : index
    %get3A_10 = arith.constant 0 : index
    %get3A_11 = vector.load %arg1[%get3A_8, %get3A_9, %get3A_10] : memref<1x2000x128xbf16, #tpu.memory_space<vmem>>, vector<1x2000x128xbf16>
    %get3A_12 = vector.shape_cast %get3A_11 : vector<1x2000x128xbf16> to vector<2000x128xbf16>
    %convert_element_type3A_13 = arith.extf %get3A_12 : vector<2000x128xbf16> to vector<2000x128xf32>
    %mul3A = vector.broadcast %select_n3A : vector<2000x1xf32> to vector<2000x128xf32>
    %mul3A_14 = arith.mulf %convert_element_type3A_13, %mul3A : vector<2000x128xf32>
    %get3A_15 = arith.constant 0 : index
    %get3A_16 = arith.constant 0 : index
    %get3A_17 = vector.load %arg3[%get3A_15, %get3A_16] : memref<1x128xf32, #tpu.memory_space<vmem>>, vector<1x128xf32>
    %add3A = vector.broadcast %get3A_17 : vector<1x128xf32> to vector<2000x128xf32>
    %add3A_18 = arith.addf %mul3A_14, %add3A : vector<2000x128xf32>
    %max3A_19 = arith.constant 0.000000e+00 : f32
    %max3A_20 = vector.broadcast %max3A_19 : f32 to vector<2000x128xf32>
    %max3A_21 = arith.maximumf %add3A_18, %max3A_20 : vector<2000x128xf32>
    %reduce_sum3A = arith.constant dense<0.000000e+00> : vector<128xf32>
    %reduce_sum3A_22 = vector.multi_reduction <add>, %max3A_21, %reduce_sum3A [0] : vector<2000x128xf32> to vector<128xf32>
    %broadcast_in_dim3A_23 = vector.shape_cast %reduce_sum3A_22 : vector<128xf32> to vector<1x128xf32>
    %jit3A_24 = arith.constant 5 : i32
    %div3A = arith.divsi %arg0, %jit3A_24 : i32
    %sign3A = arith.constant 0 : i32
    %sign3A_25 = arith.cmpi sgt, %arg0, %sign3A : i32
    %sign3A_26 = arith.extui %sign3A_25 : i1 to i32
    %sign3A_27 = arith.constant 0 : i32
    %sign3A_28 = arith.cmpi slt, %arg0, %sign3A_27 : i32
    %sign3A_29 = arith.extui %sign3A_28 : i1 to i32
    %sign3A_30 = arith.subi %sign3A_26, %sign3A_29 : i32
    %sign3A_31 = arith.constant 0 : i32
    %sign3A_32 = arith.cmpi sgt, %jit3A_24, %sign3A_31 : i32
    %sign3A_33 = arith.extui %sign3A_32 : i1 to i32
    %sign3A_34 = arith.constant 0 : i32
    %sign3A_35 = arith.cmpi slt, %jit3A_24, %sign3A_34 : i32
    %sign3A_36 = arith.extui %sign3A_35 : i1 to i32
    %sign3A_37 = arith.subi %sign3A_33, %sign3A_36 : i32
    %ne3A = arith.cmpi ne, %sign3A_30, %sign3A_37 : i32
    %rem3A = arith.remsi %arg0, %jit3A_24 : i32
    %ne3A_38 = arith.constant 0 : i32
    %ne3A_39 = arith.cmpi ne, %rem3A, %ne3A_38 : i32
    %and3A = arith.andi %ne3A, %ne3A_39 : i1
    %sub3A = arith.constant 1 : i32
    %sub3A_40 = arith.subi %div3A, %sub3A : i32
    %select_n3A_41 = arith.select %and3A, %sub3A_40, %div3A : i32
    %iota3A = tpu.iota {dimensions = array<i32: 0>} : vector<8x1xi32>
    %eq3A_42 = vector.broadcast %select_n3A_41 : i32 to vector<8x1xi32>
    %eq3A_43 = arith.cmpi eq, %iota3A, %eq3A_42 : vector<8x1xi32>
    %get3A_44 = arith.constant 0 : index
    %get3A_45 = arith.constant 0 : index
    %get3A_46 = vector.load %arg11[%get3A_44, %get3A_45] : memref<8x128xf32, #tpu.memory_space<vmem>>, vector<8x128xf32>
    %jit3A_47 = arith.constant 0.000000e+00 : f32
    %broadcast_in_dim3A_48 = vector.shape_cast %eq3A_43 : vector<8x1xi1> to vector<8x1xi1>
    %broadcast_in_dim3A_49 = vector.broadcast %broadcast_in_dim3A_48 : vector<8x1xi1> to vector<8x128xi1>
    %broadcast_in_dim3A_50 = vector.shape_cast %broadcast_in_dim3A_23 : vector<1x128xf32> to vector<1x128xf32>
    %broadcast_in_dim3A_51 = vector.broadcast %broadcast_in_dim3A_50 : vector<1x128xf32> to vector<8x128xf32>
    %broadcast_in_dim3A_52 = vector.broadcast %jit3A_47 : f32 to vector<8x128xf32>
    %select_n3A_53 = arith.select %broadcast_in_dim3A_49, %broadcast_in_dim3A_51, %broadcast_in_dim3A_52 : vector<8x128xi1>, vector<8x128xf32>
    %add3A_54 = arith.addf %get3A_46, %select_n3A_53 : vector<8x128xf32>
    %swap3A = arith.constant 0 : index
    %swap3A_55 = arith.constant 0 : index
    %swap3A_56 = vector.load %arg11[%swap3A, %swap3A_55] : memref<8x128xf32, #tpu.memory_space<vmem>>, vector<8x128xf32>
    tpu.vector_store %arg11[%swap3A, %swap3A_55], %add3A_54 {strides = array<i32>} : memref<8x128xf32, #tpu.memory_space<vmem>>, vector<8x128xf32>,
    %eq3A_57 = arith.constant 9 : i32
    %eq3A_58 = arith.cmpi eq, %arg0, %eq3A_57 : i32
    %convert_element_type3A_59 = arith.extui %eq3A_58 : i1 to i32
    %cond3A_60 = arith.constant 0 : i32
    %cond3A_61 = arith.cmpi ne, %convert_element_type3A_59, %cond3A_60 : i32
    scf.if %cond3A_61 {
      %get3A_62 = arith.constant 0 : index
      %get3A_63 = arith.constant 0 : index
      %get3A_64 = vector.load %arg11[%get3A_62, %get3A_63] : memref<8x128xf32, #tpu.memory_space<vmem>>, vector<1x128xf32>
      %mul3A_65 = arith.constant 9.99999974E-5 : f32
      %mul3A_66 = vector.broadcast %mul3A_65 : f32 to vector<1x128xf32>
      %mul3A_67 = arith.mulf %get3A_64, %mul3A_66 : vector<1x128xf32>
      %get3A_68 = arith.constant 1 : index
      %get3A_69 = arith.constant 0 : index
      %get3A_70 = vector.load %arg11[%get3A_68, %get3A_69] : memref<8x128xf32, #tpu.memory_space<vmem>>, vector<1x128xf32>
      %mul3A_71 = arith.constant 9.99999974E-5 : f32
      %mul3A_72 = vector.broadcast %mul3A_71 : f32 to vector<1x128xf32>
      %mul3A_73 = arith.mulf %get3A_70, %mul3A_72 : vector<1x128xf32>
      %mul3A_74 = arith.mulf %mul3A_67, %mul3A_73 : vector<1x128xf32>
      %get3A_75 = arith.constant 0 : index
      %get3A_76 = arith.constant 0 : index
      %get3A_77 = vector.load %arg4[%get3A_75, %get3A_76] : memref<128x512xf32, #tpu.memory_space<vmem>>, vector<128x512xf32>
      %dot_general3A = arith.constant dense<0.000000e+00> : vector<1x512xf32>
      %dot_general3A_78 = tpu.matmul %mul3A_74, %get3A_77, %dot_general3A {dimension_numbers = #tpu.dot_dimension_numbers<[1], [0], [0], [1], [0, 0, 1, 1], [], []>, transpose_lhs_hint = false} : vector<1x128xf32>, vector<128x512xf32>, vector<1x512xf32> -> vector<1x512xf32>
      %get3A_79 = arith.constant 0 : index
      %get3A_80 = arith.constant 0 : index
      %get3A_81 = vector.load %arg5[%get3A_79, %get3A_80] : memref<1x512xf32, #tpu.memory_space<vmem>>, vector<1x512xf32>
      %add3A_82 = arith.addf %dot_general3A_78, %get3A_81 : vector<1x512xf32>
      %get3A_83 = arith.constant 0 : index
      %get3A_84 = arith.constant 0 : index
      %get3A_85 = vector.load %arg6[%get3A_83, %get3A_84] : memref<512x128xf32, #tpu.memory_space<vmem>>, vector<512x128xf32>
      %dot_general3A_86 = arith.constant dense<0.000000e+00> : vector<1x128xf32>
      %dot_general3A_87 = tpu.matmul %add3A_82, %get3A_85, %dot_general3A_86 {dimension_numbers = #tpu.dot_dimension_numbers<[1], [0], [0], [1], [0, 0, 1, 1], [], []>, transpose_lhs_hint = false} : vector<1x512xf32>, vector<512x128xf32>, vector<1x128xf32> -> vector<1x128xf32>
      %get3A_88 = arith.constant 0 : index
      %get3A_89 = arith.constant 0 : index
      %get3A_90 = vector.load %arg7[%get3A_88, %get3A_89] : memref<1x128xf32, #tpu.memory_space<vmem>>, vector<1x128xf32>
      %add3A_91 = arith.addf %dot_general3A_87, %get3A_90 : vector<1x128xf32>
      %get3A_92 = arith.constant 0 : index
      %get3A_93 = arith.constant 0 : index
      %get3A_94 = vector.load %arg8[%get3A_92, %get3A_93] : memref<128x2xf32, #tpu.memory_space<vmem>>, vector<128x2xf32>
      %dot_general3A_95 = arith.constant dense<0.000000e+00> : vector<1x2xf32>
      %dot_general3A_96 = tpu.matmul %add3A_91, %get3A_94, %dot_general3A_95 {dimension_numbers = #tpu.dot_dimension_numbers<[1], [0], [0], [1], [0, 0, 1, 1], [], []>, transpose_lhs_hint = false} : vector<1x128xf32>, vector<128x2xf32>, vector<1x2xf32> -> vector<1x2xf32>
      %get3A_97 = arith.constant 0 : index
      %get3A_98 = arith.constant 0 : index
      %get3A_99 = vector.load %arg9[%get3A_97, %get3A_98] : memref<1x2xf32, #tpu.memory_space<vmem>>, vector<1x2xf32>
      %add3A_100 = arith.addf %dot_general3A_96, %get3A_99 : vector<1x2xf32>
      %reduce_max3A = arith.constant dense<0xFF800000> : vector<1xf32>
      %reduce_max3A_101 = vector.multi_reduction <maximumf>, %add3A_100, %reduce_max3A [1] : vector<1x2xf32> to vector<1xf32>
      %max3A_102 = arith.constant 0xFF800000 : f32
      %max3A_103 = vector.broadcast %max3A_102 : f32 to vector<1xf32>
      %max3A_104 = arith.maximumf %max3A_103, %reduce_max3A_101 : vector<1xf32>
      %broadcast_in_dim3A_105 = vector.shape_cast %max3A_104 : vector<1xf32> to vector<1x1xf32>
      %sub3A_106 = vector.broadcast %broadcast_in_dim3A_105 : vector<1x1xf32> to vector<1x2xf32>
      %sub3A_107 = arith.subf %add3A_100, %sub3A_106 : vector<1x2xf32>
      %exp3A = math.exp %sub3A_107 : vector<1x2xf32>
      %reduce_sum3A_108 = arith.constant dense<0.000000e+00> : vector<1xf32>
      %reduce_sum3A_109 = vector.multi_reduction <add>, %exp3A, %reduce_sum3A_108 [1] : vector<1x2xf32> to vector<1xf32>
      %broadcast_in_dim3A_110 = vector.shape_cast %reduce_sum3A_109 : vector<1xf32> to vector<1x1xf32>
      %div3A_111 = vector.broadcast %broadcast_in_dim3A_110 : vector<1x1xf32> to vector<1x2xf32>
      %div3A_112 = arith.divf %exp3A, %div3A_111 : vector<1x2xf32>
      %swap3A_113 = arith.constant 0 : index
      %swap3A_114 = arith.constant 0 : index
      %swap3A_115 = vector.load %arg10[%swap3A_113, %swap3A_114] : memref<1x2xf32, #tpu.memory_space<vmem>>, vector<1x2xf32>
      tpu.vector_store %arg10[%swap3A_113, %swap3A_114], %div3A_112 {strides = array<i32>} : memref<1x2xf32, #tpu.memory_space<vmem>>, vector<1x2xf32>,
    } else {
    }
    return
  }
  func.func @transform_0(%arg0: i32) -> (i32, i32, i32) {
    %jit3A = arith.constant 5 : i32
    %div3A = arith.divsi %arg0, %jit3A : i32
    %sign3A = arith.constant 0 : i32
    %sign3A_0 = arith.cmpi sgt, %arg0, %sign3A : i32
    %sign3A_1 = arith.extui %sign3A_0 : i1 to i32
    %sign3A_2 = arith.constant 0 : i32
    %sign3A_3 = arith.cmpi slt, %arg0, %sign3A_2 : i32
    %sign3A_4 = arith.extui %sign3A_3 : i1 to i32
    %sign3A_5 = arith.subi %sign3A_1, %sign3A_4 : i32
    %sign3A_6 = arith.constant 0 : i32
    %sign3A_7 = arith.cmpi sgt, %jit3A, %sign3A_6 : i32
    %sign3A_8 = arith.extui %sign3A_7 : i1 to i32
    %sign3A_9 = arith.constant 0 : i32
    %sign3A_10 = arith.cmpi slt, %jit3A, %sign3A_9 : i32
    %sign3A_11 = arith.extui %sign3A_10 : i1 to i32
    %sign3A_12 = arith.subi %sign3A_8, %sign3A_11 : i32
    %ne3A = arith.cmpi ne, %sign3A_5, %sign3A_12 : i32
    %rem3A = arith.remsi %arg0, %jit3A : i32
    %ne3A_13 = arith.constant 0 : i32
    %ne3A_14 = arith.cmpi ne, %rem3A, %ne3A_13 : i32
    %and3A = arith.andi %ne3A, %ne3A_14 : i1
    %sub3A = arith.constant 1 : i32
    %sub3A_15 = arith.subi %div3A, %sub3A : i32
    %select_n3A = arith.select %and3A, %sub3A_15, %div3A : i32
    %jit3A_16 = arith.constant 5 : i32
    %eq3A = arith.constant 0 : i32
    %eq3A_17 = arith.cmpi eq, %jit3A_16, %eq3A : i32
    %jit3A_18 = arith.constant 1 : i32
    %select_n3A_19 = arith.select %eq3A_17, %jit3A_18, %jit3A_16 : i32
    %rem3A_20 = arith.remsi %arg0, %select_n3A_19 : i32
    %ne3A_21 = arith.constant 0 : i32
    %ne3A_22 = arith.cmpi ne, %rem3A_20, %ne3A_21 : i32
    %lt3A = arith.constant 0 : i32
    %lt3A_23 = arith.cmpi slt, %rem3A_20, %lt3A : i32
    %lt3A_24 = arith.constant 0 : i32
    %lt3A_25 = arith.cmpi slt, %select_n3A_19, %lt3A_24 : i32
    %ne3A_26 = arith.xori %lt3A_23, %lt3A_25 : i1
    %and3A_27 = arith.andi %ne3A_26, %ne3A_22 : i1
    %add3A = arith.addi %rem3A_20, %select_n3A_19 : i32
    %select_n3A_28 = arith.select %and3A_27, %add3A, %rem3A_20 : i32
    %c0_i32 = arith.constant 0 : i32
    %c0_i32_29 = arith.constant 0 : i32
    return %select_n3A, %select_n3A_28, %c0_i32 : i32, i32, i32
  }
  func.func @transform_1(%arg0: i32) -> (i32, i32) {
    %c0_i32 = arith.constant 0 : i32
    %c0_i32_0 = arith.constant 0 : i32
    return %arg0, %c0_i32 : i32, i32
  }
  func.func @transform_2(%arg0: i32) -> (i32, i32) {
    %c0_i32 = arith.constant 0 : i32
    %c0_i32_0 = arith.constant 0 : i32
    %c0_i32_1 = arith.constant 0 : i32
    return %c0_i32, %c0_i32_0 : i32, i32
  }
  func.func @transform_3(%arg0: i32) -> (i32, i32) {
    %c0_i32 = arith.constant 0 : i32
    %c0_i32_0 = arith.constant 0 : i32
    %c0_i32_1 = arith.constant 0 : i32
    return %c0_i32, %c0_i32_0 : i32, i32
  }
  func.func @transform_4(%arg0: i32) -> (i32, i32) {
    %c0_i32 = arith.constant 0 : i32
    %c0_i32_0 = arith.constant 0 : i32
    %c0_i32_1 = arith.constant 0 : i32
    return %c0_i32, %c0_i32_0 : i32, i32
  }
  func.func @transform_5(%arg0: i32) -> (i32, i32) {
    %c0_i32 = arith.constant 0 : i32
    %c0_i32_0 = arith.constant 0 : i32
    %c0_i32_1 = arith.constant 0 : i32
    return %c0_i32, %c0_i32_0 : i32, i32
  }
  func.func @transform_6(%arg0: i32) -> (i32, i32) {
    %c0_i32 = arith.constant 0 : i32
    %c0_i32_0 = arith.constant 0 : i32
    %c0_i32_1 = arith.constant 0 : i32
    return %c0_i32, %c0_i32_0 : i32, i32
  }
  func.func @transform_7(%arg0: i32) -> (i32, i32) {
    %c0_i32 = arith.constant 0 : i32
    %c0_i32_0 = arith.constant 0 : i32
    %c0_i32_1 = arith.constant 0 : i32
    return %c0_i32, %c0_i32_0 : i32, i32
  }
  func.func @transform_8(%arg0: i32) -> (i32, i32) {
    %c0_i32 = arith.constant 0 : i32
    %c0_i32_0 = arith.constant 0 : i32
    %c0_i32_1 = arith.constant 0 : i32
    return %c0_i32, %c0_i32_0 : i32, i32
  }
  func.func @transform_9(%arg0: i32) -> (i32, i32) {
    %c0_i32 = arith.constant 0 : i32
    %c0_i32_0 = arith.constant 0 : i32
    %c0_i32_1 = arith.constant 0 : i32
    return %c0_i32, %c0_i32_0 : i32, i32
  }
}

</mosaic_0001>

<sc_bundles>
// kernel: kernel.11.cloned.1.call-start
scs
__scs_entry_jumppad:
0x0: {  	(pc) =	sbr.rel $0x88, $3  }
0x1: {  	(tag) =	ssettag $0x0;
	lr =	simm.s32 $0x1  }
0x2: {  	[smem:$0x3F93] =	sst lr;
	_ =	strace $0xD0000000  }
0x3: {  	_ = 	snop  }
0x4: {  	_ = 	snop  }
0x5: {  	_ = 	snop  }
0x6: {  	_ = 	snop  }
0x7: {  	_ = 	snop  }
__scs_overlays_trampoline_lowered:
0x8: {  	[smem:$0x3FA2] =	sst s0  }
0x9: {  	[smem:$0x3FA3] =	sst s1  }
0xa: {  	[smem:$0x3FA4] =	sst s2  }
0xb: {  	[smem:$0x3FA5] =	sst s3  }
0xc: {  	[smem:$0x3FA6] =	sst s4  }
0xd: {  	[smem:$0x3FA7] =	sst s5  }
0xe: {  	[smem:$0x3FA8] =	sst s6  }
0xf: {  	[smem:$0x3FA9] =	sst s7  }
0x10: {  	[smem:$0x3FAA] =	sst s8  }
0x11: {  	[smem:$0x3FAB] =	sst s9;
	s0 =	simm.s32 @!p0 $0x0  }
0x12: {  	s1 =	sld [smem:$0x3F91];
	s0 =	simm.s32 @p0 $0x1  }
0x13: {  	[smem:$0x3FAC] =	sst s0;
	s0 =	simm.s32 @!p1 $0x0  }
0x14: {  	s2 =	sld [smem:$0x3F90];
	s0 =	simm.s32 @p1 $0x1  }
0x15: {  	[smem:$0x3FAD] =	sst s0;
	s0 =	simm.s32 @!p2 $0x0  }
0x16: {  	s3 =	sld [smem:$0x3FDB];
	s0 =	simm.s32 @p2 $0x1  }
0x17: {  	s4 =	simm.s32 $0x1BF5;
	[smem:$0x3FAF] =	sst s0  }
0x18: {  	s0 =	sld [smem:$0x3F92];
	_ =	swait.ge [sflag:s4], $0x0  }
0x19: {  	s7 =	sld [smem:$0x3F93]  }
0x1a: {  	s8 =	sadd.s32 $0xFFFFE003, lr  }
0x1b: {  	s9 =	sadd.s32 $0xFFFFFEF7, lr;
	s5 =	simm.s32 $0xFFFFFFFF;
	p2 =	slt.u32 s8, $0xFFFFF086  }
0x1c: {  	p1 =	slt.u32 s9, $0xF7A;
	s5 =	simm.s32 @!p2 $0x0  }
0x1d: {  	s5 =	simm.s32 @p1 $0x1;
	p0 =	seq.s32 s7, s2  }
0x1e: {  	s7 =	smul.u32 @!p0 $0xF7A, s2;
	p2 =	seq.s32 @!p0 s5, $0x0  }
0x1f: {  	s9 =	smul.u32 $0xF7A, s1;
	s8 =	simm.s32 @!p0 $0x1BF5;
	p2 =	por !p2, p0  }
0x20: {  	[sflag:s8] =	ssyncset.s32 @!p0 $0xFFFFF086;
	s6 =	sadd.s32 @!p0 s3, s7;
	s7 =	simm.s32 @!p0 $0x108  }
0x21: {  	s3 =	sadd.s32 s3, s9;
	s6 =	sadd.s32 @!p0 $0x88, s6;
	s7 =	simm.s32 @p2 $0x1082  }
0x22: {  	[simem:s7], [sflag:s8] =	dma.local @!p0 [hbm:s6], $0xF7A  }
0x23: {  	s9 =	sor.u32 $0xD0000000, s2;
	s6 =	simm.s32 $0x108;
	_ =	swait.ge @!p0 [sflag:s8], $0x0  }
0x24: {  	s3 =	sadd.s32 $0x88, s3;
	s6 =	simm.s32 @!p1 $0x1082;
	[sflag:s4] =	ssyncset.s32 $0xFFFFF086  }
0x25: {  	[simem:s6], [sflag:s4] =	dma.local [hbm:s3], $0xF7A  }
0x26: {  	[smem:$0x3F93] =	sst s1;
	(tag) =	ssettag s2;
	_ =	strace s9  }
0x27: {  	s1 =	sld [smem:$0x3FA3]  }
0x28: {  	s2 =	sld [smem:$0x3FA4]  }
0x29: {  	s4 =	sld [smem:$0x3FA6]  }
0x2a: {  	p0 =	seq.s32 s5, $0x0;
	s5 =	sld [smem:$0x3FA7]  }
0x2b: {  	s6 =	sld [smem:$0x3FA8]  }
0x2c: {  	s7 =	sld [smem:$0x3FA9]  }
0x2d: {  	s3 =	simm.s32 $0x108;
	s8 =	sld [smem:$0x3FAA]  }
0x2e: {  	s3 =	simm.s32 @!p0 $0x1082;
	s9 =	sld [smem:$0x3FAB]  }
0x2f: {  	lr =	sadd.s32 s0, s3;
	s0 =	sld [smem:$0x3FA2]  }
0x30: {  	s3 =	sld [smem:$0x3FA5]  }
0x31: {  	[smem:$0x3FAE] =	sst s10  }
0x32: {  	s10 =	sld [smem:$0x3FAC];
	_ =	sdelay $0x3  }
0x33: {  	p0 =	seq.s32 s10, $0x1;
	s10 =	sld [smem:$0x3FAE];
	_ =	sdelay $0x3  }
0x34: {  	[smem:$0x3FAE] =	sst s10  }
0x35: {  	s10 =	sld [smem:$0x3FAD];
	_ =	sdelay $0x3  }
0x36: {  	p1 =	seq.s32 s10, $0x1;
	s10 =	sld [smem:$0x3FAE];
	_ =	sdelay $0x3  }
0x37: {  	[smem:$0x3FAE] =	sst s10  }
0x38: {  	s10 =	sld [smem:$0x3FAF]  }
0x39: {  	_ = 	snop;
	(pc) =	sbr.ind lr, $3  }
0x3a: {  	_ = 	snop  }
0x3b: {  	_ = 	snop  }
0x3c: {  	p2 =	seq.s32 s10, $0x1;
	s10 =	sld [smem:$0x3FAE]  }
0x3d: {  	_ =	shalt  }
0x3e: {  	_ =	shalt  }
0x3f: {  	_ =	shalt  }
0x40: {  	_ =	shalt  }
0x41: {  	_ =	shalt  }
0x42: {  	_ =	shalt  }
0x43: {  	_ =	shalt  }
0x44: {  	_ =	shalt  }
0x45: {  	_ =	shalt  }
0x46: {  	_ =	shalt  }
0x47: {  	_ =	shalt  }
0x48: {  	_ =	shalt  }
0x49: {  	_ =	shalt  }
0x4a: {  	_ =	shalt  }
0x4b: {  	_ =	shalt  }
0x4c: {  	_ =	shalt  }
0x4d: {  	_ =	shalt  }
0x4e: {  	_ =	shalt  }
0x4f: {  	_ =	shalt  }
0x50: {  	_ =	shalt  }
0x51: {  	_ =	shalt  }
0x52: {  	_ =	shalt  }
0x53: {  	_ =	shalt  }
0x54: {  	_ =	shalt  }
0x55: {  	_ =	shalt  }
0x56: {  	_ =	shalt  }
0x57: {  	_ =	shalt  }
0x58: {  	_ =	shalt  }
0x59: {  	_ =	shalt  }
0x5a: {  	_ =	shalt  }
0x5b: {  	_ =	shalt  }
0x5c: {  	_ =	shalt  }
0x5d: {  	_ =	shalt  }
0x5e: {  	_ =	shalt  }
0x5f: {  	_ =	shalt  }
0x60: {  	_ =	shalt  }
0x61: {  	_ =	shalt  }
0x62: {  	_ =	shalt  }
0x63: {  	_ =	shalt  }
0x64: {  	_ =	shalt  }
0x65: {  	_ =	shalt  }
0x66: {  	_ =	shalt  }
0x67: {  	_ =	shalt  }
0x68: {  	_ =	shalt  }
0x69: {  	_ =	shalt  }
0x6a: {  	_ =	shalt  }
0x6b: {  	_ =	shalt  }
0x6c: {  	_ =	shalt  }
0x6d: {  	_ =	shalt  }
0x6e: {  	_ =	shalt  }
0x6f: {  	_ =	shalt  }
0x70: {  	_ =	shalt  }
0x71: {  	_ =	shalt  }
0x72: {  	_ =	shalt  }
0x73: {  	_ =	shalt  }
0x74: {  	_ =	shalt  }
0x75: {  	_ =	shalt  }
0x76: {  	_ =	shalt  }
0x77: {  	_ =	shalt  }
0x78: {  	_ =	shalt  }
0x79: {  	_ =	shalt  }
0x7a: {  	_ =	shalt  }
0x7b: {  	_ =	shalt  }
0x7c: {  	_ =	shalt  }
0x7d: {  	_ =	shalt  }
0x7e: {  	_ =	shalt  }
0x7f: {  	_ =	shalt  }
0x80: {  	_ =	shalt  }
0x81: {  	_ =	shalt  }
0x82: {  	_ =	shalt  }
0x83: {  	_ =	shalt  }
0x84: {  	_ =	shalt  }
0x85: {  	_ =	shalt  }
0x86: {  	_ =	shalt  }
0x87: {  	_ =	shalt  }
.Lfunc_end0:
.L_simem_size_0:
called_computation.1_lowered:
.L_overlay_start_0:
0x88: {  	s2 =	sld [smem:$0x3FD9]  }
0x89: {  	s3 =	sld [smem:$0x3FFE];
	_ =	sdelay $0x1  }
0x8a: {  	s1 =	srdreg.scid  }
0x8b: {  	s0 =	sand.u32 $0x1, s1  }
0x8c: {  	s16 =	sshll.u32 s0, $0xA;
	s2 =	sadd.s32 s3, s2  }
0x8d: {  	s2 =	sadd.s32 s2, s16  }
0x8e: {  	[smem:$0x3FBA] =	sst s2  }
0x8f: {  	_ = 	snop  }
0x90: {  	(tm) =	ssettm $0x1  }
0x91: {  	s17 =	sld [smem:$0x3FFB];
	_ =	sdelay $0x3  }
0x92: {  	_ =	strace s17  }
0x93: {  	s2 =	sld [smem:$0x3FFC];
	_ =	sdelay $0x3  }
0x94: {  	_ =	strace s2  }
0x95: {  	s2 =	sld [smem:$0x3FFD];
	_ =	sdelay $0x3  }
0x96: {  	_ =	strace s2  }
0x97: {  	_ =	strace $0x8FFFFFFF  }
0x98: {  	s18 =	sld [smem:$0x3FDB];
	_ =	sdelay $0x1  }
0x99: {  	s19 =	simm.s32 $_scs_section_size  }
0x9a: {  	s4 =	simm.s32 $_size__tile_overlayer_lowered;
	s5 =	simm.s32 $_tile_overlayer_lowered  }
0x9b: {  	s22 =	simm.s32 $0x1BFF;
	s21 =	sshll.u32 s5, $0x1;
	s2 =	sadd.s32 s19, s18  }
0x9c: {  	s6 =	simm.s32 $0x0;
	s20 =	sshll.u32 s4, $0x1;
	s4 =	sadd.s32 s21, s2  }
0x9d: {  	[timem:s6], [sflag:s22] =	dma.local [hbm:s4], s20  }
0x9e: {  	_ =	swait.ge [sflag:s22], s20  }
0x9f: {  	s3 =	ssub.s32 $0x0, s20;
	[sflag:s22] =	ssyncset.done $0x0  }
0xa0: {  	[sflag:s22] =	ssyncadd.s32 s3;
	_ =	sdelay $0x1  }
0xa1: {  	s23 =	simm.s32 $0x1B8B  }
0xa2: {  	_ =	swait.ge [sflag:s23], $0x1  }
0xa3: {  	[sflag:s23] =	ssyncset.done $0x0  }
0xa4: {  	s25 =	simm.s32 $0x1B8E;
	s24 =	sld [smem:$0x3FFE];
	[sflag:s23] =	ssyncadd.s32 $0xFFFFFFFF  }
0xa5: {  	s26 =	simm.s32 $execute0_lowered;
	[smem:$0x3FD2] =	sst s25  }
0xa6: {  	s4 =	sshll.u32 s26, $0x1;
	_ =	strace $0x80000049;
	[dreg:$0x1] =	wrdreg $0xFFFFFFFF  }
0xa7: {  	s28 =	simm.s32 $_size_execute0_lowered;
	s2 =	sadd.s32 s2, s4;
	[dreg:$0x0] =	wrdreg $0x0  }
0xa8: {  	s4 =	sshll.u32 s28, $0x1;
	[dreg:$0x2] =	wrdreg s2  }
0xa9: {  	[dreg:$0x3] =	wrdreg s4  }
0xaa: {  	[dreg:$0x4] =	wrdreg $0xC0  }
0xab: {  	_ =	task [dreg:s6], $0x5FFFF  }
0xac: {  	[dreg:$0x1] =	wrdreg $0xFFFFFFFF  }
0xad: {  	[dreg:$0x0] =	wrdreg $0x60  }
0xae: {  	[dreg:$0x2] =	wrdreg s24  }
0xaf: {  	[dreg:$0x3] =	wrdreg $0x120000  }
0xb0: {  	[dreg:$0x4] =	wrdreg $0x9  }
0xb1: {  	_ =	task.clear_ibuf [dreg:s6], $0x5FFFF;
	_ =	strace $0x90000049  }
0xb2: {  	s29 =	simm.s32 $0x9;
	_ =	strace $0x8000004B  }
0xb3: {  	_ =	swait.ge [sflag:s29], $0x1  }
0xb4: {  	[sflag:s29] =	ssyncadd.s32 $0xFFFFFFFF  }
0xb5: {  	_ =	strace $0x9000004B  }
0xb6: {  	_ =	sfence  }
0xb7: {  	s30 =	sld [smem:$0x0];
	_ =	sdelay $0x2  }
0xb8: {  	s31 =	sshll.u32 s1, $0xD;
	s1 =	sshrl.u32 s1, $0x2  }
0xb9: {  	s3 =	sand.u32 $0x4000, s31;
	s1 =	sadd.s32 s1, s30  }
0xba: {  	s0 =	sor.u32 s3, s0;
	s1 =	sshll.u32 s1, $0x11  }
0xbb: {  	s0 =	sor.u32 s1, s0  }
0xbc: {  	s0 =	sadd.s32 $0x8F2B, s0  }
0xbd: {  	[sflag:s0] =	ssyncadd.remote.s32 $0x1  }
0xbe: {  	_ =	sfence.sel $0xFFFF  }
0xbf: {  	[dreg:$0x0] =	wrdreg $0xFFFFFFFF;
	(pc) =	sbr.abs _section_cstart, $3  }
0xc0: {  	[dreg:$0x1] =	wrdreg $0xFFFFFFFF  }
0xc1: {  	_ =	task.clear_ibuf [dreg:s6], $0x2FFFF;
	_ =	strace $0x9FFFFFFF  }
0xc2: {  	(tm) =	ssettm $0x7FFFFFFF  }
0xc3: {  	_ =	shalt  }
tec
execute0_lowered:
.L_overlay_start_1:
0x0: {  	(tag) =	ssettag $0x1  }
0x1: {  	s0 =	srdreg.scid;
	s1 =	rddreg [dreg:$0x0]  }
0x2: {  	s10 =	stileid.u32;
	s2 =	rddreg [dreg:$0x1];
	s3 =	simm.s32 $0x0  }
0x3: {  	s14 =	simm.s32 $0x80;
	s15 =	simm.s32 $0xA000;
	s16 =	simm.s32 $0xC000  }
0x4: {  	s18 =	simm.s32 $0xE000;
	s20 =	simm.s32 $0x10000;
	s21 =	simm.s32 $0x1  }
0x5: {  	s22 =	simm.s32 $0x2;
	s23 =	simm.s32 $0x3;
	s24 =	simm.s32 $0x4  }
0x6: {  	s25 =	simm.s32 $0x5;
	s28 =	simm.s32 $0x7;
	s5 =	smul.u32 $0x5000, s10  }
0x7: {  	s29 =	simm.s32 $0x8;
	s0 =	sand.u32 $0x1, s0;
	s6 =	smul.u32 $0x13A00, s10  }
0x8: {  	s31 =	simm.s32 $0x9E80;
	[smem:$0x7FF] =	sst s3;
	s4 =	smul.u32 $0x50000, s0  }
0x9: {  	s30 =	sshll.u32 s10, $0x6;
	s10 =	simm.s32 $0x9;
	s7 =	smul.u32 $0x13A000, s0  }
0xa: {  	_ =	strace $0x8000004A;
	s0 =	ssub.s32 $0x2, s0;
	s12 =	sor.u32 $0x1C09, s30  }
0xb: {  	s9 =	sshrl.u32 s0, $0x1;
	s26 =	sshrl.u32 s6, $0x1;
	s5 =	sadd.s32 s5, s4  }
0xc: {  	s4 =	sadd.s32 $0x96E00, s1;
	s7 =	sadd.s32 s6, s7;
	s0 =	ssub.s32 s0, s9  }
0xd: {  	s11 =	sadd.s32 s26, s2;
	s26 =	simm.s32 $0x6;
	s5 =	sshrl.u32 s5, $0x3  }
0xe: {  	s7 =	sshrl.u32 s7, $0x4;
	s9 =	smax.u32 s0, $0x1;
	s13 =	sshrl.u32 s11, $0x3  }
0xf: {  	s0 =	simm.s32 $0x9F80;
	s11 =	simm.s32 $0x0;
	s8 =	sadd.s32 s5, s1  }
0x10: {  	s5 =	sadd.s32 $0x33800, s1;
	s1 =	sadd.s32 s7, s1;
	s6 =	sadd.s32 $0x34C00, s8  }
0x11: {  	s7 =	sadd.s32 $0x15400, s8;
	s8 =	sadd.s32 $0xBE000, s1;
	s1 =	simm.s32 $0x9F00  }
.LBB2_1:
0x12: {  	[tilespmem:s3], [sflag:$0x9] =	stream.linear.gather [hbm4b:s6+s3], $0x5000, $0x38;
	[tilespmem:$0x1BD00] =	vst v63  }
0x13: {  	_ =	swait.ge [sflag:s10], $0x5000  }
0x14: {  	[sflag:s10] =	ssyncset.done $0x0  }
0x15: {  	s17 =	simm.s32 $0x5000;
	[sflag:s10] =	ssyncadd.s32 $0xFFFFB000  }
0x16: {  	[tilespmem:s17], [sflag:$0x9] =	stream.linear.gather [hbm4b:s7+s3], $0x5000, $0x38;
	[tilespmem:$0x1BD00] =	vst v63  }
0x17: {  	_ =	swait.ge [sflag:s10], $0x5000  }
0x18: {  	[sflag:s10] =	ssyncset.done $0x0  }
0x19: {  	[sflag:s10] =	ssyncadd.s32 $0xFFFFB000  }
0x1a: {  	[spmem:s13], [sflag:s12] =	dma.local [hbm:s5], $0x13A0  }
0x1b: {  	_ =	swait.ge [sflag:s10], $0x13A0  }
0x1c: {  	[sflag:s10] =	ssyncset.done $0x0  }
0x1d: {  	[sflag:s10] =	ssyncadd.s32 $0xFFFFEC60  }
0x1e: {  	[bflag:$0x0] =	sbarrier.arrive $0xFFFF  }
0x1f: {  	[tilespmem:s15], [sflag:$0x1] =	stream.indirect.gather [hbm4b:s4+s14], $0x40, s3, s14, $0xb8;
	[tilespmem:$0x1BD00] =	vst v63  }
0x20: {  	_ = 	snop  }
0x21: {  	[tilespmem:s16], [sflag:$0x2] =	stream.indirect.gather [hbm4b:s4+s14], $0x40, s14, s14, $0xb8;
	[tilespmem:$0x1BD00] =	vst v63  }
0x22: {  	s30 =	simm.s32 $0x100  }
0x23: {  	[tilespmem:s18], [sflag:$0x3] =	stream.indirect.gather [hbm4b:s4+s14], $0x40, s30, s14, $0xb8;
	[tilespmem:$0x1BD00] =	vst v63  }
0x24: {  	s19 =	simm.s32 $0x180  }
0x25: {  	[tilespmem:s20], [sflag:$0x4] =	stream.indirect.gather [hbm4b:s4+s14], $0x40, s19, s14, $0xb8;
	[tilespmem:$0x1BD00] =	vst v63  }
0x26: {  	_ =	swait.ge [sflag:s21], $0x2000  }
0x27: {  	[sflag:s21] =	ssyncset.done $0x0  }
0x28: {  	s30 =	simm.s32 $0x5000;
	[sflag:s21] =	ssyncadd.s32 $0xFFFFE000  }
0x29: {  	[spmem:s2] =	stream.indirect.scatter.add.bf16 [tilespmem:s15], [sflag:$0x5], $0x40, s30, s14, $0xb8;
	[tilespmem:$0x1BD00] =	vst v63  }
0x2a: {  	_ =	swait.ge [sflag:s22], $0x2000  }
0x2b: {  	[sflag:s22] =	ssyncset.done $0x0  }
0x2c: {  	s19 =	simm.s32 $0x5080;
	[sflag:s22] =	ssyncadd.s32 $0xFFFFE000  }
0x2d: {  	[spmem:s2] =	stream.indirect.scatter.add.bf16 [tilespmem:s16], [sflag:$0x6], $0x40, s19, s14, $0xb8;
	[tilespmem:$0x1BD00] =	vst v63  }
0x2e: {  	_ =	swait.ge [sflag:s23], $0x2000  }
0x2f: {  	[sflag:s23] =	ssyncset.done $0x0  }
0x30: {  	s30 =	simm.s32 $0x5100;
	[sflag:s23] =	ssyncadd.s32 $0xFFFFE000  }
0x31: {  	[spmem:s2] =	stream.indirect.scatter.add.bf16 [tilespmem:s18], [sflag:$0x7], $0x40, s30, s14, $0xb8;
	[tilespmem:$0x1BD00] =	vst v63  }
0x32: {  	_ =	swait.ge [sflag:s24], $0x2000  }
0x33: {  	[sflag:s24] =	ssyncset.done $0x0  }
0x34: {  	s19 =	simm.s32 $0x5180;
	[sflag:s24] =	ssyncadd.s32 $0xFFFFE000  }
0x35: {  	[spmem:s2] =	stream.indirect.scatter.add.bf16 [tilespmem:s20], [sflag:$0x8], $0x40, s19, s14, $0xb8;
	[tilespmem:$0x1BD00] =	vst v63  }
0x36: {  	_ =	swait.ge [sflag:s25], $0x2000  }
0x37: {  	[sflag:s25] =	ssyncset.done $0x0  }
0x38: {  	s30 =	simm.s32 $0x200;
	[sflag:s25] =	ssyncadd.s32 $0xFFFFE000  }
0x39: {  	[tilespmem:s15], [sflag:$0x1] =	stream.indirect.gather [hbm4b:s4+s14], $0x40, s30, s14, $0xb8;
	[tilespmem:$0x1BD00] =	vst v63  }
0x3a: {  	_ =	swait.ge [sflag:s26], $0x2000  }
0x3b: {  	[sflag:s26] =	ssyncset.done $0x0  }
0x3c: {  	s19 =	simm.s32 $0x280;
	[sflag:s26] =	ssyncadd.s32 $0xFFFFE000  }
0x3d: {  	[tilespmem:s16], [sflag:$0x2] =	stream.indirect.gather [hbm4b:s4+s14], $0x40, s19, s14, $0xb8;
	[tilespmem:$0x1BD00] =	vst v63  }
0x3e: {  	_ =	swait.ge [sflag:s28], $0x2000  }
0x3f: {  	[sflag:s28] =	ssyncset.done $0x0  }
0x40: {  	s30 =	simm.s32 $0x300;
	[sflag:s28] =	ssyncadd.s32 $0xFFFFE000  }
0x41: {  	[tilespmem:s18], [sflag:$0x3] =	stream.indirect.gather [hbm4b:s4+s14], $0x40, s30, s14, $0xb8;
	[tilespmem:$0x1BD00] =	vst v63  }
0x42: {  	_ =	swait.ge [sflag:s29], $0x2000  }
0x43: {  	[sflag:s29] =	ssyncset.done $0x0  }
0x44: {  	s17 =	simm.s32 $0x800;
	s19 =	simm.s32 $0x380;
	[sflag:s29] =	ssyncadd.s32 $0xFFFFE000  }
.LBB2_2:
0x45: {  	[tilespmem:s20], [sflag:$0x4] =	stream.indirect.gather [hbm4b:s4+s14], $0x40, s19, s14, $0xb8;
	[tilespmem:$0x1BD00] =	vst v63  }
0x46: {  	s19 =	smov.u32 s17  }
0x47: {  	p0 =	sne.s32 s17, $0x13000;
	s17 =	sadd.s32 $0x800, s17;
	_ =	swait.ge [sflag:s21], $0x2000  }
0x48: {  	s19 =	sshra.s32 s19, $0x2;
	[sflag:s21] =	ssyncset.done $0x0  }
0x49: {  	s30 =	sadd.s32 $0x5000, s19;
	[sflag:s21] =	ssyncadd.s32 $0xFFFFE000  }
0x4a: {  	[spmem:s2] =	stream.indirect.scatter.add.bf16 [tilespmem:s15], [sflag:$0x5], $0x40, s30, s14, $0xb8;
	[tilespmem:$0x1BD00] =	vst v63  }
0x4b: {  	_ =	swait.ge [sflag:s22], $0x2000  }
0x4c: {  	[sflag:s22] =	ssyncset.done $0x0  }
0x4d: {  	s30 =	sadd.s32 $0x5080, s19;
	[sflag:s22] =	ssyncadd.s32 $0xFFFFE000  }
0x4e: {  	[spmem:s2] =	stream.indirect.scatter.add.bf16 [tilespmem:s16], [sflag:$0x6], $0x40, s30, s14, $0xb8;
	[tilespmem:$0x1BD00] =	vst v63  }
0x4f: {  	_ =	swait.ge [sflag:s23], $0x2000  }
0x50: {  	[sflag:s23] =	ssyncset.done $0x0  }
0x51: {  	s30 =	sadd.s32 $0x5100, s19;
	[sflag:s23] =	ssyncadd.s32 $0xFFFFE000  }
0x52: {  	[spmem:s2] =	stream.indirect.scatter.add.bf16 [tilespmem:s18], [sflag:$0x7], $0x40, s30, s14, $0xb8;
	[tilespmem:$0x1BD00] =	vst v63  }
0x53: {  	_ =	swait.ge [sflag:s24], $0x2000  }
0x54: {  	[sflag:s24] =	ssyncset.done $0x0  }
0x55: {  	s30 =	sadd.s32 $0x5180, s19;
	[sflag:s24] =	ssyncadd.s32 $0xFFFFE000  }
0x56: {  	[spmem:s2] =	stream.indirect.scatter.add.bf16 [tilespmem:s20], [sflag:$0x8], $0x40, s30, s14, $0xb8;
	[tilespmem:$0x1BD00] =	vst v63  }
0x57: {  	_ =	swait.ge [sflag:s25], $0x2000  }
0x58: {  	[sflag:s25] =	ssyncset.done $0x0  }
0x59: {  	s30 =	sadd.s32 $0x200, s19;
	[sflag:s25] =	ssyncadd.s32 $0xFFFFE000  }
0x5a: {  	[tilespmem:s15], [sflag:$0x1] =	stream.indirect.gather [hbm4b:s4+s14], $0x40, s30, s14, $0xb8;
	[tilespmem:$0x1BD00] =	vst v63  }
0x5b: {  	_ =	swait.ge [sflag:s26], $0x2000  }
0x5c: {  	[sflag:s26] =	ssyncset.done $0x0  }
0x5d: {  	s30 =	sadd.s32 $0x280, s19;
	[sflag:s26] =	ssyncadd.s32 $0xFFFFE000  }
0x5e: {  	[tilespmem:s16], [sflag:$0x2] =	stream.indirect.gather [hbm4b:s4+s14], $0x40, s30, s14, $0xb8;
	[tilespmem:$0x1BD00] =	vst v63  }
0x5f: {  	_ =	swait.ge [sflag:s28], $0x2000  }
0x60: {  	[sflag:s28] =	ssyncset.done $0x0  }
.Ltmp0:
0x61: {  	s30 =	sadd.s32 $0x300, s19;
	[sflag:s28] =	ssyncadd.s32 $0xFFFFE000;
	(pc) =	sbr.rel @p0 .LBB2_2-.Ltmp0, $4  }
0x62: {  	[tilespmem:s18], [sflag:$0x3] =	stream.indirect.gather [hbm4b:s4+s14], $0x40, s30, s14, $0xb8;
	[tilespmem:$0x1BD00] =	vst v63  }
0x63: {  	_ =	swait.ge [sflag:s29], $0x2000  }
0x64: {  	[sflag:s29] =	ssyncset.done $0x0  }
0x65: {  	s19 =	sadd.s32 $0x380, s19;
	[sflag:s29] =	ssyncadd.s32 $0xFFFFE000  }
0x66: {  	[tilespmem:s20], [sflag:$0x4] =	stream.indirect.gather [hbm4b:s4+s14], $0x40, s19, s14, $0xb8;
	[tilespmem:$0x1BD00] =	vst v63  }
0x67: {  	_ =	swait.ge [sflag:s21], $0x2000  }
0x68: {  	[sflag:s21] =	ssyncset.done $0x0  }
0x69: {  	s17 =	simm.s32 $0x9E00;
	[sflag:s21] =	ssyncadd.s32 $0xFFFFE000  }
0x6a: {  	[spmem:s2] =	stream.indirect.scatter.add.bf16 [tilespmem:s15], [sflag:$0x5], $0x40, s17, s14, $0xb8;
	[tilespmem:$0x1BD00] =	vst v63  }
0x6b: {  	_ =	swait.ge [sflag:s22], $0x2000  }
0x6c: {  	[sflag:s22] =	ssyncset.done $0x0  }
0x6d: {  	[sflag:s22] =	ssyncadd.s32 $0xFFFFE000  }
0x6e: {  	[spmem:s2] =	stream.indirect.scatter.add.bf16 [tilespmem:s16], [sflag:$0x6], $0x40, s31, s14, $0xb8;
	[tilespmem:$0x1BD00] =	vst v63  }
0x6f: {  	_ =	swait.ge [sflag:s23], $0x2000  }
0x70: {  	[sflag:s23] =	ssyncset.done $0x0  }
0x71: {  	[sflag:s23] =	ssyncadd.s32 $0xFFFFE000  }
0x72: {  	[spmem:s2] =	stream.indirect.scatter.add.bf16 [tilespmem:s18], [sflag:$0x7], $0x40, s1, s14, $0xb8;
	[tilespmem:$0x1BD00] =	vst v63  }
0x73: {  	_ =	swait.ge [sflag:s24], $0x2000  }
0x74: {  	[sflag:s24] =	ssyncset.done $0x0  }
0x75: {  	[sflag:s24] =	ssyncadd.s32 $0xFFFFE000  }
0x76: {  	[spmem:s2] =	stream.indirect.scatter.add.bf16 [tilespmem:s20], [sflag:$0x8], $0x40, s0, s14, $0xb8;
	[tilespmem:$0x1BD00] =	vst v63  }
0x77: {  	_ =	swait.ge [sflag:s25], $0x2000  }
0x78: {  	[sflag:s25] =	ssyncset.done $0x0  }
0x79: {  	[sflag:s25] =	ssyncadd.s32 $0xFFFFE000  }
0x7a: {  	_ =	swait.ge [sflag:s26], $0x2000  }
0x7b: {  	[sflag:s26] =	ssyncset.done $0x0  }
0x7c: {  	[sflag:s26] =	ssyncadd.s32 $0xFFFFE000  }
0x7d: {  	_ =	swait.ge [sflag:s28], $0x2000  }
0x7e: {  	[sflag:s28] =	ssyncset.done $0x0  }
0x7f: {  	[sflag:s28] =	ssyncadd.s32 $0xFFFFE000  }
0x80: {  	_ =	swait.ge [sflag:s29], $0x2000  }
0x81: {  	s11 =	sadd.s32 $0x1, s11;
	[sflag:s29] =	ssyncset.done $0x0  }
0x82: {  	p0 =	sne.s32 s11, s9;
	[sflag:s29] =	ssyncadd.s32 $0xFFFFE000  }
.Ltmp1:
0x83: {  	[bflag:$0x0] =	sbarrier.arrive $0xFFFF;
	(pc) =	sbr.rel @p0 .LBB2_1-.Ltmp1, $4  }
0x84: {  	[hbm:s8], [sflag:s12] =	dma.local [spmem:s13], $0x13A0  }
0x85: {  	_ =	swait.ge [sflag:s10], $0x13A0  }
0x86: {  	[sflag:s10] =	ssyncset.done $0x0  }
0x87: {  	[sflag:s10] =	ssyncadd.s32 $0xFFFFEC60  }
0x88: {  	_ =	sfence.sel $0x180000  }
0x89: {  	[bflag:$0x0] =	sbarrier.arrive $0xFFFF  }
0x8a: {  	_ =	strace $0x9000004A  }
0x8b: {  	s0 =	stileid.u32;
	[bflag:$0x2] =	sbarrier.arrive $0xFFFF  }
0x8c: {  	p0 =	sne.s32 s0, $0x0;
	s0 =	rddreg [dreg:$0x2]  }
0x8d: {  	s0 =	sadd.s32 @!p0 $0x100000, s0  }
0x8e: {  	[sflag:s0] =	ssyncadd.tile.s32 @!p0 $0x1;
	_ =	shalt  }
.Lfunc_end2:
_tile_overlayer_lowered:
.L_overlay_start_2:
0x8f: {  	(tag) =	ssettag $0x2  }
0x90: {  	s0 =	rddreg [dreg:$0x0];
	s2 =	stileid.u32  }
0x91: {  	s1 =	rddreg [dreg:$0x1];
	p0 =	sne.s32 s2, $0x0  }
0x92: {  	s3 =	rddreg [dreg:$0x2];
	[bflag:$0x3] =	sbarrier.arrive $0xFFFF;
	s2 =	simm.s32 @!p0 $0x1C09  }
0x93: {  	[timem:s3], [sflag:s2] =	dma.local @!p0 [hbm:s0], s1  }
0x94: {  	s0 =	simm.s32 @!p0 $0x9  }
0x95: {  	_ =	swait.ge @!p0 [sflag:s0], s1  }
0x96: {  	s1 =	ssub.s32 @!p0 $0x0, s1;
	[sflag:s0] =	ssyncset.done @!p0 $0x0  }
0x97: {  	[sflag:s0] =	ssyncadd.s32 @!p0 s1  }
0x98: {  	[bflag:$0x3] =	sbarrier.arrive $0xFFFF  }
0x99: {  	_ =	shalt  }

// kernel: kernel.14.cloned.1.call-start
scs
__scs_entry_jumppad:
0x0: {  	(pc) =	sbr.rel $0x88, $3  }
0x1: {  	(tag) =	ssettag $0x0;
	lr =	simm.s32 $0x1  }
0x2: {  	[smem:$0x3F93] =	sst lr;
	_ =	strace $0xD0000000  }
0x3: {  	_ = 	snop  }
0x4: {  	_ = 	snop  }
0x5: {  	_ = 	snop  }
0x6: {  	_ = 	snop  }
0x7: {  	_ = 	snop  }
__scs_overlays_trampoline_lowered:
0x8: {  	[smem:$0x3FA2] =	sst s0  }
0x9: {  	[smem:$0x3FA3] =	sst s1  }
0xa: {  	[smem:$0x3FA4] =	sst s2  }
0xb: {  	[smem:$0x3FA5] =	sst s3  }
0xc: {  	[smem:$0x3FA6] =	sst s4  }
0xd: {  	[smem:$0x3FA7] =	sst s5  }
0xe: {  	[smem:$0x3FA8] =	sst s6  }
0xf: {  	[smem:$0x3FA9] =	sst s7  }
0x10: {  	[smem:$0x3FAA] =	sst s8  }
0x11: {  	[smem:$0x3FAB] =	sst s9;
	s0 =	simm.s32 @!p0 $0x0  }
0x12: {  	s1 =	sld [smem:$0x3F91];
	s0 =	simm.s32 @p0 $0x1  }
0x13: {  	[smem:$0x3FAC] =	sst s0;
	s0 =	simm.s32 @!p1 $0x0  }
0x14: {  	s2 =	sld [smem:$0x3F90];
	s0 =	simm.s32 @p1 $0x1  }
0x15: {  	[smem:$0x3FAD] =	sst s0;
	s0 =	simm.s32 @!p2 $0x0  }
0x16: {  	s3 =	sld [smem:$0x3FDB];
	s0 =	simm.s32 @p2 $0x1  }
0x17: {  	s4 =	simm.s32 $0x1BF5;
	[smem:$0x3FAF] =	sst s0  }
0x18: {  	s0 =	sld [smem:$0x3F92];
	_ =	swait.ge [sflag:s4], $0x0  }
0x19: {  	s7 =	sld [smem:$0x3F93]  }
0x1a: {  	s8 =	sadd.s32 $0xFFFFE003, lr  }
0x1b: {  	s9 =	sadd.s32 $0xFFFFFEF7, lr;
	s5 =	simm.s32 $0xFFFFFFFF;
	p2 =	slt.u32 s8, $0xFFFFF086  }
0x1c: {  	p1 =	slt.u32 s9, $0xF7A;
	s5 =	simm.s32 @!p2 $0x0  }
0x1d: {  	s5 =	simm.s32 @p1 $0x1;
	p0 =	seq.s32 s7, s2  }
0x1e: {  	s7 =	smul.u32 @!p0 $0xF7A, s2;
	p2 =	seq.s32 @!p0 s5, $0x0  }
0x1f: {  	s9 =	smul.u32 $0xF7A, s1;
	s8 =	simm.s32 @!p0 $0x1BF5;
	p2 =	por !p2, p0  }
0x20: {  	[sflag:s8] =	ssyncset.s32 @!p0 $0xFFFFF086;
	s6 =	sadd.s32 @!p0 s3, s7;
	s7 =	simm.s32 @!p0 $0x108  }
0x21: {  	s3 =	sadd.s32 s3, s9;
	s6 =	sadd.s32 @!p0 $0x88, s6;
	s7 =	simm.s32 @p2 $0x1082  }
0x22: {  	[simem:s7], [sflag:s8] =	dma.local @!p0 [hbm:s6], $0xF7A  }
0x23: {  	s9 =	sor.u32 $0xD0000000, s2;
	s6 =	simm.s32 $0x108;
	_ =	swait.ge @!p0 [sflag:s8], $0x0  }
0x24: {  	s3 =	sadd.s32 $0x88, s3;
	s6 =	simm.s32 @!p1 $0x1082;
	[sflag:s4] =	ssyncset.s32 $0xFFFFF086  }
0x25: {  	[simem:s6], [sflag:s4] =	dma.local [hbm:s3], $0xF7A  }
0x26: {  	[smem:$0x3F93] =	sst s1;
	(tag) =	ssettag s2;
	_ =	strace s9  }
0x27: {  	s1 =	sld [smem:$0x3FA3]  }
0x28: {  	s2 =	sld [smem:$0x3FA4]  }
0x29: {  	s4 =	sld [smem:$0x3FA6]  }
0x2a: {  	p0 =	seq.s32 s5, $0x0;
	s5 =	sld [smem:$0x3FA7]  }
0x2b: {  	s6 =	sld [smem:$0x3FA8]  }
0x2c: {  	s7 =	sld [smem:$0x3FA9]  }
0x2d: {  	s3 =	simm.s32 $0x108;
	s8 =	sld [smem:$0x3FAA]  }
0x2e: {  	s3 =	simm.s32 @!p0 $0x1082;
	s9 =	sld [smem:$0x3FAB]  }
0x2f: {  	lr =	sadd.s32 s0, s3;
	s0 =	sld [smem:$0x3FA2]  }
0x30: {  	s3 =	sld [smem:$0x3FA5]  }
0x31: {  	[smem:$0x3FAE] =	sst s10  }
0x32: {  	s10 =	sld [smem:$0x3FAC];
	_ =	sdelay $0x3  }
0x33: {  	p0 =	seq.s32 s10, $0x1;
	s10 =	sld [smem:$0x3FAE];
	_ =	sdelay $0x3  }
0x34: {  	[smem:$0x3FAE] =	sst s10  }
0x35: {  	s10 =	sld [smem:$0x3FAD];
	_ =	sdelay $0x3  }
0x36: {  	p1 =	seq.s32 s10, $0x1;
	s10 =	sld [smem:$0x3FAE];
	_ =	sdelay $0x3  }
0x37: {  	[smem:$0x3FAE] =	sst s10  }
0x38: {  	s10 =	sld [smem:$0x3FAF]  }
0x39: {  	_ = 	snop;
	(pc) =	sbr.ind lr, $3  }
0x3a: {  	_ = 	snop  }
0x3b: {  	_ = 	snop  }
0x3c: {  	p2 =	seq.s32 s10, $0x1;
	s10 =	sld [smem:$0x3FAE]  }
0x3d: {  	_ =	shalt  }
0x3e: {  	_ =	shalt  }
0x3f: {  	_ =	shalt  }
0x40: {  	_ =	shalt  }
0x41: {  	_ =	shalt  }
0x42: {  	_ =	shalt  }
0x43: {  	_ =	shalt  }
0x44: {  	_ =	shalt  }
0x45: {  	_ =	shalt  }
0x46: {  	_ =	shalt  }
0x47: {  	_ =	shalt  }
0x48: {  	_ =	shalt  }
0x49: {  	_ =	shalt  }
0x4a: {  	_ =	shalt  }
0x4b: {  	_ =	shalt  }
0x4c: {  	_ =	shalt  }
0x4d: {  	_ =	shalt  }
0x4e: {  	_ =	shalt  }
0x4f: {  	_ =	shalt  }
0x50: {  	_ =	shalt  }
0x51: {  	_ =	shalt  }
0x52: {  	_ =	shalt  }
0x53: {  	_ =	shalt  }
0x54: {  	_ =	shalt  }
0x55: {  	_ =	shalt  }
0x56: {  	_ =	shalt  }
0x57: {  	_ =	shalt  }
0x58: {  	_ =	shalt  }
0x59: {  	_ =	shalt  }
0x5a: {  	_ =	shalt  }
0x5b: {  	_ =	shalt  }
0x5c: {  	_ =	shalt  }
0x5d: {  	_ =	shalt  }
0x5e: {  	_ =	shalt  }
0x5f: {  	_ =	shalt  }
0x60: {  	_ =	shalt  }
0x61: {  	_ =	shalt  }
0x62: {  	_ =	shalt  }
0x63: {  	_ =	shalt  }
0x64: {  	_ =	shalt  }
0x65: {  	_ =	shalt  }
0x66: {  	_ =	shalt  }
0x67: {  	_ =	shalt  }
0x68: {  	_ =	shalt  }
0x69: {  	_ =	shalt  }
0x6a: {  	_ =	shalt  }
0x6b: {  	_ =	shalt  }
0x6c: {  	_ =	shalt  }
0x6d: {  	_ =	shalt  }
0x6e: {  	_ =	shalt  }
0x6f: {  	_ =	shalt  }
0x70: {  	_ =	shalt  }
0x71: {  	_ =	shalt  }
0x72: {  	_ =	shalt  }
0x73: {  	_ =	shalt  }
0x74: {  	_ =	shalt  }
0x75: {  	_ =	shalt  }
0x76: {  	_ =	shalt  }
0x77: {  	_ =	shalt  }
0x78: {  	_ =	shalt  }
0x79: {  	_ =	shalt  }
0x7a: {  	_ =	shalt  }
0x7b: {  	_ =	shalt  }
0x7c: {  	_ =	shalt  }
0x7d: {  	_ =	shalt  }
0x7e: {  	_ =	shalt  }
0x7f: {  	_ =	shalt  }
0x80: {  	_ =	shalt  }
0x81: {  	_ =	shalt  }
0x82: {  	_ =	shalt  }
0x83: {  	_ =	shalt  }
0x84: {  	_ =	shalt  }
0x85: {  	_ =	shalt  }
0x86: {  	_ =	shalt  }
0x87: {  	_ =	shalt  }
.Lfunc_end0:
.L_simem_size_0:
called_computation.2_lowered:
.L_overlay_start_0:
0x88: {  	s2 =	sld [smem:$0x3FD9]  }
0x89: {  	s3 =	sld [smem:$0x3FFE];
	_ =	sdelay $0x1  }
0x8a: {  	s1 =	srdreg.scid  }
0x8b: {  	s0 =	sand.u32 $0x1, s1  }
0x8c: {  	s16 =	sshll.u32 s0, $0xA;
	s2 =	sadd.s32 s3, s2  }
0x8d: {  	s2 =	sadd.s32 s2, s16  }
0x8e: {  	[smem:$0x3FBA] =	sst s2  }
0x8f: {  	_ = 	snop  }
0x90: {  	(tm) =	ssettm $0x1  }
0x91: {  	s17 =	sld [smem:$0x3FFB];
	_ =	sdelay $0x3  }
0x92: {  	_ =	strace s17  }
0x93: {  	s2 =	sld [smem:$0x3FFC];
	_ =	sdelay $0x3  }
0x94: {  	_ =	strace s2  }
0x95: {  	s2 =	sld [smem:$0x3FFD];
	_ =	sdelay $0x3  }
0x96: {  	_ =	strace s2  }
0x97: {  	_ =	strace $0x8FFFFFFF  }
0x98: {  	s18 =	sld [smem:$0x3FDB];
	_ =	sdelay $0x1  }
0x99: {  	s19 =	simm.s32 $_scs_section_size  }
0x9a: {  	s4 =	simm.s32 $_size__tile_overlayer_lowered;
	s5 =	simm.s32 $_tile_overlayer_lowered  }
0x9b: {  	s22 =	simm.s32 $0x1BFF;
	s21 =	sshll.u32 s5, $0x1;
	s2 =	sadd.s32 s19, s18  }
0x9c: {  	s6 =	simm.s32 $0x0;
	s20 =	sshll.u32 s4, $0x1;
	s4 =	sadd.s32 s21, s2  }
0x9d: {  	[timem:s6], [sflag:s22] =	dma.local [hbm:s4], s20  }
0x9e: {  	_ =	swait.ge [sflag:s22], s20  }
0x9f: {  	s3 =	ssub.s32 $0x0, s20;
	[sflag:s22] =	ssyncset.done $0x0  }
0xa0: {  	[sflag:s22] =	ssyncadd.s32 s3;
	_ =	sdelay $0x1  }
0xa1: {  	s23 =	simm.s32 $0x1B8B  }
0xa2: {  	_ =	swait.ge [sflag:s23], $0x1  }
0xa3: {  	[sflag:s23] =	ssyncset.done $0x0  }
0xa4: {  	s25 =	simm.s32 $0x1B8E;
	s24 =	sld [smem:$0x3FFE];
	[sflag:s23] =	ssyncadd.s32 $0xFFFFFFFF  }
0xa5: {  	s26 =	simm.s32 $execute0_lowered;
	[smem:$0x3FD2] =	sst s25  }
0xa6: {  	s4 =	sshll.u32 s26, $0x1;
	_ =	strace $0x8000004C;
	[dreg:$0x1] =	wrdreg $0xFFFFFFFF  }
0xa7: {  	s28 =	simm.s32 $_size_execute0_lowered;
	s2 =	sadd.s32 s2, s4;
	[dreg:$0x0] =	wrdreg $0x0  }
0xa8: {  	s4 =	sshll.u32 s28, $0x1;
	[dreg:$0x2] =	wrdreg s2  }
0xa9: {  	[dreg:$0x3] =	wrdreg s4  }
0xaa: {  	[dreg:$0x4] =	wrdreg $0xC0  }
0xab: {  	_ =	task [dreg:s6], $0x5FFFF  }
0xac: {  	[dreg:$0x1] =	wrdreg $0xFFFFFFFF  }
0xad: {  	[dreg:$0x0] =	wrdreg $0x60  }
0xae: {  	[dreg:$0x2] =	wrdreg s24  }
0xaf: {  	[dreg:$0x3] =	wrdreg $0x120000  }
0xb0: {  	[dreg:$0x4] =	wrdreg $0x9  }
0xb1: {  	_ =	task.clear_ibuf [dreg:s6], $0x5FFFF;
	_ =	strace $0x9000004C  }
0xb2: {  	s29 =	simm.s32 $0x9;
	_ =	strace $0x8000004E  }
0xb3: {  	_ =	swait.ge [sflag:s29], $0x1  }
0xb4: {  	[sflag:s29] =	ssyncadd.s32 $0xFFFFFFFF  }
0xb5: {  	_ =	strace $0x9000004E  }
0xb6: {  	_ =	sfence  }
0xb7: {  	s30 =	sld [smem:$0x0];
	_ =	sdelay $0x2  }
0xb8: {  	s31 =	sshll.u32 s1, $0xD;
	s1 =	sshrl.u32 s1, $0x2  }
0xb9: {  	s3 =	sand.u32 $0x4000, s31;
	s1 =	sadd.s32 s1, s30  }
0xba: {  	s0 =	sor.u32 s3, s0;
	s1 =	sshll.u32 s1, $0x11  }
0xbb: {  	s0 =	sor.u32 s1, s0  }
0xbc: {  	s0 =	sadd.s32 $0x8F2B, s0  }
0xbd: {  	[sflag:s0] =	ssyncadd.remote.s32 $0x1  }
0xbe: {  	_ =	sfence.sel $0xFFFF  }
0xbf: {  	[dreg:$0x0] =	wrdreg $0xFFFFFFFF;
	(pc) =	sbr.abs _section_cstart, $3  }
0xc0: {  	[dreg:$0x1] =	wrdreg $0xFFFFFFFF  }
0xc1: {  	_ =	task.clear_ibuf [dreg:s6], $0x2FFFF;
	_ =	strace $0x9FFFFFFF  }
0xc2: {  	(tm) =	ssettm $0x7FFFFFFF  }
0xc3: {  	_ =	shalt  }
tec
execute0_lowered:
.L_overlay_start_1:
0x0: {  	(tag) =	ssettag $0x1  }
0x1: {  	s0 =	srdreg.scid;
	s1 =	rddreg [dreg:$0x0]  }
0x2: {  	s10 =	stileid.u32;
	s2 =	rddreg [dreg:$0x1];
	s3 =	simm.s32 $0x0  }
0x3: {  	s14 =	simm.s32 $0x80;
	s15 =	simm.s32 $0xA000;
	s16 =	simm.s32 $0xC000  }
0x4: {  	s18 =	simm.s32 $0xE000;
	s20 =	simm.s32 $0x10000;
	s21 =	simm.s32 $0x1  }
0x5: {  	s22 =	simm.s32 $0x2;
	s23 =	simm.s32 $0x3;
	s24 =	simm.s32 $0x4  }
0x6: {  	s25 =	simm.s32 $0x5;
	s28 =	simm.s32 $0x7;
	s5 =	smul.u32 $0x5000, s10  }
0x7: {  	s29 =	simm.s32 $0x8;
	s0 =	sand.u32 $0x1, s0;
	s6 =	smul.u32 $0x13A00, s10  }
0x8: {  	s31 =	simm.s32 $0x9E80;
	[smem:$0x7FF] =	sst s3;
	s4 =	smul.u32 $0x50000, s0  }
0x9: {  	s30 =	sshll.u32 s10, $0x6;
	s10 =	simm.s32 $0x9;
	s7 =	smul.u32 $0x13A000, s0  }
0xa: {  	_ =	strace $0x8000004D;
	s0 =	ssub.s32 $0x2, s0;
	s12 =	sor.u32 $0x1C09, s30  }
0xb: {  	s9 =	sshrl.u32 s0, $0x1;
	s26 =	sshrl.u32 s6, $0x1;
	s5 =	sadd.s32 s5, s4  }
0xc: {  	s4 =	sadd.s32 $0x48C00, s1;
	s7 =	sadd.s32 s6, s7;
	s0 =	ssub.s32 s0, s9  }
0xd: {  	s11 =	sadd.s32 s26, s2;
	s26 =	simm.s32 $0x6;
	s5 =	sshrl.u32 s5, $0x3  }
0xe: {  	s7 =	sshrl.u32 s7, $0x4;
	s9 =	smax.u32 s0, $0x1;
	s13 =	sshrl.u32 s11, $0x3  }
0xf: {  	s0 =	simm.s32 $0x9F80;
	s11 =	simm.s32 $0x0;
	s8 =	sadd.s32 s5, s1  }
0x10: {  	s5 =	sadd.s32 $0x33800, s1;
	s1 =	sadd.s32 s7, s1;
	s6 =	sadd.s32 $0x34C00, s8  }
0x11: {  	s7 =	sadd.s32 $0x15400, s8;
	s8 =	sadd.s32 $0x6FE00, s1;
	s1 =	simm.s32 $0x9F00  }
.LBB2_1:
0x12: {  	[tilespmem:s3], [sflag:$0x9] =	stream.linear.gather [hbm4b:s6+s3], $0x5000, $0x38;
	[tilespmem:$0x1BD00] =	vst v63  }
0x13: {  	_ =	swait.ge [sflag:s10], $0x5000  }
0x14: {  	[sflag:s10] =	ssyncset.done $0x0  }
0x15: {  	s17 =	simm.s32 $0x5000;
	[sflag:s10] =	ssyncadd.s32 $0xFFFFB000  }
0x16: {  	[tilespmem:s17], [sflag:$0x9] =	stream.linear.gather [hbm4b:s7+s3], $0x5000, $0x38;
	[tilespmem:$0x1BD00] =	vst v63  }
0x17: {  	_ =	swait.ge [sflag:s10], $0x5000  }
0x18: {  	[sflag:s10] =	ssyncset.done $0x0  }
0x19: {  	[sflag:s10] =	ssyncadd.s32 $0xFFFFB000  }
0x1a: {  	[spmem:s13], [sflag:s12] =	dma.local [hbm:s5], $0x13A0  }
0x1b: {  	_ =	swait.ge [sflag:s10], $0x13A0  }
0x1c: {  	[sflag:s10] =	ssyncset.done $0x0  }
0x1d: {  	[sflag:s10] =	ssyncadd.s32 $0xFFFFEC60  }
0x1e: {  	[bflag:$0x0] =	sbarrier.arrive $0xFFFF  }
0x1f: {  	[tilespmem:s15], [sflag:$0x1] =	stream.indirect.gather [hbm4b:s4+s14], $0x40, s3, s14, $0xb8;
	[tilespmem:$0x1BD00] =	vst v63  }
0x20: {  	_ = 	snop  }
0x21: {  	[tilespmem:s16], [sflag:$0x2] =	stream.indirect.gather [hbm4b:s4+s14], $0x40, s14, s14, $0xb8;
	[tilespmem:$0x1BD00] =	vst v63  }
0x22: {  	s30 =	simm.s32 $0x100  }
0x23: {  	[tilespmem:s18], [sflag:$0x3] =	stream.indirect.gather [hbm4b:s4+s14], $0x40, s30, s14, $0xb8;
	[tilespmem:$0x1BD00] =	vst v63  }
0x24: {  	s19 =	simm.s32 $0x180  }
0x25: {  	[tilespmem:s20], [sflag:$0x4] =	stream.indirect.gather [hbm4b:s4+s14], $0x40, s19, s14, $0xb8;
	[tilespmem:$0x1BD00] =	vst v63  }
0x26: {  	_ =	swait.ge [sflag:s21], $0x2000  }
0x27: {  	[sflag:s21] =	ssyncset.done $0x0  }
0x28: {  	s30 =	simm.s32 $0x5000;
	[sflag:s21] =	ssyncadd.s32 $0xFFFFE000  }
0x29: {  	[spmem:s2] =	stream.indirect.scatter.add.bf16 [tilespmem:s15], [sflag:$0x5], $0x40, s30, s14, $0xb8;
	[tilespmem:$0x1BD00] =	vst v63  }
0x2a: {  	_ =	swait.ge [sflag:s22], $0x2000  }
0x2b: {  	[sflag:s22] =	ssyncset.done $0x0  }
0x2c: {  	s19 =	simm.s32 $0x5080;
	[sflag:s22] =	ssyncadd.s32 $0xFFFFE000  }
0x2d: {  	[spmem:s2] =	stream.indirect.scatter.add.bf16 [tilespmem:s16], [sflag:$0x6], $0x40, s19, s14, $0xb8;
	[tilespmem:$0x1BD00] =	vst v63  }
0x2e: {  	_ =	swait.ge [sflag:s23], $0x2000  }
0x2f: {  	[sflag:s23] =	ssyncset.done $0x0  }
0x30: {  	s30 =	simm.s32 $0x5100;
	[sflag:s23] =	ssyncadd.s32 $0xFFFFE000  }
0x31: {  	[spmem:s2] =	stream.indirect.scatter.add.bf16 [tilespmem:s18], [sflag:$0x7], $0x40, s30, s14, $0xb8;
	[tilespmem:$0x1BD00] =	vst v63  }
0x32: {  	_ =	swait.ge [sflag:s24], $0x2000  }
0x33: {  	[sflag:s24] =	ssyncset.done $0x0  }
0x34: {  	s19 =	simm.s32 $0x5180;
	[sflag:s24] =	ssyncadd.s32 $0xFFFFE000  }
0x35: {  	[spmem:s2] =	stream.indirect.scatter.add.bf16 [tilespmem:s20], [sflag:$0x8], $0x40, s19, s14, $0xb8;
	[tilespmem:$0x1BD00] =	vst v63  }
0x36: {  	_ =	swait.ge [sflag:s25], $0x2000  }
0x37: {  	[sflag:s25] =	ssyncset.done $0x0  }
0x38: {  	s30 =	simm.s32 $0x200;
	[sflag:s25] =	ssyncadd.s32 $0xFFFFE000  }
0x39: {  	[tilespmem:s15], [sflag:$0x1] =	stream.indirect.gather [hbm4b:s4+s14], $0x40, s30, s14, $0xb8;
	[tilespmem:$0x1BD00] =	vst v63  }
0x3a: {  	_ =	swait.ge [sflag:s26], $0x2000  }
0x3b: {  	[sflag:s26] =	ssyncset.done $0x0  }
0x3c: {  	s19 =	simm.s32 $0x280;
	[sflag:s26] =	ssyncadd.s32 $0xFFFFE000  }
0x3d: {  	[tilespmem:s16], [sflag:$0x2] =	stream.indirect.gather [hbm4b:s4+s14], $0x40, s19, s14, $0xb8;
	[tilespmem:$0x1BD00] =	vst v63  }
0x3e: {  	_ =	swait.ge [sflag:s28], $0x2000  }
0x3f: {  	[sflag:s28] =	ssyncset.done $0x0  }
0x40: {  	s30 =	simm.s32 $0x300;
	[sflag:s28] =	ssyncadd.s32 $0xFFFFE000  }
0x41: {  	[tilespmem:s18], [sflag:$0x3] =	stream.indirect.gather [hbm4b:s4+s14], $0x40, s30, s14, $0xb8;
	[tilespmem:$0x1BD00] =	vst v63  }
0x42: {  	_ =	swait.ge [sflag:s29], $0x2000  }
0x43: {  	[sflag:s29] =	ssyncset.done $0x0  }
0x44: {  	s17 =	simm.s32 $0x800;
	s19 =	simm.s32 $0x380;
	[sflag:s29] =	ssyncadd.s32 $0xFFFFE000  }
.LBB2_2:
0x45: {  	[tilespmem:s20], [sflag:$0x4] =	stream.indirect.gather [hbm4b:s4+s14], $0x40, s19, s14, $0xb8;
	[tilespmem:$0x1BD00] =	vst v63  }
0x46: {  	s19 =	smov.u32 s17  }
0x47: {  	p0 =	sne.s32 s17, $0x13000;
	s17 =	sadd.s32 $0x800, s17;
	_ =	swait.ge [sflag:s21], $0x2000  }
0x48: {  	s19 =	sshra.s32 s19, $0x2;
	[sflag:s21] =	ssyncset.done $0x0  }
0x49: {  	s30 =	sadd.s32 $0x5000, s19;
	[sflag:s21] =	ssyncadd.s32 $0xFFFFE000  }
0x4a: {  	[spmem:s2] =	stream.indirect.scatter.add.bf16 [tilespmem:s15], [sflag:$0x5], $0x40, s30, s14, $0xb8;
	[tilespmem:$0x1BD00] =	vst v63  }
0x4b: {  	_ =	swait.ge [sflag:s22], $0x2000  }
0x4c: {  	[sflag:s22] =	ssyncset.done $0x0  }
0x4d: {  	s30 =	sadd.s32 $0x5080, s19;
	[sflag:s22] =	ssyncadd.s32 $0xFFFFE000  }
0x4e: {  	[spmem:s2] =	stream.indirect.scatter.add.bf16 [tilespmem:s16], [sflag:$0x6], $0x40, s30, s14, $0xb8;
	[tilespmem:$0x1BD00] =	vst v63  }
0x4f: {  	_ =	swait.ge [sflag:s23], $0x2000  }
0x50: {  	[sflag:s23] =	ssyncset.done $0x0  }
0x51: {  	s30 =	sadd.s32 $0x5100, s19;
	[sflag:s23] =	ssyncadd.s32 $0xFFFFE000  }
0x52: {  	[spmem:s2] =	stream.indirect.scatter.add.bf16 [tilespmem:s18], [sflag:$0x7], $0x40, s30, s14, $0xb8;
	[tilespmem:$0x1BD00] =	vst v63  }
0x53: {  	_ =	swait.ge [sflag:s24], $0x2000  }
0x54: {  	[sflag:s24] =	ssyncset.done $0x0  }
0x55: {  	s30 =	sadd.s32 $0x5180, s19;
	[sflag:s24] =	ssyncadd.s32 $0xFFFFE000  }
0x56: {  	[spmem:s2] =	stream.indirect.scatter.add.bf16 [tilespmem:s20], [sflag:$0x8], $0x40, s30, s14, $0xb8;
	[tilespmem:$0x1BD00] =	vst v63  }
0x57: {  	_ =	swait.ge [sflag:s25], $0x2000  }
0x58: {  	[sflag:s25] =	ssyncset.done $0x0  }
0x59: {  	s30 =	sadd.s32 $0x200, s19;
	[sflag:s25] =	ssyncadd.s32 $0xFFFFE000  }
0x5a: {  	[tilespmem:s15], [sflag:$0x1] =	stream.indirect.gather [hbm4b:s4+s14], $0x40, s30, s14, $0xb8;
	[tilespmem:$0x1BD00] =	vst v63  }
0x5b: {  	_ =	swait.ge [sflag:s26], $0x2000  }
0x5c: {  	[sflag:s26] =	ssyncset.done $0x0  }
0x5d: {  	s30 =	sadd.s32 $0x280, s19;
	[sflag:s26] =	ssyncadd.s32 $0xFFFFE000  }
0x5e: {  	[tilespmem:s16], [sflag:$0x2] =	stream.indirect.gather [hbm4b:s4+s14], $0x40, s30, s14, $0xb8;
	[tilespmem:$0x1BD00] =	vst v63  }
0x5f: {  	_ =	swait.ge [sflag:s28], $0x2000  }
0x60: {  	[sflag:s28] =	ssyncset.done $0x0  }
.Ltmp0:
0x61: {  	s30 =	sadd.s32 $0x300, s19;
	[sflag:s28] =	ssyncadd.s32 $0xFFFFE000;
	(pc) =	sbr.rel @p0 .LBB2_2-.Ltmp0, $4  }
0x62: {  	[tilespmem:s18], [sflag:$0x3] =	stream.indirect.gather [hbm4b:s4+s14], $0x40, s30, s14, $0xb8;
	[tilespmem:$0x1BD00] =	vst v63  }
0x63: {  	_ =	swait.ge [sflag:s29], $0x2000  }
0x64: {  	[sflag:s29] =	ssyncset.done $0x0  }
0x65: {  	s19 =	sadd.s32 $0x380, s19;
	[sflag:s29] =	ssyncadd.s32 $0xFFFFE000  }
0x66: {  	[tilespmem:s20], [sflag:$0x4] =	stream.indirect.gather [hbm4b:s4+s14], $0x40, s19, s14, $0xb8;
	[tilespmem:$0x1BD00] =	vst v63  }
0x67: {  	_ =	swait.ge [sflag:s21], $0x2000  }
0x68: {  	[sflag:s21] =	ssyncset.done $0x0  }
0x69: {  	s17 =	simm.s32 $0x9E00;
	[sflag:s21] =	ssyncadd.s32 $0xFFFFE000  }
0x6a: {  	[spmem:s2] =	stream.indirect.scatter.add.bf16 [tilespmem:s15], [sflag:$0x5], $0x40, s17, s14, $0xb8;
	[tilespmem:$0x1BD00] =	vst v63  }
0x6b: {  	_ =	swait.ge [sflag:s22], $0x2000  }
0x6c: {  	[sflag:s22] =	ssyncset.done $0x0  }
0x6d: {  	[sflag:s22] =	ssyncadd.s32 $0xFFFFE000  }
0x6e: {  	[spmem:s2] =	stream.indirect.scatter.add.bf16 [tilespmem:s16], [sflag:$0x6], $0x40, s31, s14, $0xb8;
	[tilespmem:$0x1BD00] =	vst v63  }
0x6f: {  	_ =	swait.ge [sflag:s23], $0x2000  }
0x70: {  	[sflag:s23] =	ssyncset.done $0x0  }
0x71: {  	[sflag:s23] =	ssyncadd.s32 $0xFFFFE000  }
0x72: {  	[spmem:s2] =	stream.indirect.scatter.add.bf16 [tilespmem:s18], [sflag:$0x7], $0x40, s1, s14, $0xb8;
	[tilespmem:$0x1BD00] =	vst v63  }
0x73: {  	_ =	swait.ge [sflag:s24], $0x2000  }
0x74: {  	[sflag:s24] =	ssyncset.done $0x0  }
0x75: {  	[sflag:s24] =	ssyncadd.s32 $0xFFFFE000  }
0x76: {  	[spmem:s2] =	stream.indirect.scatter.add.bf16 [tilespmem:s20], [sflag:$0x8], $0x40, s0, s14, $0xb8;
	[tilespmem:$0x1BD00] =	vst v63  }
0x77: {  	_ =	swait.ge [sflag:s25], $0x2000  }
0x78: {  	[sflag:s25] =	ssyncset.done $0x0  }
0x79: {  	[sflag:s25] =	ssyncadd.s32 $0xFFFFE000  }
0x7a: {  	_ =	swait.ge [sflag:s26], $0x2000  }
0x7b: {  	[sflag:s26] =	ssyncset.done $0x0  }
0x7c: {  	[sflag:s26] =	ssyncadd.s32 $0xFFFFE000  }
0x7d: {  	_ =	swait.ge [sflag:s28], $0x2000  }
0x7e: {  	[sflag:s28] =	ssyncset.done $0x0  }
0x7f: {  	[sflag:s28] =	ssyncadd.s32 $0xFFFFE000  }
0x80: {  	_ =	swait.ge [sflag:s29], $0x2000  }
0x81: {  	s11 =	sadd.s32 $0x1, s11;
	[sflag:s29] =	ssyncset.done $0x0  }
0x82: {  	p0 =	sne.s32 s11, s9;
	[sflag:s29] =	ssyncadd.s32 $0xFFFFE000  }
.Ltmp1:
0x83: {  	[bflag:$0x0] =	sbarrier.arrive $0xFFFF;
	(pc) =	sbr.rel @p0 .LBB2_1-.Ltmp1, $4  }
0x84: {  	[hbm:s8], [sflag:s12] =	dma.local [spmem:s13], $0x13A0  }
0x85: {  	_ =	swait.ge [sflag:s10], $0x13A0  }
0x86: {  	[sflag:s10] =	ssyncset.done $0x0  }
0x87: {  	[sflag:s10] =	ssyncadd.s32 $0xFFFFEC60  }
0x88: {  	_ =	sfence.sel $0x180000  }
0x89: {  	[bflag:$0x0] =	sbarrier.arrive $0xFFFF  }
0x8a: {  	_ =	strace $0x9000004D  }
0x8b: {  	s0 =	stileid.u32;
	[bflag:$0x2] =	sbarrier.arrive $0xFFFF  }
0x8c: {  	p0 =	sne.s32 s0, $0x0;
	s0 =	rddreg [dreg:$0x2]  }
0x8d: {  	s0 =	sadd.s32 @!p0 $0x100000, s0  }
0x8e: {  	[sflag:s0] =	ssyncadd.tile.s32 @!p0 $0x1;
	_ =	shalt  }
.Lfunc_end2:
_tile_overlayer_lowered:
.L_overlay_start_2:
0x8f: {  	(tag) =	ssettag $0x2  }
0x90: {  	s0 =	rddreg [dreg:$0x0];
	s2 =	stileid.u32  }
0x91: {  	s1 =	rddreg [dreg:$0x1];
	p0 =	sne.s32 s2, $0x0  }
0x92: {  	s3 =	rddreg [dreg:$0x2];
	[bflag:$0x3] =	sbarrier.arrive $0xFFFF;
	s2 =	simm.s32 @!p0 $0x1C09  }
0x93: {  	[timem:s3], [sflag:s2] =	dma.local @!p0 [hbm:s0], s1  }
0x94: {  	s0 =	simm.s32 @!p0 $0x9  }
0x95: {  	_ =	swait.ge @!p0 [sflag:s0], s1  }
0x96: {  	s1 =	ssub.s32 @!p0 $0x0, s1;
	[sflag:s0] =	ssyncset.done @!p0 $0x0  }
0x97: {  	[sflag:s0] =	ssyncadd.s32 @!p0 s1  }
0x98: {  	[bflag:$0x3] =	sbarrier.arrive $0xFFFF  }
0x99: {  	_ =	shalt  }

// kernel: kernel.8.cloned.1.call-start
scs
__scs_entry_jumppad:
0x0: {  	(pc) =	sbr.rel $0x88, $3  }
0x1: {  	(tag) =	ssettag $0x0;
	lr =	simm.s32 $0x1  }
0x2: {  	[smem:$0x3F93] =	sst lr;
	_ =	strace $0xD0000000  }
0x3: {  	_ = 	snop  }
0x4: {  	_ = 	snop  }
0x5: {  	_ = 	snop  }
0x6: {  	_ = 	snop  }
0x7: {  	_ = 	snop  }
__scs_overlays_trampoline_lowered:
0x8: {  	[smem:$0x3FA2] =	sst s0  }
0x9: {  	[smem:$0x3FA3] =	sst s1  }
0xa: {  	[smem:$0x3FA4] =	sst s2  }
0xb: {  	[smem:$0x3FA5] =	sst s3  }
0xc: {  	[smem:$0x3FA6] =	sst s4  }
0xd: {  	[smem:$0x3FA7] =	sst s5  }
0xe: {  	[smem:$0x3FA8] =	sst s6  }
0xf: {  	[smem:$0x3FA9] =	sst s7  }
0x10: {  	[smem:$0x3FAA] =	sst s8  }
0x11: {  	[smem:$0x3FAB] =	sst s9;
	s0 =	simm.s32 @!p0 $0x0  }
0x12: {  	s1 =	sld [smem:$0x3F91];
	s0 =	simm.s32 @p0 $0x1  }
0x13: {  	[smem:$0x3FAC] =	sst s0;
	s0 =	simm.s32 @!p1 $0x0  }
0x14: {  	s2 =	sld [smem:$0x3F90];
	s0 =	simm.s32 @p1 $0x1  }
0x15: {  	[smem:$0x3FAD] =	sst s0;
	s0 =	simm.s32 @!p2 $0x0  }
0x16: {  	s3 =	sld [smem:$0x3FDB];
	s0 =	simm.s32 @p2 $0x1  }
0x17: {  	s4 =	simm.s32 $0x1BF5;
	[smem:$0x3FAF] =	sst s0  }
0x18: {  	s0 =	sld [smem:$0x3F92];
	_ =	swait.ge [sflag:s4], $0x0  }
0x19: {  	s7 =	sld [smem:$0x3F93]  }
0x1a: {  	s8 =	sadd.s32 $0xFFFFE003, lr  }
0x1b: {  	s9 =	sadd.s32 $0xFFFFFEF7, lr;
	s5 =	simm.s32 $0xFFFFFFFF;
	p2 =	slt.u32 s8, $0xFFFFF086  }
0x1c: {  	p1 =	slt.u32 s9, $0xF7A;
	s5 =	simm.s32 @!p2 $0x0  }
0x1d: {  	s5 =	simm.s32 @p1 $0x1;
	p0 =	seq.s32 s7, s2  }
0x1e: {  	s7 =	smul.u32 @!p0 $0xF7A, s2;
	p2 =	seq.s32 @!p0 s5, $0x0  }
0x1f: {  	s9 =	smul.u32 $0xF7A, s1;
	s8 =	simm.s32 @!p0 $0x1BF5;
	p2 =	por !p2, p0  }
0x20: {  	[sflag:s8] =	ssyncset.s32 @!p0 $0xFFFFF086;
	s6 =	sadd.s32 @!p0 s3, s7;
	s7 =	simm.s32 @!p0 $0x108  }
0x21: {  	s3 =	sadd.s32 s3, s9;
	s6 =	sadd.s32 @!p0 $0x88, s6;
	s7 =	simm.s32 @p2 $0x1082  }
0x22: {  	[simem:s7], [sflag:s8] =	dma.local @!p0 [hbm:s6], $0xF7A  }
0x23: {  	s9 =	sor.u32 $0xD0000000, s2;
	s6 =	simm.s32 $0x108;
	_ =	swait.ge @!p0 [sflag:s8], $0x0  }
0x24: {  	s3 =	sadd.s32 $0x88, s3;
	s6 =	simm.s32 @!p1 $0x1082;
	[sflag:s4] =	ssyncset.s32 $0xFFFFF086  }
0x25: {  	[simem:s6], [sflag:s4] =	dma.local [hbm:s3], $0xF7A  }
0x26: {  	[smem:$0x3F93] =	sst s1;
	(tag) =	ssettag s2;
	_ =	strace s9  }
0x27: {  	s1 =	sld [smem:$0x3FA3]  }
0x28: {  	s2 =	sld [smem:$0x3FA4]  }
0x29: {  	s4 =	sld [smem:$0x3FA6]  }
0x2a: {  	p0 =	seq.s32 s5, $0x0;
	s5 =	sld [smem:$0x3FA7]  }
0x2b: {  	s6 =	sld [smem:$0x3FA8]  }
0x2c: {  	s7 =	sld [smem:$0x3FA9]  }
0x2d: {  	s3 =	simm.s32 $0x108;
	s8 =	sld [smem:$0x3FAA]  }
0x2e: {  	s3 =	simm.s32 @!p0 $0x1082;
	s9 =	sld [smem:$0x3FAB]  }
0x2f: {  	lr =	sadd.s32 s0, s3;
	s0 =	sld [smem:$0x3FA2]  }
0x30: {  	s3 =	sld [smem:$0x3FA5]  }
0x31: {  	[smem:$0x3FAE] =	sst s10  }
0x32: {  	s10 =	sld [smem:$0x3FAC];
	_ =	sdelay $0x3  }
0x33: {  	p0 =	seq.s32 s10, $0x1;
	s10 =	sld [smem:$0x3FAE];
	_ =	sdelay $0x3  }
0x34: {  	[smem:$0x3FAE] =	sst s10  }
0x35: {  	s10 =	sld [smem:$0x3FAD];
	_ =	sdelay $0x3  }
0x36: {  	p1 =	seq.s32 s10, $0x1;
	s10 =	sld [smem:$0x3FAE];
	_ =	sdelay $0x3  }
0x37: {  	[smem:$0x3FAE] =	sst s10  }
0x38: {  	s10 =	sld [smem:$0x3FAF]  }
0x39: {  	_ = 	snop;
	(pc) =	sbr.ind lr, $3  }
0x3a: {  	_ = 	snop  }
0x3b: {  	_ = 	snop  }
0x3c: {  	p2 =	seq.s32 s10, $0x1;
	s10 =	sld [smem:$0x3FAE]  }
0x3d: {  	_ =	shalt  }
0x3e: {  	_ =	shalt  }
0x3f: {  	_ =	shalt  }
0x40: {  	_ =	shalt  }
0x41: {  	_ =	shalt  }
0x42: {  	_ =	shalt  }
0x43: {  	_ =	shalt  }
0x44: {  	_ =	shalt  }
0x45: {  	_ =	shalt  }
0x46: {  	_ =	shalt  }
0x47: {  	_ =	shalt  }
0x48: {  	_ =	shalt  }
0x49: {  	_ =	shalt  }
0x4a: {  	_ =	shalt  }
0x4b: {  	_ =	shalt  }
0x4c: {  	_ =	shalt  }
0x4d: {  	_ =	shalt  }
0x4e: {  	_ =	shalt  }
0x4f: {  	_ =	shalt  }
0x50: {  	_ =	shalt  }
0x51: {  	_ =	shalt  }
0x52: {  	_ =	shalt  }
0x53: {  	_ =	shalt  }
0x54: {  	_ =	shalt  }
0x55: {  	_ =	shalt  }
0x56: {  	_ =	shalt  }
0x57: {  	_ =	shalt  }
0x58: {  	_ =	shalt  }
0x59: {  	_ =	shalt  }
0x5a: {  	_ =	shalt  }
0x5b: {  	_ =	shalt  }
0x5c: {  	_ =	shalt  }
0x5d: {  	_ =	shalt  }
0x5e: {  	_ =	shalt  }
0x5f: {  	_ =	shalt  }
0x60: {  	_ =	shalt  }
0x61: {  	_ =	shalt  }
0x62: {  	_ =	shalt  }
0x63: {  	_ =	shalt  }
0x64: {  	_ =	shalt  }
0x65: {  	_ =	shalt  }
0x66: {  	_ =	shalt  }
0x67: {  	_ =	shalt  }
0x68: {  	_ =	shalt  }
0x69: {  	_ =	shalt  }
0x6a: {  	_ =	shalt  }
0x6b: {  	_ =	shalt  }
0x6c: {  	_ =	shalt  }
0x6d: {  	_ =	shalt  }
0x6e: {  	_ =	shalt  }
0x6f: {  	_ =	shalt  }
0x70: {  	_ =	shalt  }
0x71: {  	_ =	shalt  }
0x72: {  	_ =	shalt  }
0x73: {  	_ =	shalt  }
0x74: {  	_ =	shalt  }
0x75: {  	_ =	shalt  }
0x76: {  	_ =	shalt  }
0x77: {  	_ =	shalt  }
0x78: {  	_ =	shalt  }
0x79: {  	_ =	shalt  }
0x7a: {  	_ =	shalt  }
0x7b: {  	_ =	shalt  }
0x7c: {  	_ =	shalt  }
0x7d: {  	_ =	shalt  }
0x7e: {  	_ =	shalt  }
0x7f: {  	_ =	shalt  }
0x80: {  	_ =	shalt  }
0x81: {  	_ =	shalt  }
0x82: {  	_ =	shalt  }
0x83: {  	_ =	shalt  }
0x84: {  	_ =	shalt  }
0x85: {  	_ =	shalt  }
0x86: {  	_ =	shalt  }
0x87: {  	_ =	shalt  }
.Lfunc_end0:
.L_simem_size_0:
called_computation_lowered:
.L_overlay_start_0:
0x88: {  	s2 =	sld [smem:$0x3FD9]  }
0x89: {  	s3 =	sld [smem:$0x3FFE];
	_ =	sdelay $0x1  }
0x8a: {  	s1 =	srdreg.scid  }
0x8b: {  	s0 =	sand.u32 $0x1, s1  }
0x8c: {  	s16 =	sshll.u32 s0, $0xA;
	s2 =	sadd.s32 s3, s2  }
0x8d: {  	s2 =	sadd.s32 s2, s16  }
0x8e: {  	[smem:$0x3FBA] =	sst s2  }
0x8f: {  	_ = 	snop  }
0x90: {  	(tm) =	ssettm $0x1  }
0x91: {  	s17 =	sld [smem:$0x3FFB];
	_ =	sdelay $0x3  }
0x92: {  	_ =	strace s17  }
0x93: {  	s2 =	sld [smem:$0x3FFC];
	_ =	sdelay $0x3  }
0x94: {  	_ =	strace s2  }
0x95: {  	s2 =	sld [smem:$0x3FFD];
	_ =	sdelay $0x3  }
0x96: {  	_ =	strace s2  }
0x97: {  	_ =	strace $0x8FFFFFFF  }
0x98: {  	s18 =	sld [smem:$0x3FDB];
	_ =	sdelay $0x1  }
0x99: {  	s19 =	simm.s32 $_scs_section_size  }
0x9a: {  	s4 =	simm.s32 $_size__tile_overlayer_lowered;
	s5 =	simm.s32 $_tile_overlayer_lowered  }
0x9b: {  	s22 =	simm.s32 $0x1BFF;
	s21 =	sshll.u32 s5, $0x1;
	s2 =	sadd.s32 s19, s18  }
0x9c: {  	s6 =	simm.s32 $0x0;
	s20 =	sshll.u32 s4, $0x1;
	s4 =	sadd.s32 s21, s2  }
0x9d: {  	[timem:s6], [sflag:s22] =	dma.local [hbm:s4], s20  }
0x9e: {  	_ =	swait.ge [sflag:s22], s20  }
0x9f: {  	s3 =	ssub.s32 $0x0, s20;
	[sflag:s22] =	ssyncset.done $0x0  }
0xa0: {  	[sflag:s22] =	ssyncadd.s32 s3;
	_ =	sdelay $0x1  }
0xa1: {  	s23 =	simm.s32 $0x1B8B  }
0xa2: {  	_ =	swait.ge [sflag:s23], $0x1  }
0xa3: {  	[sflag:s23] =	ssyncset.done $0x0  }
0xa4: {  	s25 =	simm.s32 $0x1B8E;
	s24 =	sld [smem:$0x3FFE];
	[sflag:s23] =	ssyncadd.s32 $0xFFFFFFFF  }
0xa5: {  	s26 =	simm.s32 $execute0_lowered;
	[smem:$0x3FD2] =	sst s25  }
0xa6: {  	s4 =	sshll.u32 s26, $0x1;
	_ =	strace $0x80000046;
	[dreg:$0x1] =	wrdreg $0xFFFFFFFF  }
0xa7: {  	s28 =	simm.s32 $_size_execute0_lowered;
	s2 =	sadd.s32 s2, s4;
	[dreg:$0x0] =	wrdreg $0x0  }
0xa8: {  	s4 =	sshll.u32 s28, $0x1;
	[dreg:$0x2] =	wrdreg s2  }
0xa9: {  	[dreg:$0x3] =	wrdreg s4  }
0xaa: {  	[dreg:$0x4] =	wrdreg $0xC0  }
0xab: {  	_ =	task [dreg:s6], $0x5FFFF  }
0xac: {  	[dreg:$0x1] =	wrdreg $0xFFFFFFFF  }
0xad: {  	[dreg:$0x0] =	wrdreg $0x60  }
0xae: {  	[dreg:$0x2] =	wrdreg s24  }
0xaf: {  	[dreg:$0x3] =	wrdreg $0xB0000  }
0xb0: {  	[dreg:$0x4] =	wrdreg $0x9  }
0xb1: {  	_ =	task.clear_ibuf [dreg:s6], $0x5FFFF;
	_ =	strace $0x90000046  }
0xb2: {  	s29 =	simm.s32 $0x9;
	_ =	strace $0x80000048  }
0xb3: {  	_ =	swait.ge [sflag:s29], $0x1  }
0xb4: {  	[sflag:s29] =	ssyncadd.s32 $0xFFFFFFFF  }
0xb5: {  	_ =	strace $0x90000048  }
0xb6: {  	_ =	sfence  }
0xb7: {  	s30 =	sld [smem:$0x0];
	_ =	sdelay $0x2  }
0xb8: {  	s31 =	sshll.u32 s1, $0xD;
	s1 =	sshrl.u32 s1, $0x2  }
0xb9: {  	s3 =	sand.u32 $0x4000, s31;
	s1 =	sadd.s32 s1, s30  }
0xba: {  	s0 =	sor.u32 s3, s0;
	s1 =	sshll.u32 s1, $0x11  }
0xbb: {  	s0 =	sor.u32 s1, s0  }
0xbc: {  	s0 =	sadd.s32 $0x8F2B, s0  }
0xbd: {  	[sflag:s0] =	ssyncadd.remote.s32 $0x1  }
0xbe: {  	_ =	sfence.sel $0xFFFF  }
0xbf: {  	[dreg:$0x0] =	wrdreg $0xFFFFFFFF;
	(pc) =	sbr.abs _section_cstart, $3  }
0xc0: {  	[dreg:$0x1] =	wrdreg $0xFFFFFFFF  }
0xc1: {  	_ =	task.clear_ibuf [dreg:s6], $0x2FFFF;
	_ =	strace $0x9FFFFFFF  }
0xc2: {  	(tm) =	ssettm $0x7FFFFFFF  }
0xc3: {  	_ =	shalt  }
tec
execute0_lowered:
.L_overlay_start_1:
0x0: {  	(tag) =	ssettag $0x1  }
0x1: {  	s7 =	rddreg [dreg:$0x0]  }
0x2: {  	s2 =	rddreg [dreg:$0x1]  }
0x3: {  	s0 =	srdreg.scid;
	s1 =	rddreg [dreg:$0x2]  }
0x4: {  	s3 =	simm.s32 $0x0;
	s13 =	simm.s32 $0xA000;
	s14 =	simm.s32 $0xA800  }
0x5: {  	s17 =	simm.s32 $0x80;
	s18 =	simm.s32 $0x5080;
	s19 =	simm.s32 $0x100  }
0x6: {  	s20 =	simm.s32 $0x5100;
	s21 =	simm.s32 $0x180;
	s5 =	sand.u32 $0x1, s0  }
0x7: {  	s22 =	simm.s32 $0x5180;
	s0 =	stileid.u32;
	s4 =	smul.u32 $0x50000, s5  }
0x8: {  	s23 =	simm.s32 $0x1;
	s24 =	simm.s32 $0x2;
	s6 =	smul.u32 $0x5000, s0  }
0x9: {  	s25 =	simm.s32 $0x0;
	[smem:$0x7FF] =	sst s3;
	s9 =	smul.u32 $0x2740, s0  }
0xa: {  	s31 =	smul.u32 $0x27400, s5;
	_ =	strace $0x80000047;
	s10 =	ssub.s32 $0x2, s5  }
0xb: {  	s5 =	sadd.s32 $0x1200, s7;
	s15 =	sshll.u32 s0, $0x6;
	s12 =	sshrl.u32 s10, $0x1  }
0xc: {  	s15 =	sor.u32 $0x1C03, s15;
	s4 =	sadd.s32 s6, s4;
	s6 =	sadd.s32 s9, s31  }
0xd: {  	s10 =	ssub.s32 s10, s12;
	s16 =	sadd.s32 s9, s2;
	s12 =	simm.s32 $0x5000  }
0xe: {  	s4 =	sshrl.u32 s4, $0x3;
	s11 =	sshrl.u32 s6, $0x3;
	s6 =	sadd.s32 $0x1000, s7  }
0xf: {  	s10 =	smax.u32 s10, $0x1;
	s16 =	sshrl.u32 s16, $0x3;
	s8 =	sadd.s32 s4, s7  }
0x10: {  	s4 =	sadd.s32 $0x29400, s7;
	s11 =	sadd.s32 s11, s7;
	s7 =	sadd.s32 $0x1400, s8  }
0x11: {  	s8 =	sadd.s32 $0x15400, s8;
	s9 =	sadd.s32 $0x29A00, s11;
	s11 =	simm.s32 $0x3  }
.LBB2_1:
0x12: {  	[tilespmem:s3], [sflag:$0x3] =	stream.linear.gather [hbm4b:s7+s3], $0x5000, $0x38;
	[tilespmem:$0xD740] =	vst v63  }
0x13: {  	_ =	swait.ge [sflag:s11], $0x5000  }
0x14: {  	[sflag:s11] =	ssyncset.done $0x0  }
0x15: {  	[sflag:s11] =	ssyncadd.s32 $0xFFFFB000  }
0x16: {  	[tilespmem:s12], [sflag:$0x3] =	stream.linear.gather [hbm4b:s8+s3], $0x5000, $0x38;
	[tilespmem:$0xD740] =	vst v63  }
0x17: {  	_ =	swait.ge [sflag:s11], $0x5000  }
0x18: {  	[sflag:s11] =	ssyncset.done $0x0  }
0x19: {  	[sflag:s11] =	ssyncadd.s32 $0xFFFFB000  }
0x1a: {  	[tilespmem:s13], [sflag:$0x3] =	stream.linear.gather [hbm4b:s5+s3], $0x800, $0x38;
	[tilespmem:$0xD740] =	vst v63  }
0x1b: {  	_ =	swait.ge [sflag:s11], $0x800  }
0x1c: {  	[sflag:s11] =	ssyncset.done $0x0  }
0x1d: {  	[sflag:s11] =	ssyncadd.s32 $0xFFFFF800  }
0x1e: {  	[tilespmem:s14], [sflag:$0x3] =	stream.linear.gather [hbm4b:s6+s3], $0x800, $0x38;
	[tilespmem:$0xD740] =	vst v63  }
0x1f: {  	_ =	swait.ge [sflag:s11], $0x800  }
0x20: {  	[sflag:s11] =	ssyncset.done $0x0  }
0x21: {  	[sflag:s11] =	ssyncadd.s32 $0xFFFFF800  }
0x22: {  	[spmem:s16], [sflag:s15] =	dma.local [hbm:s4], $0x4E8  }
0x23: {  	_ =	swait.ge [sflag:s11], $0x4E8  }
0x24: {  	[sflag:s11] =	ssyncset.done $0x0  }
0x25: {  	[sflag:s11] =	ssyncadd.s32 $0xFFFFFB18  }
0x26: {  	[bflag:$0x0] =	sbarrier.arrive $0xFFFF  }
0x27: {  	[spmem:s2] =	stream.indirect.scatter.add.f32 [tilespmem:s13], [sflag:$0x1], $0x10, s3, s17, $0xb8;
	[tilespmem:$0xD740] =	vst v63  }
0x28: {  	_ = 	snop  }
0x29: {  	[spmem:s2] =	stream.indirect.scatter.add.f32 [tilespmem:s14], [sflag:$0x2], $0x10, s12, s17, $0xb8;
	[tilespmem:$0xD740] =	vst v63  }
0x2a: {  	_ = 	snop  }
0x2b: {  	[spmem:s2] =	stream.indirect.scatter.add.f32 [tilespmem:s13], [sflag:$0x1], $0x10, s17, s17, $0xb8;
	[tilespmem:$0xD740] =	vst v63  }
0x2c: {  	_ = 	snop  }
0x2d: {  	[spmem:s2] =	stream.indirect.scatter.add.f32 [tilespmem:s14], [sflag:$0x2], $0x10, s18, s17, $0xb8;
	[tilespmem:$0xD740] =	vst v63  }
0x2e: {  	_ = 	snop  }
0x2f: {  	[spmem:s2] =	stream.indirect.scatter.add.f32 [tilespmem:s13], [sflag:$0x1], $0x10, s19, s17, $0xb8;
	[tilespmem:$0xD740] =	vst v63  }
0x30: {  	_ = 	snop  }
0x31: {  	[spmem:s2] =	stream.indirect.scatter.add.f32 [tilespmem:s14], [sflag:$0x2], $0x10, s20, s17, $0xb8;
	[tilespmem:$0xD740] =	vst v63  }
0x32: {  	_ = 	snop  }
0x33: {  	[spmem:s2] =	stream.indirect.scatter.add.f32 [tilespmem:s13], [sflag:$0x1], $0x10, s21, s17, $0xb8;
	[tilespmem:$0xD740] =	vst v63  }
0x34: {  	_ = 	snop  }
0x35: {  	[spmem:s2] =	stream.indirect.scatter.add.f32 [tilespmem:s14], [sflag:$0x2], $0x10, s22, s17, $0xb8;
	[tilespmem:$0xD740] =	vst v63  }
0x36: {  	_ =	swait.ge [sflag:s23], $0x800  }
0x37: {  	[sflag:s23] =	ssyncset.done $0x0  }
0x38: {  	[sflag:s23] =	ssyncadd.s32 $0xFFFFF800  }
0x39: {  	_ =	swait.ge [sflag:s24], $0x800  }
0x3a: {  	[sflag:s24] =	ssyncset.done $0x0  }
0x3b: {  	s26 =	simm.s32 $0x200;
	[sflag:s24] =	ssyncadd.s32 $0xFFFFF800  }
0x3c: {  	[spmem:s2] =	stream.indirect.scatter.add.f32 [tilespmem:s13], [sflag:$0x1], $0x10, s26, s17, $0xb8;
	[tilespmem:$0xD740] =	vst v63  }
0x3d: {  	s28 =	simm.s32 $0x5200;
	s26 =	simm.s32 $0xA00  }
.LBB2_2:
0x3e: {  	[spmem:s2] =	stream.indirect.scatter.add.f32 [tilespmem:s14], [sflag:$0x2], $0x10, s28, s17, $0xb8;
	[tilespmem:$0xD740] =	vst v63  }
0x3f: {  	s28 =	smov.u32 s26  }
0x40: {  	p0 =	sne.s32 s26, $0x13E00;
	s26 =	sadd.s32 $0x200, s26;
	_ =	swait.ge [sflag:s23], $0x800  }
0x41: {  	[sflag:s23] =	ssyncset.done $0x0  }
0x42: {  	[sflag:s23] =	ssyncadd.s32 $0xFFFFF800  }
.Ltmp0:
0x43: {  	_ =	swait.ge [sflag:s24], $0x800;
	(pc) =	sbr.rel @p0 .LBB2_2-.Ltmp0, $4  }
0x44: {  	[sflag:s24] =	ssyncset.done $0x0  }
0x45: {  	s28 =	sshra.s32 s28, $0x2;
	[sflag:s24] =	ssyncadd.s32 $0xFFFFF800  }
0x46: {  	[spmem:s2] =	stream.indirect.scatter.add.f32 [tilespmem:s13], [sflag:$0x1], $0x10, s28, s17, $0xb8;
	[tilespmem:$0xD740] =	vst v63  }
0x47: {  	s28 =	sadd.s32 $0x5000, s28  }
0x48: {  	[spmem:s2] =	stream.indirect.scatter.add.f32 [tilespmem:s14], [sflag:$0x2], $0x10, s28, s17, $0xb8;
	[tilespmem:$0xD740] =	vst v63  }
0x49: {  	_ =	swait.ge [sflag:s23], $0x800  }
0x4a: {  	[sflag:s23] =	ssyncset.done $0x0  }
0x4b: {  	[sflag:s23] =	ssyncadd.s32 $0xFFFFF800  }
0x4c: {  	_ =	swait.ge [sflag:s24], $0x800  }
0x4d: {  	[sflag:s24] =	ssyncset.done $0x0  }
0x4e: {  	[sflag:s24] =	ssyncadd.s32 $0xFFFFF800  }
0x4f: {  	_ =	swait.ge [sflag:s23], $0x800  }
0x50: {  	[sflag:s23] =	ssyncset.done $0x0  }
0x51: {  	[sflag:s23] =	ssyncadd.s32 $0xFFFFF800  }
0x52: {  	_ =	swait.ge [sflag:s24], $0x800  }
0x53: {  	[sflag:s24] =	ssyncset.done $0x0  }
0x54: {  	[sflag:s24] =	ssyncadd.s32 $0xFFFFF800  }
0x55: {  	_ =	swait.ge [sflag:s23], $0x800  }
0x56: {  	[sflag:s23] =	ssyncset.done $0x0  }
0x57: {  	[sflag:s23] =	ssyncadd.s32 $0xFFFFF800  }
0x58: {  	_ =	swait.ge [sflag:s24], $0x800  }
0x59: {  	[sflag:s24] =	ssyncset.done $0x0  }
0x5a: {  	[sflag:s24] =	ssyncadd.s32 $0xFFFFF800  }
0x5b: {  	_ =	swait.ge [sflag:s23], $0x800  }
0x5c: {  	[sflag:s23] =	ssyncset.done $0x0  }
0x5d: {  	[sflag:s23] =	ssyncadd.s32 $0xFFFFF800  }
0x5e: {  	_ =	swait.ge [sflag:s24], $0x800  }
0x5f: {  	s25 =	sadd.s32 $0x1, s25;
	[sflag:s24] =	ssyncset.done $0x0  }
0x60: {  	p0 =	sne.s32 s25, s10;
	[sflag:s24] =	ssyncadd.s32 $0xFFFFF800  }
.Ltmp1:
0x61: {  	[bflag:$0x0] =	sbarrier.arrive $0xFFFF;
	(pc) =	sbr.rel @p0 .LBB2_1-.Ltmp1, $4  }
0x62: {  	[hbm:s9], [sflag:s15] =	dma.local [spmem:s16], $0x4E8  }
0x63: {  	_ =	swait.ge [sflag:s11], $0x4E8  }
0x64: {  	[sflag:s11] =	ssyncset.done $0x0  }
0x65: {  	[sflag:s11] =	ssyncadd.s32 $0xFFFFFB18  }
0x66: {  	_ =	sfence.sel $0x180000  }
0x67: {  	[bflag:$0x0] =	sbarrier.arrive $0xFFFF  }
0x68: {  	p0 =	sne.s32 s0, $0x0;
	_ =	strace $0x90000047  }
0x69: {  	s0 =	sadd.s32 @!p0 $0x100000, s1;
	[bflag:$0x2] =	sbarrier.arrive $0xFFFF  }
0x6a: {  	[sflag:s0] =	ssyncadd.tile.s32 @!p0 $0x1;
	_ =	shalt  }
.Lfunc_end2:
_tile_overlayer_lowered:
.L_overlay_start_2:
0x6b: {  	(tag) =	ssettag $0x2  }
0x6c: {  	s0 =	rddreg [dreg:$0x0];
	s2 =	stileid.u32  }
0x6d: {  	s1 =	rddreg [dreg:$0x1];
	p0 =	sne.s32 s2, $0x0  }
0x6e: {  	s3 =	rddreg [dreg:$0x2];
	[bflag:$0x3] =	sbarrier.arrive $0xFFFF;
	s2 =	simm.s32 @!p0 $0x1C03  }
0x6f: {  	[timem:s3], [sflag:s2] =	dma.local @!p0 [hbm:s0], s1  }
0x70: {  	s0 =	simm.s32 @!p0 $0x3  }
0x71: {  	_ =	swait.ge @!p0 [sflag:s0], s1  }
0x72: {  	s1 =	ssub.s32 @!p0 $0x0, s1;
	[sflag:s0] =	ssyncset.done @!p0 $0x0  }
0x73: {  	[sflag:s0] =	ssyncadd.s32 @!p0 s1  }
0x74: {  	[bflag:$0x3] =	sbarrier.arrive $0xFFFF  }
0x75: {  	_ =	shalt  }

</sc_bundles>
